<compile_context>
chip_gen: v7x
topology: tpu7x:2x2x1
jax: 0.10.2.dev20260603
libtpu: 0.0.44.dev20260713+nightly
codegen_flags: <defaults>
</compile_context>

<pallas_src>
import functools

import jax
import jax.numpy as jnp
from jax import lax
from jax.experimental import pallas as pl
from jax.experimental.pallas import tpu as pltpu
from jax.experimental.pallas import tpu_sc as plsc

_SCALING = 1.0

_NC = 2
_NS = 16
_NW = _NC * _NS

_SB = 16384


def _tc_prep(V, D, R):
  pad = 128 - D - 2 * R
  n_blk = (V + _SB - 1) // _SB
  hb = _SB // 2

  def pack(wT_ref, a_ref):
    w = wT_ref[...].T
    a = a_ref[...].T
    lo = w.astype(jnp.bfloat16)
    hi = jnp.concatenate(
        [(a * _SCALING).astype(jnp.bfloat16),
         jnp.zeros((hb, D - R), jnp.bfloat16)], axis=1)
    lo_u = lax.bitcast_convert_type(lo, jnp.uint16).astype(jnp.uint32)
    hi_u = lax.bitcast_convert_type(hi, jnp.uint16).astype(jnp.uint32)
    return lax.bitcast_convert_type(lo_u | (hi_u << 16), jnp.int32)

  def body(wT1_ref, a1_ref, wT2_ref, a2_ref, t_ref):
    t_ref[...] = jnp.concatenate(
        [pack(wT1_ref, a1_ref), pack(wT2_ref, a2_ref)], axis=1)

  return pl.pallas_call(
      body,
      grid=(n_blk,),
      in_specs=[
          pl.BlockSpec((D, hb), lambda i: (0, 2 * i)),
          pl.BlockSpec((R, hb), lambda i: (0, 2 * i)),
          pl.BlockSpec((D, hb), lambda i: (0, jnp.minimum(2 * i + 1, V // hb))),
          pl.BlockSpec((R, hb), lambda i: (0, jnp.minimum(2 * i + 1, V // hb))),
      ],
      out_specs=pl.BlockSpec((hb, 128), lambda i: (i, 0)),
      out_shape=jax.ShapeDtypeStruct((n_blk * hb, 128), jnp.int32),
  ), n_blk * _SB


def _sc_gather(n_tok, Vp, chunk):
  tpw = n_tok // _NW
  n_chunks = tpw // chunk
  nsub = chunk // 128
  mesh = plsc.VectorSubcoreMesh(core_axis_name="c", subcore_axis_name="s")

  @functools.partial(
      pl.kernel,
      mesh=mesh,
      compiler_params=pltpu.CompilerParams(use_tc_tiling_on_sc=False),
      out_type=jax.ShapeDtypeStruct((n_tok, 64), jnp.int32),
      scratch_types=[
          pltpu.VMEM((nsub, 128), jnp.int32),
          pltpu.VMEM((nsub, 128), jnp.int32),
          pltpu.VMEM((chunk, 64), jnp.int32),
          pltpu.SemaphoreType.DMA,
      ],
  )
  def k(xf_hbm, t_hbm, g_hbm, idx_v, idx2_v, rows_v, sem):
    wid = lax.axis_index("s") * _NC + lax.axis_index("c")
    start = wid * tpw

    def body(ci, carry):
      off = start + ci * chunk
      pltpu.sync_copy(xf_hbm.at[pl.ds(off // 128, nsub)], idx_v)
      for j in range(nsub):
        for kk in range(8):
          sl = pl.ds(kk * 16, 16)
          v = idx_v[j, sl]
          idx2_v[j, sl] = (
              (v >> 14) << 14
          ) + ((v & 8191) << 1) + ((v >> 13) & 1)
      cps = [
          pltpu.async_copy(
              t_hbm.at[idx2_v.at[j]],
              rows_v.at[pl.ds(j * 128, 128)],
              sem,
          )
          for j in range(nsub)
      ]
      for cp in cps:
        cp.wait()
      pltpu.sync_copy(rows_v, g_hbm.at[pl.ds(off, chunk)])
      return carry

    lax.fori_loop(0, n_chunks, body, 0)

  return k


def _tc_combine(n_tok, L, D, bc):
  B = n_tok // L
  nb = B // bc
  hc = bc // 2

  def body(g_ref, mlo_ref, mhi_ref, out_ref):
    dims = (((1,), (1,)), ((), ()))
    for t in range(2):
      gu = lax.bitcast_convert_type(
          g_ref[pl.ds(t * hc, hc), :], jnp.uint32)
      lo = lax.bitcast_convert_type(
          (gu & 0xFFFF).astype(jnp.uint16), jnp.bfloat16)
      hi = lax.bitcast_convert_type(
          (gu >> 16).astype(jnp.uint16), jnp.bfloat16)
      out_ref[pl.ds(t * D, D), :hc] = lax.dot_general(
          mlo_ref[...], lo[:, :64], dims, preferred_element_type=jnp.float32
      ) + lax.dot_general(
          mhi_ref[...], hi[:, :64], dims, preferred_element_type=jnp.float32)
      out_ref[pl.ds(t * D, D), hc:] = lax.dot_general(
          mlo_ref[...], lo[:, 64:], dims, preferred_element_type=jnp.float32
      ) + lax.dot_general(
          mhi_ref[...], hi[:, 64:], dims, preferred_element_type=jnp.float32)

  return pl.pallas_call(
      body,
      grid=(L // 2,),
      in_specs=[
          pl.BlockSpec((2 * hc, 128), lambda i: (i, 0)),
          pl.BlockSpec((D, D), lambda i: (0, 0)),
          pl.BlockSpec((D, D), lambda i: (0, 0)),
      ],
      out_specs=pl.BlockSpec((2 * D, bc), lambda i: (i, 0)),
      out_shape=jax.ShapeDtypeStruct((L * D, B), jnp.float32),
  )


@jax.jit
def kernel(x, weight, lora_a, lora_b):
  B, L = x.shape
  V, D = weight.shape
  R = lora_a.shape[0]
  n_tok = B * L
  bc = 4096
  hc = bc // 2

  prep, Vp = _tc_prep(V, D, R)
  wT = weight.T
  table = prep(wT, lora_a, wT, lora_a)
  t64 = table.reshape(Vp, 64)

  xp = (x.T.astype(jnp.int32)
        .reshape(L, B // bc, 2, hc)
        .transpose(0, 1, 3, 2)
        .reshape(n_tok // 128, 128))
  g = _sc_gather(n_tok, Vp, chunk=1280)(xp, t64)
  g2 = g.reshape(n_tok // 2, 128)

  mlo = jnp.eye(D, dtype=jnp.bfloat16)
  mhi = jnp.concatenate(
      [lora_b, jnp.zeros((D, D - R), jnp.float32)], axis=1).astype(jnp.bfloat16)
  out2 = _tc_combine(n_tok, L, D, bc=bc)(g2, mlo, mhi)
  return out2.reshape(L, D, B).transpose(2, 0, 1)

# --- scband reference (transcript-rebuilt; emitter-appended) ---
"""Pipeline reference for scband-lora-embedding-24421184045763 (READ-ONLY COPY).

The authoritative reference and input builder live on the scoring server;
editing this copy changes nothing except your own understanding.
"""

import jax, jax.numpy as jnp
import numpy as np

V = 1000000
D = 64
R = 16
B = 4096
L = 50
LORA_ALPHA = 16.0
SCALING = LORA_ALPHA / R  # 1.0


def setup_inputs(seed: int = 0) -> dict:
    key = jax.random.key(seed)
    k1, k2, k3, k4 = jax.random.split(key, 4)
    x = jax.random.randint(k1, (B, L), 0, V, dtype=jnp.int64) if jax.config.jax_enable_x64 else jax.random.randint(k1, (B, L), 0, V, dtype=jnp.int32)
    weight = jax.random.normal(k2, (V, D), dtype=jnp.float32)
    # torch init zeros lora_a; use small random values so the LoRA path is numerically exercised
    lora_a = jax.random.normal(k3, (R, V), dtype=jnp.float32) * 0.02
    lora_b = jax.random.normal(k4, (D, R), dtype=jnp.float32)
    return {"x": x, "weight": weight, "lora_a": lora_a, "lora_b": lora_b}


def reference(x, weight, lora_a, lora_b):
    # base embedding lookup: F.embedding(x, weight)
    result = jnp.take(weight, x, axis=0)  # [B, L, D]
    # after_a = F.embedding(x, lora_a.T) -> gather rows of lora_a^T, i.e. columns of lora_a
    after_a = jnp.take(lora_a.T, x, axis=0)  # [B, L, R]
    # result += after_a @ lora_b.T * scaling
    result = result + (after_a @ lora_b.T) * SCALING
    return result

if __name__ == "__main__":
    import jax
    _d = setup_inputs()
    print(jax.jit(kernel)(*tuple(_d.values())))

</pallas_src>

<mosaic_0001>
#map = affine_map<(d0, d1) -> (0, 0)>
module attributes {stable_mosaic.version = 14 : i64} {
  func.func @k(%arg0: i32, %arg1: i32, %arg2: memref<1600x128xi32, #tpu.memory_space<hbm>>, %arg3: memref<1015808x64xi32, #tpu.memory_space<hbm>>, %arg4: memref<204800x64xi32, #tpu.memory_space<hbm>>, %arg5: memref<10x128xi32, #tpu.memory_space<vmem>>, %arg6: memref<10x128xi32, #tpu.memory_space<vmem>>, %arg7: memref<1280x64xi32, #tpu.memory_space<vmem>>, %arg8: memref<!tpu.dma_semaphore, #tpu.memory_space<semaphore_mem>>) attributes {dimension_semantics = [#tpu.dimension_semantics<core_parallel>, #tpu.dimension_semantics<subcore_parallel>], iteration_bounds = array<i64: 2, 16>, scalar_prefetch = 0 : i64, scratch_operands = 4 : i64, tpu.core_type = #tpu.core_type<sc_vector_subcore>, window_params = [{transform_indices = #map}, {transform_indices = #map}, {transform_indices = #map}]} {
    %mul3A = arith.constant 2 : i32
    %mul3A_0 = arith.muli %arg1, %mul3A : i32
    %add3A = arith.addi %mul3A_0, %arg0 : i32
    %mul3A_1 = arith.constant 6400 : i32
    %mul3A_2 = arith.muli %add3A, %mul3A_1 : i32
    %scan3A = arith.constant 0 : i32
    %scan3A_3 = arith.constant 0 : i32
    %scan3A_4 = arith.constant 5 : i32
    %scan3A_5 = arith.addi %scan3A_3, %scan3A_4 : i32
    %scan3A_6 = arith.constant 1 : i32
    scf.for %scan3A_8 = %scan3A_3 to %scan3A_5 step %scan3A_6  : i32 {
      %mul3A_9 = arith.constant 1280 : i32
      %mul3A_10 = arith.muli %scan3A_8, %mul3A_9 : i32
      %add3A_11 = arith.addi %mul3A_2, %mul3A_10 : i32
      %jit3A = arith.constant 128 : i32
      %div3A = arith.divsi %add3A_11, %jit3A : i32
      %sign3A = arith.constant 0 : i32
      %sign3A_12 = arith.cmpi sgt, %add3A_11, %sign3A : i32
      %sign3A_13 = arith.extui %sign3A_12 : i1 to i32
      %sign3A_14 = arith.constant 0 : i32
      %sign3A_15 = arith.cmpi slt, %add3A_11, %sign3A_14 : i32
      %sign3A_16 = arith.extui %sign3A_15 : i1 to i32
      %sign3A_17 = arith.subi %sign3A_13, %sign3A_16 : i32
      %sign3A_18 = arith.constant 0 : i32
      %sign3A_19 = arith.cmpi sgt, %jit3A, %sign3A_18 : i32
      %sign3A_20 = arith.extui %sign3A_19 : i1 to i32
      %sign3A_21 = arith.constant 0 : i32
      %sign3A_22 = arith.cmpi slt, %jit3A, %sign3A_21 : i32
      %sign3A_23 = arith.extui %sign3A_22 : i1 to i32
      %sign3A_24 = arith.subi %sign3A_20, %sign3A_23 : i32
      %ne3A = arith.cmpi ne, %sign3A_17, %sign3A_24 : i32
      %rem3A = arith.remsi %add3A_11, %jit3A : i32
      %ne3A_25 = arith.constant 0 : i32
      %ne3A_26 = arith.cmpi ne, %rem3A, %ne3A_25 : i32
      %and3A = arith.andi %ne3A, %ne3A_26 : i1
      %sub3A = arith.constant 1 : i32
      %sub3A_27 = arith.subi %div3A, %sub3A : i32
      %select_n3A = arith.select %and3A, %sub3A_27, %div3A : i32
      "tpu.region"() ({
        %run_scoped3A = tpu.sem_alloc : memref<!tpu.dma_semaphore, #tpu.memory_space<semaphore_mem>>
        %dma_start3A_2702 = arith.constant 0 : i32
        %dma_start3A_2703 = tpu.memref_slice %arg2[%select_n3A, %dma_start3A_2702] : memref<1600x128xi32, #tpu.memory_space<hbm>> -> memref<10x128xi32, #tpu.memory_space<hbm>>
        %dma_start3A_2704 = arith.constant 0 : i32
        %dma_start3A_2705 = tpu.memref_slice %arg2[%select_n3A, %dma_start3A_2704] : memref<1600x128xi32, #tpu.memory_space<hbm>> -> memref<10x128xi32, #tpu.memory_space<hbm>>
        tpu.enqueue_dma source(%dma_start3A_2705 : memref<10x128xi32, #tpu.memory_space<hbm>>) target(%arg5 : memref<10x128xi32, #tpu.memory_space<vmem>>) target_semaphore(%run_scoped3A : memref<!tpu.dma_semaphore, #tpu.memory_space<semaphore_mem>>)
        %dma_wait3A_2706 = arith.constant 0 : i32
        %dma_wait3A_2707 = tpu.memref_slice %arg2[%select_n3A, %dma_wait3A_2706] : memref<1600x128xi32, #tpu.memory_space<hbm>> -> memref<10x128xi32, #tpu.memory_space<hbm>>
        %dma_wait3A_2708 = arith.constant 0 : i32
        %dma_wait3A_2709 = tpu.memref_slice %arg2[%select_n3A, %dma_wait3A_2708] : memref<1600x128xi32, #tpu.memory_space<hbm>> -> memref<10x128xi32, #tpu.memory_space<hbm>>
        tpu.wait_dma2 semaphore(%run_scoped3A : memref<!tpu.dma_semaphore, #tpu.memory_space<semaphore_mem>>) src(%dma_wait3A_2709 : memref<10x128xi32, #tpu.memory_space<hbm>>) dst(%arg5 : memref<10x128xi32, #tpu.memory_space<vmem>>)
        tpu.yield
      }) : () -> ()
      %get3A = arith.constant 0 : i32
      %get3A_28 = arith.index_cast %get3A : i32 to index
      %get3A_29 = arith.constant 0 : index
      %get3A_30 = tpu.vector_load %arg5[%get3A_28, %get3A_29] {strides = array<i32>} : memref<10x128xi32, #tpu.memory_space<vmem>>, vector<1x16xi32>,
      %get3A_31 = vector.shape_cast %get3A_30 : vector<1x16xi32> to vector<16xi32>
      %shift_right_arithmetic3A = arith.constant 14 : i32
      %shift_right_arithmetic3A_32 = vector.broadcast %shift_right_arithmetic3A : i32 to vector<16xi32>
      %shift_right_arithmetic3A_33 = arith.shrsi %get3A_31, %shift_right_arithmetic3A_32 : vector<16xi32>
      %shift_left3A = arith.constant 14 : i32
      %shift_left3A_34 = vector.broadcast %shift_left3A : i32 to vector<16xi32>
      %shift_left3A_35 = arith.shli %shift_right_arithmetic3A_33, %shift_left3A_34 : vector<16xi32>
      %and3A_36 = arith.constant 8191 : i32
      %and3A_37 = vector.broadcast %and3A_36 : i32 to vector<16xi32>
      %and3A_38 = arith.andi %get3A_31, %and3A_37 : vector<16xi32>
      %shift_left3A_39 = arith.constant 1 : i32
      %shift_left3A_40 = vector.broadcast %shift_left3A_39 : i32 to vector<16xi32>
      %shift_left3A_41 = arith.shli %and3A_38, %shift_left3A_40 : vector<16xi32>
      %add3A_42 = arith.addi %shift_left3A_35, %shift_left3A_41 : vector<16xi32>
      %shift_right_arithmetic3A_43 = arith.constant 13 : i32
      %shift_right_arithmetic3A_44 = vector.broadcast %shift_right_arithmetic3A_43 : i32 to vector<16xi32>
      %shift_right_arithmetic3A_45 = arith.shrsi %get3A_31, %shift_right_arithmetic3A_44 : vector<16xi32>
      %and3A_46 = arith.constant 1 : i32
      %and3A_47 = vector.broadcast %and3A_46 : i32 to vector<16xi32>
      %and3A_48 = arith.andi %shift_right_arithmetic3A_45, %and3A_47 : vector<16xi32>
      %add3A_49 = arith.addi %add3A_42, %and3A_48 : vector<16xi32>
      %swap3A = arith.constant 0 : i32
      %swap3A_50 = arith.index_cast %swap3A : i32 to index
      %swap3A_51 = arith.constant 0 : index
      %swap3A_52 = tpu.vector_load %arg6[%swap3A_50, %swap3A_51] {strides = array<i32>} : memref<10x128xi32, #tpu.memory_space<vmem>>, vector<1x16xi32>,
      %swap3A_53 = vector.shape_cast %swap3A_52 : vector<1x16xi32> to vector<16xi32>
      %swap3A_54 = vector.shape_cast %add3A_49 : vector<16xi32> to vector<1x16xi32>
      tpu.vector_store %arg6[%swap3A_50, %swap3A_51], %swap3A_54 {strides = array<i32>} : memref<10x128xi32, #tpu.memory_space<vmem>>, vector<1x16xi32>,
      %get3A_55 = arith.constant 0 : i32
      %get3A_56 = arith.index_cast %get3A_55 : i32 to index
      %get3A_57 = arith.constant 16 : index
      %get3A_58 = tpu.vector_load %arg5[%get3A_56, %get3A_57] {strides = array<i32>} : memref<10x128xi32, #tpu.memory_space<vmem>>, vector<1x16xi32>,
      %get3A_59 = vector.shape_cast %get3A_58 : vector<1x16xi32> to vector<16xi32>
      %shift_right_arithmetic3A_60 = arith.constant 14 : i32
      %shift_right_arithmetic3A_61 = vector.broadcast %shift_right_arithmetic3A_60 : i32 to vector<16xi32>
      %shift_right_arithmetic3A_62 = arith.shrsi %get3A_59, %shift_right_arithmetic3A_61 : vector<16xi32>
      %shift_left3A_63 = arith.constant 14 : i32
      %shift_left3A_64 = vector.broadcast %shift_left3A_63 : i32 to vector<16xi32>
      %shift_left3A_65 = arith.shli %shift_right_arithmetic3A_62, %shift_left3A_64 : vector<16xi32>
      %and3A_66 = arith.constant 8191 : i32
      %and3A_67 = vector.broadcast %and3A_66 : i32 to vector<16xi32>
      %and3A_68 = arith.andi %get3A_59, %and3A_67 : vector<16xi32>
      %shift_left3A_69 = arith.constant 1 : i32
      %shift_left3A_70 = vector.broadcast %shift_left3A_69 : i32 to vector<16xi32>
      %shift_left3A_71 = arith.shli %and3A_68, %shift_left3A_70 : vector<16xi32>
      %add3A_72 = arith.addi %shift_left3A_65, %shift_left3A_71 : vector<16xi32>
      %shift_right_arithmetic3A_73 = arith.constant 13 : i32
      %shift_right_arithmetic3A_74 = vector.broadcast %shift_right_arithmetic3A_73 : i32 to vector<16xi32>
      %shift_right_arithmetic3A_75 = arith.shrsi %get3A_59, %shift_right_arithmetic3A_74 : vector<16xi32>
      %and3A_76 = arith.constant 1 : i32
      %and3A_77 = vector.broadcast %and3A_76 : i32 to vector<16xi32>
      %and3A_78 = arith.andi %shift_right_arithmetic3A_75, %and3A_77 : vector<16xi32>
      %add3A_79 = arith.addi %add3A_72, %and3A_78 : vector<16xi32>
      %swap3A_80 = arith.constant 0 : i32
      %swap3A_81 = arith.index_cast %swap3A_80 : i32 to index
      %swap3A_82 = arith.constant 16 : index
      %swap3A_83 = tpu.vector_load %arg6[%swap3A_81, %swap3A_82] {strides = array<i32>} : memref<10x128xi32, #tpu.memory_space<vmem>>, vector<1x16xi32>,
      %swap3A_84 = vector.shape_cast %swap3A_83 : vector<1x16xi32> to vector<16xi32>
      %swap3A_85 = vector.shape_cast %add3A_79 : vector<16xi32> to vector<1x16xi32>
      tpu.vector_store %arg6[%swap3A_81, %swap3A_82], %swap3A_85 {strides = array<i32>} : memref<10x128xi32, #tpu.memory_space<vmem>>, vector<1x16xi32>,
      %get3A_86 = arith.constant 0 : i32
      %get3A_87 = arith.index_cast %get3A_86 : i32 to index
      %get3A_88 = arith.constant 32 : index
      %get3A_89 = tpu.vector_load %arg5[%get3A_87, %get3A_88] {strides = array<i32>} : memref<10x128xi32, #tpu.memory_space<vmem>>, vector<1x16xi32>,
      %get3A_90 = vector.shape_cast %get3A_89 : vector<1x16xi32> to vector<16xi32>
      %shift_right_arithmetic3A_91 = arith.constant 14 : i32
      %shift_right_arithmetic3A_92 = vector.broadcast %shift_right_arithmetic3A_91 : i32 to vector<16xi32>
      %shift_right_arithmetic3A_93 = arith.shrsi %get3A_90, %shift_right_arithmetic3A_92 : vector<16xi32>
      %shift_left3A_94 = arith.constant 14 : i32
      %shift_left3A_95 = vector.broadcast %shift_left3A_94 : i32 to vector<16xi32>
      %shift_left3A_96 = arith.shli %shift_right_arithmetic3A_93, %shift_left3A_95 : vector<16xi32>
      %and3A_97 = arith.constant 8191 : i32
      %and3A_98 = vector.broadcast %and3A_97 : i32 to vector<16xi32>
      %and3A_99 = arith.andi %get3A_90, %and3A_98 : vector<16xi32>
      %shift_left3A_100 = arith.constant 1 : i32
      %shift_left3A_101 = vector.broadcast %shift_left3A_100 : i32 to vector<16xi32>
      %shift_left3A_102 = arith.shli %and3A_99, %shift_left3A_101 : vector<16xi32>
      %add3A_103 = arith.addi %shift_left3A_96, %shift_left3A_102 : vector<16xi32>
      %shift_right_arithmetic3A_104 = arith.constant 13 : i32
      %shift_right_arithmetic3A_105 = vector.broadcast %shift_right_arithmetic3A_104 : i32 to vector<16xi32>
      %shift_right_arithmetic3A_106 = arith.shrsi %get3A_90, %shift_right_arithmetic3A_105 : vector<16xi32>
      %and3A_107 = arith.constant 1 : i32
      %and3A_108 = vector.broadcast %and3A_107 : i32 to vector<16xi32>
      %and3A_109 = arith.andi %shift_right_arithmetic3A_106, %and3A_108 : vector<16xi32>
      %add3A_110 = arith.addi %add3A_103, %and3A_109 : vector<16xi32>
      %swap3A_111 = arith.constant 0 : i32
      %swap3A_112 = arith.index_cast %swap3A_111 : i32 to index
      %swap3A_113 = arith.constant 32 : index
      %swap3A_114 = tpu.vector_load %arg6[%swap3A_112, %swap3A_113] {strides = array<i32>} : memref<10x128xi32, #tpu.memory_space<vmem>>, vector<1x16xi32>,
      %swap3A_115 = vector.shape_cast %swap3A_114 : vector<1x16xi32> to vector<16xi32>
      %swap3A_116 = vector.shape_cast %add3A_110 : vector<16xi32> to vector<1x16xi32>
      tpu.vector_store %arg6[%swap3A_112, %swap3A_113], %swap3A_116 {strides = array<i32>} : memref<10x128xi32, #tpu.memory_space<vmem>>, vector<1x16xi32>,
      %get3A_117 = arith.constant 0 : i32
      %get3A_118 = arith.index_cast %get3A_117 : i32 to index
      %get3A_119 = arith.constant 48 : index
      %get3A_120 = tpu.vector_load %arg5[%get3A_118, %get3A_119] {strides = array<i32>} : memref<10x128xi32, #tpu.memory_space<vmem>>, vector<1x16xi32>,
      %get3A_121 = vector.shape_cast %get3A_120 : vector<1x16xi32> to vector<16xi32>
      %shift_right_arithmetic3A_122 = arith.constant 14 : i32
      %shift_right_arithmetic3A_123 = vector.broadcast %shift_right_arithmetic3A_122 : i32 to vector<16xi32>
      %shift_right_arithmetic3A_124 = arith.shrsi %get3A_121, %shift_right_arithmetic3A_123 : vector<16xi32>
      %shift_left3A_125 = arith.constant 14 : i32
      %shift_left3A_126 = vector.broadcast %shift_left3A_125 : i32 to vector<16xi32>
      %shift_left3A_127 = arith.shli %shift_right_arithmetic3A_124, %shift_left3A_126 : vector<16xi32>
      %and3A_128 = arith.constant 8191 : i32
      %and3A_129 = vector.broadcast %and3A_128 : i32 to vector<16xi32>
      %and3A_130 = arith.andi %get3A_121, %and3A_129 : vector<16xi32>
      %shift_left3A_131 = arith.constant 1 : i32
      %shift_left3A_132 = vector.broadcast %shift_left3A_131 : i32 to vector<16xi32>
      %shift_left3A_133 = arith.shli %and3A_130, %shift_left3A_132 : vector<16xi32>
      %add3A_134 = arith.addi %shift_left3A_127, %shift_left3A_133 : vector<16xi32>
      %shift_right_arithmetic3A_135 = arith.constant 13 : i32
      %shift_right_arithmetic3A_136 = vector.broadcast %shift_right_arithmetic3A_135 : i32 to vector<16xi32>
      %shift_right_arithmetic3A_137 = arith.shrsi %get3A_121, %shift_right_arithmetic3A_136 : vector<16xi32>
      %and3A_138 = arith.constant 1 : i32
      %and3A_139 = vector.broadcast %and3A_138 : i32 to vector<16xi32>
      %and3A_140 = arith.andi %shift_right_arithmetic3A_137, %and3A_139 : vector<16xi32>
      %add3A_141 = arith.addi %add3A_134, %and3A_140 : vector<16xi32>
      %swap3A_142 = arith.constant 0 : i32
      %swap3A_143 = arith.index_cast %swap3A_142 : i32 to index
      %swap3A_144 = arith.constant 48 : index
      %swap3A_145 = tpu.vector_load %arg6[%swap3A_143, %swap3A_144] {strides = array<i32>} : memref<10x128xi32, #tpu.memory_space<vmem>>, vector<1x16xi32>,
      %swap3A_146 = vector.shape_cast %swap3A_145 : vector<1x16xi32> to vector<16xi32>
      %swap3A_147 = vector.shape_cast %add3A_141 : vector<16xi32> to vector<1x16xi32>
      tpu.vector_store %arg6[%swap3A_143, %swap3A_144], %swap3A_147 {strides = array<i32>} : memref<10x128xi32, #tpu.memory_space<vmem>>, vector<1x16xi32>,
      %get3A_148 = arith.constant 0 : i32
      %get3A_149 = arith.index_cast %get3A_148 : i32 to index
      %get3A_150 = arith.constant 64 : index
      %get3A_151 = tpu.vector_load %arg5[%get3A_149, %get3A_150] {strides = array<i32>} : memref<10x128xi32, #tpu.memory_space<vmem>>, vector<1x16xi32>,
      %get3A_152 = vector.shape_cast %get3A_151 : vector<1x16xi32> to vector<16xi32>
      %shift_right_arithmetic3A_153 = arith.constant 14 : i32
      %shift_right_arithmetic3A_154 = vector.broadcast %shift_right_arithmetic3A_153 : i32 to vector<16xi32>
      %shift_right_arithmetic3A_155 = arith.shrsi %get3A_152, %shift_right_arithmetic3A_154 : vector<16xi32>
      %shift_left3A_156 = arith.constant 14 : i32
      %shift_left3A_157 = vector.broadcast %shift_left3A_156 : i32 to vector<16xi32>
      %shift_left3A_158 = arith.shli %shift_right_arithmetic3A_155, %shift_left3A_157 : vector<16xi32>
      %and3A_159 = arith.constant 8191 : i32
      %and3A_160 = vector.broadcast %and3A_159 : i32 to vector<16xi32>
      %and3A_161 = arith.andi %get3A_152, %and3A_160 : vector<16xi32>
      %shift_left3A_162 = arith.constant 1 : i32
      %shift_left3A_163 = vector.broadcast %shift_left3A_162 : i32 to vector<16xi32>
      %shift_left3A_164 = arith.shli %and3A_161, %shift_left3A_163 : vector<16xi32>
      %add3A_165 = arith.addi %shift_left3A_158, %shift_left3A_164 : vector<16xi32>
      %shift_right_arithmetic3A_166 = arith.constant 13 : i32
      %shift_right_arithmetic3A_167 = vector.broadcast %shift_right_arithmetic3A_166 : i32 to vector<16xi32>
      %shift_right_arithmetic3A_168 = arith.shrsi %get3A_152, %shift_right_arithmetic3A_167 : vector<16xi32>
      %and3A_169 = arith.constant 1 : i32
      %and3A_170 = vector.broadcast %and3A_169 : i32 to vector<16xi32>
      %and3A_171 = arith.andi %shift_right_arithmetic3A_168, %and3A_170 : vector<16xi32>
      %add3A_172 = arith.addi %add3A_165, %and3A_171 : vector<16xi32>
      %swap3A_173 = arith.constant 0 : i32
      %swap3A_174 = arith.index_cast %swap3A_173 : i32 to index
      %swap3A_175 = arith.constant 64 : index
      %swap3A_176 = tpu.vector_load %arg6[%swap3A_174, %swap3A_175] {strides = array<i32>} : memref<10x128xi32, #tpu.memory_space<vmem>>, vector<1x16xi32>,
      %swap3A_177 = vector.shape_cast %swap3A_176 : vector<1x16xi32> to vector<16xi32>
      %swap3A_178 = vector.shape_cast %add3A_172 : vector<16xi32> to vector<1x16xi32>
      tpu.vector_store %arg6[%swap3A_174, %swap3A_175], %swap3A_178 {strides = array<i32>} : memref<10x128xi32, #tpu.memory_space<vmem>>, vector<1x16xi32>,
      %get3A_179 = arith.constant 0 : i32
      %get3A_180 = arith.index_cast %get3A_179 : i32 to index
      %get3A_181 = arith.constant 80 : index
      %get3A_182 = tpu.vector_load %arg5[%get3A_180, %get3A_181] {strides = array<i32>} : memref<10x128xi32, #tpu.memory_space<vmem>>, vector<1x16xi32>,
      %get3A_183 = vector.shape_cast %get3A_182 : vector<1x16xi32> to vector<16xi32>
      %shift_right_arithmetic3A_184 = arith.constant 14 : i32
      %shift_right_arithmetic3A_185 = vector.broadcast %shift_right_arithmetic3A_184 : i32 to vector<16xi32>
      %shift_right_arithmetic3A_186 = arith.shrsi %get3A_183, %shift_right_arithmetic3A_185 : vector<16xi32>
      %shift_left3A_187 = arith.constant 14 : i32
      %shift_left3A_188 = vector.broadcast %shift_left3A_187 : i32 to vector<16xi32>
      %shift_left3A_189 = arith.shli %shift_right_arithmetic3A_186, %shift_left3A_188 : vector<16xi32>
      %and3A_190 = arith.constant 8191 : i32
      %and3A_191 = vector.broadcast %and3A_190 : i32 to vector<16xi32>
      %and3A_192 = arith.andi %get3A_183, %and3A_191 : vector<16xi32>
      %shift_left3A_193 = arith.constant 1 : i32
      %shift_left3A_194 = vector.broadcast %shift_left3A_193 : i32 to vector<16xi32>
      %shift_left3A_195 = arith.shli %and3A_192, %shift_left3A_194 : vector<16xi32>
      %add3A_196 = arith.addi %shift_left3A_189, %shift_left3A_195 : vector<16xi32>
      %shift_right_arithmetic3A_197 = arith.constant 13 : i32
      %shift_right_arithmetic3A_198 = vector.broadcast %shift_right_arithmetic3A_197 : i32 to vector<16xi32>
      %shift_right_arithmetic3A_199 = arith.shrsi %get3A_183, %shift_right_arithmetic3A_198 : vector<16xi32>
      %and3A_200 = arith.constant 1 : i32
      %and3A_201 = vector.broadcast %and3A_200 : i32 to vector<16xi32>
      %and3A_202 = arith.andi %shift_right_arithmetic3A_199, %and3A_201 : vector<16xi32>
      %add3A_203 = arith.addi %add3A_196, %and3A_202 : vector<16xi32>
      %swap3A_204 = arith.constant 0 : i32
      %swap3A_205 = arith.index_cast %swap3A_204 : i32 to index
      %swap3A_206 = arith.constant 80 : index
      %swap3A_207 = tpu.vector_load %arg6[%swap3A_205, %swap3A_206] {strides = array<i32>} : memref<10x128xi32, #tpu.memory_space<vmem>>, vector<1x16xi32>,
      %swap3A_208 = vector.shape_cast %swap3A_207 : vector<1x16xi32> to vector<16xi32>
      %swap3A_209 = vector.shape_cast %add3A_203 : vector<16xi32> to vector<1x16xi32>
      tpu.vector_store %arg6[%swap3A_205, %swap3A_206], %swap3A_209 {strides = array<i32>} : memref<10x128xi32, #tpu.memory_space<vmem>>, vector<1x16xi32>,
      %get3A_210 = arith.constant 0 : i32
      %get3A_211 = arith.index_cast %get3A_210 : i32 to index
      %get3A_212 = arith.constant 96 : index
      %get3A_213 = tpu.vector_load %arg5[%get3A_211, %get3A_212] {strides = array<i32>} : memref<10x128xi32, #tpu.memory_space<vmem>>, vector<1x16xi32>,
      %get3A_214 = vector.shape_cast %get3A_213 : vector<1x16xi32> to vector<16xi32>
      %shift_right_arithmetic3A_215 = arith.constant 14 : i32
      %shift_right_arithmetic3A_216 = vector.broadcast %shift_right_arithmetic3A_215 : i32 to vector<16xi32>
      %shift_right_arithmetic3A_217 = arith.shrsi %get3A_214, %shift_right_arithmetic3A_216 : vector<16xi32>
      %shift_left3A_218 = arith.constant 14 : i32
      %shift_left3A_219 = vector.broadcast %shift_left3A_218 : i32 to vector<16xi32>
      %shift_left3A_220 = arith.shli %shift_right_arithmetic3A_217, %shift_left3A_219 : vector<16xi32>
      %and3A_221 = arith.constant 8191 : i32
      %and3A_222 = vector.broadcast %and3A_221 : i32 to vector<16xi32>
      %and3A_223 = arith.andi %get3A_214, %and3A_222 : vector<16xi32>
      %shift_left3A_224 = arith.constant 1 : i32
      %shift_left3A_225 = vector.broadcast %shift_left3A_224 : i32 to vector<16xi32>
      %shift_left3A_226 = arith.shli %and3A_223, %shift_left3A_225 : vector<16xi32>
      %add3A_227 = arith.addi %shift_left3A_220, %shift_left3A_226 : vector<16xi32>
      %shift_right_arithmetic3A_228 = arith.constant 13 : i32
      %shift_right_arithmetic3A_229 = vector.broadcast %shift_right_arithmetic3A_228 : i32 to vector<16xi32>
      %shift_right_arithmetic3A_230 = arith.shrsi %get3A_214, %shift_right_arithmetic3A_229 : vector<16xi32>
      %and3A_231 = arith.constant 1 : i32
      %and3A_232 = vector.broadcast %and3A_231 : i32 to vector<16xi32>
      %and3A_233 = arith.andi %shift_right_arithmetic3A_230, %and3A_232 : vector<16xi32>
      %add3A_234 = arith.addi %add3A_227, %and3A_233 : vector<16xi32>
      %swap3A_235 = arith.constant 0 : i32
      %swap3A_236 = arith.index_cast %swap3A_235 : i32 to index
      %swap3A_237 = arith.constant 96 : index
      %swap3A_238 = tpu.vector_load %arg6[%swap3A_236, %swap3A_237] {strides = array<i32>} : memref<10x128xi32, #tpu.memory_space<vmem>>, vector<1x16xi32>,
      %swap3A_239 = vector.shape_cast %swap3A_238 : vector<1x16xi32> to vector<16xi32>
      %swap3A_240 = vector.shape_cast %add3A_234 : vector<16xi32> to vector<1x16xi32>
      tpu.vector_store %arg6[%swap3A_236, %swap3A_237], %swap3A_240 {strides = array<i32>} : memref<10x128xi32, #tpu.memory_space<vmem>>, vector<1x16xi32>,
      %get3A_241 = arith.constant 0 : i32
      %get3A_242 = arith.index_cast %get3A_241 : i32 to index
      %get3A_243 = arith.constant 112 : index
      %get3A_244 = tpu.vector_load %arg5[%get3A_242, %get3A_243] {strides = array<i32>} : memref<10x128xi32, #tpu.memory_space<vmem>>, vector<1x16xi32>,
      %get3A_245 = vector.shape_cast %get3A_244 : vector<1x16xi32> to vector<16xi32>
      %shift_right_arithmetic3A_246 = arith.constant 14 : i32
      %shift_right_arithmetic3A_247 = vector.broadcast %shift_right_arithmetic3A_246 : i32 to vector<16xi32>
      %shift_right_arithmetic3A_248 = arith.shrsi %get3A_245, %shift_right_arithmetic3A_247 : vector<16xi32>
      %shift_left3A_249 = arith.constant 14 : i32
      %shift_left3A_250 = vector.broadcast %shift_left3A_249 : i32 to vector<16xi32>
      %shift_left3A_251 = arith.shli %shift_right_arithmetic3A_248, %shift_left3A_250 : vector<16xi32>
      %and3A_252 = arith.constant 8191 : i32
      %and3A_253 = vector.broadcast %and3A_252 : i32 to vector<16xi32>
      %and3A_254 = arith.andi %get3A_245, %and3A_253 : vector<16xi32>
      %shift_left3A_255 = arith.constant 1 : i32
      %shift_left3A_256 = vector.broadcast %shift_left3A_255 : i32 to vector<16xi32>
      %shift_left3A_257 = arith.shli %and3A_254, %shift_left3A_256 : vector<16xi32>
      %add3A_258 = arith.addi %shift_left3A_251, %shift_left3A_257 : vector<16xi32>
      %shift_right_arithmetic3A_259 = arith.constant 13 : i32
      %shift_right_arithmetic3A_260 = vector.broadcast %shift_right_arithmetic3A_259 : i32 to vector<16xi32>
      %shift_right_arithmetic3A_261 = arith.shrsi %get3A_245, %shift_right_arithmetic3A_260 : vector<16xi32>
      %and3A_262 = arith.constant 1 : i32
      %and3A_263 = vector.broadcast %and3A_262 : i32 to vector<16xi32>
      %and3A_264 = arith.andi %shift_right_arithmetic3A_261, %and3A_263 : vector<16xi32>
      %add3A_265 = arith.addi %add3A_258, %and3A_264 : vector<16xi32>
      %swap3A_266 = arith.constant 0 : i32
      %swap3A_267 = arith.index_cast %swap3A_266 : i32 to index
      %swap3A_268 = arith.constant 112 : index
      %swap3A_269 = tpu.vector_load %arg6[%swap3A_267, %swap3A_268] {strides = array<i32>} : memref<10x128xi32, #tpu.memory_space<vmem>>, vector<1x16xi32>,
      %swap3A_270 = vector.shape_cast %swap3A_269 : vector<1x16xi32> to vector<16xi32>
      %swap3A_271 = vector.shape_cast %add3A_265 : vector<16xi32> to vector<1x16xi32>
      tpu.vector_store %arg6[%swap3A_267, %swap3A_268], %swap3A_271 {strides = array<i32>} : memref<10x128xi32, #tpu.memory_space<vmem>>, vector<1x16xi32>,
      %get3A_272 = arith.constant 1 : i32
      %get3A_273 = arith.index_cast %get3A_272 : i32 to index
      %get3A_274 = arith.constant 0 : index
      %get3A_275 = tpu.vector_load %arg5[%get3A_273, %get3A_274] {strides = array<i32>} : memref<10x128xi32, #tpu.memory_space<vmem>>, vector<1x16xi32>,
      %get3A_276 = vector.shape_cast %get3A_275 : vector<1x16xi32> to vector<16xi32>
      %shift_right_arithmetic3A_277 = arith.constant 14 : i32
      %shift_right_arithmetic3A_278 = vector.broadcast %shift_right_arithmetic3A_277 : i32 to vector<16xi32>
      %shift_right_arithmetic3A_279 = arith.shrsi %get3A_276, %shift_right_arithmetic3A_278 : vector<16xi32>
      %shift_left3A_280 = arith.constant 14 : i32
      %shift_left3A_281 = vector.broadcast %shift_left3A_280 : i32 to vector<16xi32>
      %shift_left3A_282 = arith.shli %shift_right_arithmetic3A_279, %shift_left3A_281 : vector<16xi32>
      %and3A_283 = arith.constant 8191 : i32
      %and3A_284 = vector.broadcast %and3A_283 : i32 to vector<16xi32>
      %and3A_285 = arith.andi %get3A_276, %and3A_284 : vector<16xi32>
      %shift_left3A_286 = arith.constant 1 : i32
      %shift_left3A_287 = vector.broadcast %shift_left3A_286 : i32 to vector<16xi32>
      %shift_left3A_288 = arith.shli %and3A_285, %shift_left3A_287 : vector<16xi32>
      %add3A_289 = arith.addi %shift_left3A_282, %shift_left3A_288 : vector<16xi32>
      %shift_right_arithmetic3A_290 = arith.constant 13 : i32
      %shift_right_arithmetic3A_291 = vector.broadcast %shift_right_arithmetic3A_290 : i32 to vector<16xi32>
      %shift_right_arithmetic3A_292 = arith.shrsi %get3A_276, %shift_right_arithmetic3A_291 : vector<16xi32>
      %and3A_293 = arith.constant 1 : i32
      %and3A_294 = vector.broadcast %and3A_293 : i32 to vector<16xi32>
      %and3A_295 = arith.andi %shift_right_arithmetic3A_292, %and3A_294 : vector<16xi32>
      %add3A_296 = arith.addi %add3A_289, %and3A_295 : vector<16xi32>
      %swap3A_297 = arith.constant 1 : i32
      %swap3A_298 = arith.index_cast %swap3A_297 : i32 to index
      %swap3A_299 = arith.constant 0 : index
      %swap3A_300 = tpu.vector_load %arg6[%swap3A_298, %swap3A_299] {strides = array<i32>} : memref<10x128xi32, #tpu.memory_space<vmem>>, vector<1x16xi32>,
      %swap3A_301 = vector.shape_cast %swap3A_300 : vector<1x16xi32> to vector<16xi32>
      %swap3A_302 = vector.shape_cast %add3A_296 : vector<16xi32> to vector<1x16xi32>
      tpu.vector_store %arg6[%swap3A_298, %swap3A_299], %swap3A_302 {strides = array<i32>} : memref<10x128xi32, #tpu.memory_space<vmem>>, vector<1x16xi32>,
      %get3A_303 = arith.constant 1 : i32
      %get3A_304 = arith.index_cast %get3A_303 : i32 to index
      %get3A_305 = arith.constant 16 : index
      %get3A_306 = tpu.vector_load %arg5[%get3A_304, %get3A_305] {strides = array<i32>} : memref<10x128xi32, #tpu.memory_space<vmem>>, vector<1x16xi32>,
      %get3A_307 = vector.shape_cast %get3A_306 : vector<1x16xi32> to vector<16xi32>
      %shift_right_arithmetic3A_308 = arith.constant 14 : i32
      %shift_right_arithmetic3A_309 = vector.broadcast %shift_right_arithmetic3A_308 : i32 to vector<16xi32>
      %shift_right_arithmetic3A_310 = arith.shrsi %get3A_307, %shift_right_arithmetic3A_309 : vector<16xi32>
      %shift_left3A_311 = arith.constant 14 : i32
      %shift_left3A_312 = vector.broadcast %shift_left3A_311 : i32 to vector<16xi32>
      %shift_left3A_313 = arith.shli %shift_right_arithmetic3A_310, %shift_left3A_312 : vector<16xi32>
      %and3A_314 = arith.constant 8191 : i32
      %and3A_315 = vector.broadcast %and3A_314 : i32 to vector<16xi32>
      %and3A_316 = arith.andi %get3A_307, %and3A_315 : vector<16xi32>
      %shift_left3A_317 = arith.constant 1 : i32
      %shift_left3A_318 = vector.broadcast %shift_left3A_317 : i32 to vector<16xi32>
      %shift_left3A_319 = arith.shli %and3A_316, %shift_left3A_318 : vector<16xi32>
      %add3A_320 = arith.addi %shift_left3A_313, %shift_left3A_319 : vector<16xi32>
      %shift_right_arithmetic3A_321 = arith.constant 13 : i32
      %shift_right_arithmetic3A_322 = vector.broadcast %shift_right_arithmetic3A_321 : i32 to vector<16xi32>
      %shift_right_arithmetic3A_323 = arith.shrsi %get3A_307, %shift_right_arithmetic3A_322 : vector<16xi32>
      %and3A_324 = arith.constant 1 : i32
      %and3A_325 = vector.broadcast %and3A_324 : i32 to vector<16xi32>
      %and3A_326 = arith.andi %shift_right_arithmetic3A_323, %and3A_325 : vector<16xi32>
      %add3A_327 = arith.addi %add3A_320, %and3A_326 : vector<16xi32>
      %swap3A_328 = arith.constant 1 : i32
      %swap3A_329 = arith.index_cast %swap3A_328 : i32 to index
      %swap3A_330 = arith.constant 16 : index
      %swap3A_331 = tpu.vector_load %arg6[%swap3A_329, %swap3A_330] {strides = array<i32>} : memref<10x128xi32, #tpu.memory_space<vmem>>, vector<1x16xi32>,
      %swap3A_332 = vector.shape_cast %swap3A_331 : vector<1x16xi32> to vector<16xi32>
      %swap3A_333 = vector.shape_cast %add3A_327 : vector<16xi32> to vector<1x16xi32>
      tpu.vector_store %arg6[%swap3A_329, %swap3A_330], %swap3A_333 {strides = array<i32>} : memref<10x128xi32, #tpu.memory_space<vmem>>, vector<1x16xi32>,
      %get3A_334 = arith.constant 1 : i32
      %get3A_335 = arith.index_cast %get3A_334 : i32 to index
      %get3A_336 = arith.constant 32 : index
      %get3A_337 = tpu.vector_load %arg5[%get3A_335, %get3A_336] {strides = array<i32>} : memref<10x128xi32, #tpu.memory_space<vmem>>, vector<1x16xi32>,
      %get3A_338 = vector.shape_cast %get3A_337 : vector<1x16xi32> to vector<16xi32>
      %shift_right_arithmetic3A_339 = arith.constant 14 : i32
      %shift_right_arithmetic3A_340 = vector.broadcast %shift_right_arithmetic3A_339 : i32 to vector<16xi32>
      %shift_right_arithmetic3A_341 = arith.shrsi %get3A_338, %shift_right_arithmetic3A_340 : vector<16xi32>
      %shift_left3A_342 = arith.constant 14 : i32
      %shift_left3A_343 = vector.broadcast %shift_left3A_342 : i32 to vector<16xi32>
      %shift_left3A_344 = arith.shli %shift_right_arithmetic3A_341, %shift_left3A_343 : vector<16xi32>
      %and3A_345 = arith.constant 8191 : i32
      %and3A_346 = vector.broadcast %and3A_345 : i32 to vector<16xi32>
      %and3A_347 = arith.andi %get3A_338, %and3A_346 : vector<16xi32>
      %shift_left3A_348 = arith.constant 1 : i32
      %shift_left3A_349 = vector.broadcast %shift_left3A_348 : i32 to vector<16xi32>
      %shift_left3A_350 = arith.shli %and3A_347, %shift_left3A_349 : vector<16xi32>
      %add3A_351 = arith.addi %shift_left3A_344, %shift_left3A_350 : vector<16xi32>
      %shift_right_arithmetic3A_352 = arith.constant 13 : i32
      %shift_right_arithmetic3A_353 = vector.broadcast %shift_right_arithmetic3A_352 : i32 to vector<16xi32>
      %shift_right_arithmetic3A_354 = arith.shrsi %get3A_338, %shift_right_arithmetic3A_353 : vector<16xi32>
      %and3A_355 = arith.constant 1 : i32
      %and3A_356 = vector.broadcast %and3A_355 : i32 to vector<16xi32>
      %and3A_357 = arith.andi %shift_right_arithmetic3A_354, %and3A_356 : vector<16xi32>
      %add3A_358 = arith.addi %add3A_351, %and3A_357 : vector<16xi32>
      %swap3A_359 = arith.constant 1 : i32
      %swap3A_360 = arith.index_cast %swap3A_359 : i32 to index
      %swap3A_361 = arith.constant 32 : index
      %swap3A_362 = tpu.vector_load %arg6[%swap3A_360, %swap3A_361] {strides = array<i32>} : memref<10x128xi32, #tpu.memory_space<vmem>>, vector<1x16xi32>,
      %swap3A_363 = vector.shape_cast %swap3A_362 : vector<1x16xi32> to vector<16xi32>
      %swap3A_364 = vector.shape_cast %add3A_358 : vector<16xi32> to vector<1x16xi32>
      tpu.vector_store %arg6[%swap3A_360, %swap3A_361], %swap3A_364 {strides = array<i32>} : memref<10x128xi32, #tpu.memory_space<vmem>>, vector<1x16xi32>,
      %get3A_365 = arith.constant 1 : i32
      %get3A_366 = arith.index_cast %get3A_365 : i32 to index
      %get3A_367 = arith.constant 48 : index
      %get3A_368 = tpu.vector_load %arg5[%get3A_366, %get3A_367] {strides = array<i32>} : memref<10x128xi32, #tpu.memory_space<vmem>>, vector<1x16xi32>,
      %get3A_369 = vector.shape_cast %get3A_368 : vector<1x16xi32> to vector<16xi32>
      %shift_right_arithmetic3A_370 = arith.constant 14 : i32
      %shift_right_arithmetic3A_371 = vector.broadcast %shift_right_arithmetic3A_370 : i32 to vector<16xi32>
      %shift_right_arithmetic3A_372 = arith.shrsi %get3A_369, %shift_right_arithmetic3A_371 : vector<16xi32>
      %shift_left3A_373 = arith.constant 14 : i32
      %shift_left3A_374 = vector.broadcast %shift_left3A_373 : i32 to vector<16xi32>
      %shift_left3A_375 = arith.shli %shift_right_arithmetic3A_372, %shift_left3A_374 : vector<16xi32>
      %and3A_376 = arith.constant 8191 : i32
      %and3A_377 = vector.broadcast %and3A_376 : i32 to vector<16xi32>
      %and3A_378 = arith.andi %get3A_369, %and3A_377 : vector<16xi32>
      %shift_left3A_379 = arith.constant 1 : i32
      %shift_left3A_380 = vector.broadcast %shift_left3A_379 : i32 to vector<16xi32>
      %shift_left3A_381 = arith.shli %and3A_378, %shift_left3A_380 : vector<16xi32>
      %add3A_382 = arith.addi %shift_left3A_375, %shift_left3A_381 : vector<16xi32>
      %shift_right_arithmetic3A_383 = arith.constant 13 : i32
      %shift_right_arithmetic3A_384 = vector.broadcast %shift_right_arithmetic3A_383 : i32 to vector<16xi32>
      %shift_right_arithmetic3A_385 = arith.shrsi %get3A_369, %shift_right_arithmetic3A_384 : vector<16xi32>
      %and3A_386 = arith.constant 1 : i32
      %and3A_387 = vector.broadcast %and3A_386 : i32 to vector<16xi32>
      %and3A_388 = arith.andi %shift_right_arithmetic3A_385, %and3A_387 : vector<16xi32>
      %add3A_389 = arith.addi %add3A_382, %and3A_388 : vector<16xi32>
      %swap3A_390 = arith.constant 1 : i32
      %swap3A_391 = arith.index_cast %swap3A_390 : i32 to index
      %swap3A_392 = arith.constant 48 : index
      %swap3A_393 = tpu.vector_load %arg6[%swap3A_391, %swap3A_392] {strides = array<i32>} : memref<10x128xi32, #tpu.memory_space<vmem>>, vector<1x16xi32>,
      %swap3A_394 = vector.shape_cast %swap3A_393 : vector<1x16xi32> to vector<16xi32>
      %swap3A_395 = vector.shape_cast %add3A_389 : vector<16xi32> to vector<1x16xi32>
      tpu.vector_store %arg6[%swap3A_391, %swap3A_392], %swap3A_395 {strides = array<i32>} : memref<10x128xi32, #tpu.memory_space<vmem>>, vector<1x16xi32>,
      %get3A_396 = arith.constant 1 : i32
      %get3A_397 = arith.index_cast %get3A_396 : i32 to index
      %get3A_398 = arith.constant 64 : index
      %get3A_399 = tpu.vector_load %arg5[%get3A_397, %get3A_398] {strides = array<i32>} : memref<10x128xi32, #tpu.memory_space<vmem>>, vector<1x16xi32>,
      %get3A_400 = vector.shape_cast %get3A_399 : vector<1x16xi32> to vector<16xi32>
      %shift_right_arithmetic3A_401 = arith.constant 14 : i32
      %shift_right_arithmetic3A_402 = vector.broadcast %shift_right_arithmetic3A_401 : i32 to vector<16xi32>
      %shift_right_arithmetic3A_403 = arith.shrsi %get3A_400, %shift_right_arithmetic3A_402 : vector<16xi32>
      %shift_left3A_404 = arith.constant 14 : i32
      %shift_left3A_405 = vector.broadcast %shift_left3A_404 : i32 to vector<16xi32>
      %shift_left3A_406 = arith.shli %shift_right_arithmetic3A_403, %shift_left3A_405 : vector<16xi32>
      %and3A_407 = arith.constant 8191 : i32
      %and3A_408 = vector.broadcast %and3A_407 : i32 to vector<16xi32>
      %and3A_409 = arith.andi %get3A_400, %and3A_408 : vector<16xi32>
      %shift_left3A_410 = arith.constant 1 : i32
      %shift_left3A_411 = vector.broadcast %shift_left3A_410 : i32 to vector<16xi32>
      %shift_left3A_412 = arith.shli %and3A_409, %shift_left3A_411 : vector<16xi32>
      %add3A_413 = arith.addi %shift_left3A_406, %shift_left3A_412 : vector<16xi32>
      %shift_right_arithmetic3A_414 = arith.constant 13 : i32
      %shift_right_arithmetic3A_415 = vector.broadcast %shift_right_arithmetic3A_414 : i32 to vector<16xi32>
      %shift_right_arithmetic3A_416 = arith.shrsi %get3A_400, %shift_right_arithmetic3A_415 : vector<16xi32>
      %and3A_417 = arith.constant 1 : i32
      %and3A_418 = vector.broadcast %and3A_417 : i32 to vector<16xi32>
      %and3A_419 = arith.andi %shift_right_arithmetic3A_416, %and3A_418 : vector<16xi32>
      %add3A_420 = arith.addi %add3A_413, %and3A_419 : vector<16xi32>
      %swap3A_421 = arith.constant 1 : i32
      %swap3A_422 = arith.index_cast %swap3A_421 : i32 to index
      %swap3A_423 = arith.constant 64 : index
      %swap3A_424 = tpu.vector_load %arg6[%swap3A_422, %swap3A_423] {strides = array<i32>} : memref<10x128xi32, #tpu.memory_space<vmem>>, vector<1x16xi32>,
      %swap3A_425 = vector.shape_cast %swap3A_424 : vector<1x16xi32> to vector<16xi32>
      %swap3A_426 = vector.shape_cast %add3A_420 : vector<16xi32> to vector<1x16xi32>
      tpu.vector_store %arg6[%swap3A_422, %swap3A_423], %swap3A_426 {strides = array<i32>} : memref<10x128xi32, #tpu.memory_space<vmem>>, vector<1x16xi32>,
      %get3A_427 = arith.constant 1 : i32
      %get3A_428 = arith.index_cast %get3A_427 : i32 to index
      %get3A_429 = arith.constant 80 : index
      %get3A_430 = tpu.vector_load %arg5[%get3A_428, %get3A_429] {strides = array<i32>} : memref<10x128xi32, #tpu.memory_space<vmem>>, vector<1x16xi32>,
      %get3A_431 = vector.shape_cast %get3A_430 : vector<1x16xi32> to vector<16xi32>
      %shift_right_arithmetic3A_432 = arith.constant 14 : i32
      %shift_right_arithmetic3A_433 = vector.broadcast %shift_right_arithmetic3A_432 : i32 to vector<16xi32>
      %shift_right_arithmetic3A_434 = arith.shrsi %get3A_431, %shift_right_arithmetic3A_433 : vector<16xi32>
      %shift_left3A_435 = arith.constant 14 : i32
      %shift_left3A_436 = vector.broadcast %shift_left3A_435 : i32 to vector<16xi32>
      %shift_left3A_437 = arith.shli %shift_right_arithmetic3A_434, %shift_left3A_436 : vector<16xi32>
      %and3A_438 = arith.constant 8191 : i32
      %and3A_439 = vector.broadcast %and3A_438 : i32 to vector<16xi32>
      %and3A_440 = arith.andi %get3A_431, %and3A_439 : vector<16xi32>
      %shift_left3A_441 = arith.constant 1 : i32
      %shift_left3A_442 = vector.broadcast %shift_left3A_441 : i32 to vector<16xi32>
      %shift_left3A_443 = arith.shli %and3A_440, %shift_left3A_442 : vector<16xi32>
      %add3A_444 = arith.addi %shift_left3A_437, %shift_left3A_443 : vector<16xi32>
      %shift_right_arithmetic3A_445 = arith.constant 13 : i32
      %shift_right_arithmetic3A_446 = vector.broadcast %shift_right_arithmetic3A_445 : i32 to vector<16xi32>
      %shift_right_arithmetic3A_447 = arith.shrsi %get3A_431, %shift_right_arithmetic3A_446 : vector<16xi32>
      %and3A_448 = arith.constant 1 : i32
      %and3A_449 = vector.broadcast %and3A_448 : i32 to vector<16xi32>
      %and3A_450 = arith.andi %shift_right_arithmetic3A_447, %and3A_449 : vector<16xi32>
      %add3A_451 = arith.addi %add3A_444, %and3A_450 : vector<16xi32>
      %swap3A_452 = arith.constant 1 : i32
      %swap3A_453 = arith.index_cast %swap3A_452 : i32 to index
      %swap3A_454 = arith.constant 80 : index
      %swap3A_455 = tpu.vector_load %arg6[%swap3A_453, %swap3A_454] {strides = array<i32>} : memref<10x128xi32, #tpu.memory_space<vmem>>, vector<1x16xi32>,
      %swap3A_456 = vector.shape_cast %swap3A_455 : vector<1x16xi32> to vector<16xi32>
      %swap3A_457 = vector.shape_cast %add3A_451 : vector<16xi32> to vector<1x16xi32>
      tpu.vector_store %arg6[%swap3A_453, %swap3A_454], %swap3A_457 {strides = array<i32>} : memref<10x128xi32, #tpu.memory_space<vmem>>, vector<1x16xi32>,
      %get3A_458 = arith.constant 1 : i32
      %get3A_459 = arith.index_cast %get3A_458 : i32 to index
      %get3A_460 = arith.constant 96 : index
      %get3A_461 = tpu.vector_load %arg5[%get3A_459, %get3A_460] {strides = array<i32>} : memref<10x128xi32, #tpu.memory_space<vmem>>, vector<1x16xi32>,
      %get3A_462 = vector.shape_cast %get3A_461 : vector<1x16xi32> to vector<16xi32>
      %shift_right_arithmetic3A_463 = arith.constant 14 : i32
      %shift_right_arithmetic3A_464 = vector.broadcast %shift_right_arithmetic3A_463 : i32 to vector<16xi32>
      %shift_right_arithmetic3A_465 = arith.shrsi %get3A_462, %shift_right_arithmetic3A_464 : vector<16xi32>
      %shift_left3A_466 = arith.constant 14 : i32
      %shift_left3A_467 = vector.broadcast %shift_left3A_466 : i32 to vector<16xi32>
      %shift_left3A_468 = arith.shli %shift_right_arithmetic3A_465, %shift_left3A_467 : vector<16xi32>
      %and3A_469 = arith.constant 8191 : i32
      %and3A_470 = vector.broadcast %and3A_469 : i32 to vector<16xi32>
      %and3A_471 = arith.andi %get3A_462, %and3A_470 : vector<16xi32>
      %shift_left3A_472 = arith.constant 1 : i32
      %shift_left3A_473 = vector.broadcast %shift_left3A_472 : i32 to vector<16xi32>
      %shift_left3A_474 = arith.shli %and3A_471, %shift_left3A_473 : vector<16xi32>
      %add3A_475 = arith.addi %shift_left3A_468, %shift_left3A_474 : vector<16xi32>
      %shift_right_arithmetic3A_476 = arith.constant 13 : i32
      %shift_right_arithmetic3A_477 = vector.broadcast %shift_right_arithmetic3A_476 : i32 to vector<16xi32>
      %shift_right_arithmetic3A_478 = arith.shrsi %get3A_462, %shift_right_arithmetic3A_477 : vector<16xi32>
      %and3A_479 = arith.constant 1 : i32
      %and3A_480 = vector.broadcast %and3A_479 : i32 to vector<16xi32>
      %and3A_481 = arith.andi %shift_right_arithmetic3A_478, %and3A_480 : vector<16xi32>
      %add3A_482 = arith.addi %add3A_475, %and3A_481 : vector<16xi32>
      %swap3A_483 = arith.constant 1 : i32
      %swap3A_484 = arith.index_cast %swap3A_483 : i32 to index
      %swap3A_485 = arith.constant 96 : index
      %swap3A_486 = tpu.vector_load %arg6[%swap3A_484, %swap3A_485] {strides = array<i32>} : memref<10x128xi32, #tpu.memory_space<vmem>>, vector<1x16xi32>,
      %swap3A_487 = vector.shape_cast %swap3A_486 : vector<1x16xi32> to vector<16xi32>
      %swap3A_488 = vector.shape_cast %add3A_482 : vector<16xi32> to vector<1x16xi32>
      tpu.vector_store %arg6[%swap3A_484, %swap3A_485], %swap3A_488 {strides = array<i32>} : memref<10x128xi32, #tpu.memory_space<vmem>>, vector<1x16xi32>,
      %get3A_489 = arith.constant 1 : i32
      %get3A_490 = arith.index_cast %get3A_489 : i32 to index
      %get3A_491 = arith.constant 112 : index
      %get3A_492 = tpu.vector_load %arg5[%get3A_490, %get3A_491] {strides = array<i32>} : memref<10x128xi32, #tpu.memory_space<vmem>>, vector<1x16xi32>,
      %get3A_493 = vector.shape_cast %get3A_492 : vector<1x16xi32> to vector<16xi32>
      %shift_right_arithmetic3A_494 = arith.constant 14 : i32
      %shift_right_arithmetic3A_495 = vector.broadcast %shift_right_arithmetic3A_494 : i32 to vector<16xi32>
      %shift_right_arithmetic3A_496 = arith.shrsi %get3A_493, %shift_right_arithmetic3A_495 : vector<16xi32>
      %shift_left3A_497 = arith.constant 14 : i32
      %shift_left3A_498 = vector.broadcast %shift_left3A_497 : i32 to vector<16xi32>
      %shift_left3A_499 = arith.shli %shift_right_arithmetic3A_496, %shift_left3A_498 : vector<16xi32>
      %and3A_500 = arith.constant 8191 : i32
      %and3A_501 = vector.broadcast %and3A_500 : i32 to vector<16xi32>
      %and3A_502 = arith.andi %get3A_493, %and3A_501 : vector<16xi32>
      %shift_left3A_503 = arith.constant 1 : i32
      %shift_left3A_504 = vector.broadcast %shift_left3A_503 : i32 to vector<16xi32>
      %shift_left3A_505 = arith.shli %and3A_502, %shift_left3A_504 : vector<16xi32>
      %add3A_506 = arith.addi %shift_left3A_499, %shift_left3A_505 : vector<16xi32>
      %shift_right_arithmetic3A_507 = arith.constant 13 : i32
      %shift_right_arithmetic3A_508 = vector.broadcast %shift_right_arithmetic3A_507 : i32 to vector<16xi32>
      %shift_right_arithmetic3A_509 = arith.shrsi %get3A_493, %shift_right_arithmetic3A_508 : vector<16xi32>
      %and3A_510 = arith.constant 1 : i32
      %and3A_511 = vector.broadcast %and3A_510 : i32 to vector<16xi32>
      %and3A_512 = arith.andi %shift_right_arithmetic3A_509, %and3A_511 : vector<16xi32>
      %add3A_513 = arith.addi %add3A_506, %and3A_512 : vector<16xi32>
      %swap3A_514 = arith.constant 1 : i32
      %swap3A_515 = arith.index_cast %swap3A_514 : i32 to index
      %swap3A_516 = arith.constant 112 : index
      %swap3A_517 = tpu.vector_load %arg6[%swap3A_515, %swap3A_516] {strides = array<i32>} : memref<10x128xi32, #tpu.memory_space<vmem>>, vector<1x16xi32>,
      %swap3A_518 = vector.shape_cast %swap3A_517 : vector<1x16xi32> to vector<16xi32>
      %swap3A_519 = vector.shape_cast %add3A_513 : vector<16xi32> to vector<1x16xi32>
      tpu.vector_store %arg6[%swap3A_515, %swap3A_516], %swap3A_519 {strides = array<i32>} : memref<10x128xi32, #tpu.memory_space<vmem>>, vector<1x16xi32>,
      %get3A_520 = arith.constant 2 : i32
      %get3A_521 = arith.index_cast %get3A_520 : i32 to index
      %get3A_522 = arith.constant 0 : index
      %get3A_523 = tpu.vector_load %arg5[%get3A_521, %get3A_522] {strides = array<i32>} : memref<10x128xi32, #tpu.memory_space<vmem>>, vector<1x16xi32>,
      %get3A_524 = vector.shape_cast %get3A_523 : vector<1x16xi32> to vector<16xi32>
      %shift_right_arithmetic3A_525 = arith.constant 14 : i32
      %shift_right_arithmetic3A_526 = vector.broadcast %shift_right_arithmetic3A_525 : i32 to vector<16xi32>
      %shift_right_arithmetic3A_527 = arith.shrsi %get3A_524, %shift_right_arithmetic3A_526 : vector<16xi32>
      %shift_left3A_528 = arith.constant 14 : i32
      %shift_left3A_529 = vector.broadcast %shift_left3A_528 : i32 to vector<16xi32>
      %shift_left3A_530 = arith.shli %shift_right_arithmetic3A_527, %shift_left3A_529 : vector<16xi32>
      %and3A_531 = arith.constant 8191 : i32
      %and3A_532 = vector.broadcast %and3A_531 : i32 to vector<16xi32>
      %and3A_533 = arith.andi %get3A_524, %and3A_532 : vector<16xi32>
      %shift_left3A_534 = arith.constant 1 : i32
      %shift_left3A_535 = vector.broadcast %shift_left3A_534 : i32 to vector<16xi32>
      %shift_left3A_536 = arith.shli %and3A_533, %shift_left3A_535 : vector<16xi32>
      %add3A_537 = arith.addi %shift_left3A_530, %shift_left3A_536 : vector<16xi32>
      %shift_right_arithmetic3A_538 = arith.constant 13 : i32
      %shift_right_arithmetic3A_539 = vector.broadcast %shift_right_arithmetic3A_538 : i32 to vector<16xi32>
      %shift_right_arithmetic3A_540 = arith.shrsi %get3A_524, %shift_right_arithmetic3A_539 : vector<16xi32>
      %and3A_541 = arith.constant 1 : i32
      %and3A_542 = vector.broadcast %and3A_541 : i32 to vector<16xi32>
      %and3A_543 = arith.andi %shift_right_arithmetic3A_540, %and3A_542 : vector<16xi32>
      %add3A_544 = arith.addi %add3A_537, %and3A_543 : vector<16xi32>
      %swap3A_545 = arith.constant 2 : i32
      %swap3A_546 = arith.index_cast %swap3A_545 : i32 to index
      %swap3A_547 = arith.constant 0 : index
      %swap3A_548 = tpu.vector_load %arg6[%swap3A_546, %swap3A_547] {strides = array<i32>} : memref<10x128xi32, #tpu.memory_space<vmem>>, vector<1x16xi32>,
      %swap3A_549 = vector.shape_cast %swap3A_548 : vector<1x16xi32> to vector<16xi32>
      %swap3A_550 = vector.shape_cast %add3A_544 : vector<16xi32> to vector<1x16xi32>
      tpu.vector_store %arg6[%swap3A_546, %swap3A_547], %swap3A_550 {strides = array<i32>} : memref<10x128xi32, #tpu.memory_space<vmem>>, vector<1x16xi32>,
      %get3A_551 = arith.constant 2 : i32
      %get3A_552 = arith.index_cast %get3A_551 : i32 to index
      %get3A_553 = arith.constant 16 : index
      %get3A_554 = tpu.vector_load %arg5[%get3A_552, %get3A_553] {strides = array<i32>} : memref<10x128xi32, #tpu.memory_space<vmem>>, vector<1x16xi32>,
      %get3A_555 = vector.shape_cast %get3A_554 : vector<1x16xi32> to vector<16xi32>
      %shift_right_arithmetic3A_556 = arith.constant 14 : i32
      %shift_right_arithmetic3A_557 = vector.broadcast %shift_right_arithmetic3A_556 : i32 to vector<16xi32>
      %shift_right_arithmetic3A_558 = arith.shrsi %get3A_555, %shift_right_arithmetic3A_557 : vector<16xi32>
      %shift_left3A_559 = arith.constant 14 : i32
      %shift_left3A_560 = vector.broadcast %shift_left3A_559 : i32 to vector<16xi32>
      %shift_left3A_561 = arith.shli %shift_right_arithmetic3A_558, %shift_left3A_560 : vector<16xi32>
      %and3A_562 = arith.constant 8191 : i32
      %and3A_563 = vector.broadcast %and3A_562 : i32 to vector<16xi32>
      %and3A_564 = arith.andi %get3A_555, %and3A_563 : vector<16xi32>
      %shift_left3A_565 = arith.constant 1 : i32
      %shift_left3A_566 = vector.broadcast %shift_left3A_565 : i32 to vector<16xi32>
      %shift_left3A_567 = arith.shli %and3A_564, %shift_left3A_566 : vector<16xi32>
      %add3A_568 = arith.addi %shift_left3A_561, %shift_left3A_567 : vector<16xi32>
      %shift_right_arithmetic3A_569 = arith.constant 13 : i32
      %shift_right_arithmetic3A_570 = vector.broadcast %shift_right_arithmetic3A_569 : i32 to vector<16xi32>
      %shift_right_arithmetic3A_571 = arith.shrsi %get3A_555, %shift_right_arithmetic3A_570 : vector<16xi32>
      %and3A_572 = arith.constant 1 : i32
      %and3A_573 = vector.broadcast %and3A_572 : i32 to vector<16xi32>
      %and3A_574 = arith.andi %shift_right_arithmetic3A_571, %and3A_573 : vector<16xi32>
      %add3A_575 = arith.addi %add3A_568, %and3A_574 : vector<16xi32>
      %swap3A_576 = arith.constant 2 : i32
      %swap3A_577 = arith.index_cast %swap3A_576 : i32 to index
      %swap3A_578 = arith.constant 16 : index
      %swap3A_579 = tpu.vector_load %arg6[%swap3A_577, %swap3A_578] {strides = array<i32>} : memref<10x128xi32, #tpu.memory_space<vmem>>, vector<1x16xi32>,
      %swap3A_580 = vector.shape_cast %swap3A_579 : vector<1x16xi32> to vector<16xi32>
      %swap3A_581 = vector.shape_cast %add3A_575 : vector<16xi32> to vector<1x16xi32>
      tpu.vector_store %arg6[%swap3A_577, %swap3A_578], %swap3A_581 {strides = array<i32>} : memref<10x128xi32, #tpu.memory_space<vmem>>, vector<1x16xi32>,
      %get3A_582 = arith.constant 2 : i32
      %get3A_583 = arith.index_cast %get3A_582 : i32 to index
      %get3A_584 = arith.constant 32 : index
      %get3A_585 = tpu.vector_load %arg5[%get3A_583, %get3A_584] {strides = array<i32>} : memref<10x128xi32, #tpu.memory_space<vmem>>, vector<1x16xi32>,
      %get3A_586 = vector.shape_cast %get3A_585 : vector<1x16xi32> to vector<16xi32>
      %shift_right_arithmetic3A_587 = arith.constant 14 : i32
      %shift_right_arithmetic3A_588 = vector.broadcast %shift_right_arithmetic3A_587 : i32 to vector<16xi32>
      %shift_right_arithmetic3A_589 = arith.shrsi %get3A_586, %shift_right_arithmetic3A_588 : vector<16xi32>
      %shift_left3A_590 = arith.constant 14 : i32
      %shift_left3A_591 = vector.broadcast %shift_left3A_590 : i32 to vector<16xi32>
      %shift_left3A_592 = arith.shli %shift_right_arithmetic3A_589, %shift_left3A_591 : vector<16xi32>
      %and3A_593 = arith.constant 8191 : i32
      %and3A_594 = vector.broadcast %and3A_593 : i32 to vector<16xi32>
      %and3A_595 = arith.andi %get3A_586, %and3A_594 : vector<16xi32>
      %shift_left3A_596 = arith.constant 1 : i32
      %shift_left3A_597 = vector.broadcast %shift_left3A_596 : i32 to vector<16xi32>
      %shift_left3A_598 = arith.shli %and3A_595, %shift_left3A_597 : vector<16xi32>
      %add3A_599 = arith.addi %shift_left3A_592, %shift_left3A_598 : vector<16xi32>
      %shift_right_arithmetic3A_600 = arith.constant 13 : i32
      %shift_right_arithmetic3A_601 = vector.broadcast %shift_right_arithmetic3A_600 : i32 to vector<16xi32>
      %shift_right_arithmetic3A_602 = arith.shrsi %get3A_586, %shift_right_arithmetic3A_601 : vector<16xi32>
      %and3A_603 = arith.constant 1 : i32
      %and3A_604 = vector.broadcast %and3A_603 : i32 to vector<16xi32>
      %and3A_605 = arith.andi %shift_right_arithmetic3A_602, %and3A_604 : vector<16xi32>
      %add3A_606 = arith.addi %add3A_599, %and3A_605 : vector<16xi32>
      %swap3A_607 = arith.constant 2 : i32
      %swap3A_608 = arith.index_cast %swap3A_607 : i32 to index
      %swap3A_609 = arith.constant 32 : index
      %swap3A_610 = tpu.vector_load %arg6[%swap3A_608, %swap3A_609] {strides = array<i32>} : memref<10x128xi32, #tpu.memory_space<vmem>>, vector<1x16xi32>,
      %swap3A_611 = vector.shape_cast %swap3A_610 : vector<1x16xi32> to vector<16xi32>
      %swap3A_612 = vector.shape_cast %add3A_606 : vector<16xi32> to vector<1x16xi32>
      tpu.vector_store %arg6[%swap3A_608, %swap3A_609], %swap3A_612 {strides = array<i32>} : memref<10x128xi32, #tpu.memory_space<vmem>>, vector<1x16xi32>,
      %get3A_613 = arith.constant 2 : i32
      %get3A_614 = arith.index_cast %get3A_613 : i32 to index
      %get3A_615 = arith.constant 48 : index
      %get3A_616 = tpu.vector_load %arg5[%get3A_614, %get3A_615] {strides = array<i32>} : memref<10x128xi32, #tpu.memory_space<vmem>>, vector<1x16xi32>,
      %get3A_617 = vector.shape_cast %get3A_616 : vector<1x16xi32> to vector<16xi32>
      %shift_right_arithmetic3A_618 = arith.constant 14 : i32
      %shift_right_arithmetic3A_619 = vector.broadcast %shift_right_arithmetic3A_618 : i32 to vector<16xi32>
      %shift_right_arithmetic3A_620 = arith.shrsi %get3A_617, %shift_right_arithmetic3A_619 : vector<16xi32>
      %shift_left3A_621 = arith.constant 14 : i32
      %shift_left3A_622 = vector.broadcast %shift_left3A_621 : i32 to vector<16xi32>
      %shift_left3A_623 = arith.shli %shift_right_arithmetic3A_620, %shift_left3A_622 : vector<16xi32>
      %and3A_624 = arith.constant 8191 : i32
      %and3A_625 = vector.broadcast %and3A_624 : i32 to vector<16xi32>
      %and3A_626 = arith.andi %get3A_617, %and3A_625 : vector<16xi32>
      %shift_left3A_627 = arith.constant 1 : i32
      %shift_left3A_628 = vector.broadcast %shift_left3A_627 : i32 to vector<16xi32>
      %shift_left3A_629 = arith.shli %and3A_626, %shift_left3A_628 : vector<16xi32>
      %add3A_630 = arith.addi %shift_left3A_623, %shift_left3A_629 : vector<16xi32>
      %shift_right_arithmetic3A_631 = arith.constant 13 : i32
      %shift_right_arithmetic3A_632 = vector.broadcast %shift_right_arithmetic3A_631 : i32 to vector<16xi32>
      %shift_right_arithmetic3A_633 = arith.shrsi %get3A_617, %shift_right_arithmetic3A_632 : vector<16xi32>
      %and3A_634 = arith.constant 1 : i32
      %and3A_635 = vector.broadcast %and3A_634 : i32 to vector<16xi32>
      %and3A_636 = arith.andi %shift_right_arithmetic3A_633, %and3A_635 : vector<16xi32>
      %add3A_637 = arith.addi %add3A_630, %and3A_636 : vector<16xi32>
      %swap3A_638 = arith.constant 2 : i32
      %swap3A_639 = arith.index_cast %swap3A_638 : i32 to index
      %swap3A_640 = arith.constant 48 : index
      %swap3A_641 = tpu.vector_load %arg6[%swap3A_639, %swap3A_640] {strides = array<i32>} : memref<10x128xi32, #tpu.memory_space<vmem>>, vector<1x16xi32>,
      %swap3A_642 = vector.shape_cast %swap3A_641 : vector<1x16xi32> to vector<16xi32>
      %swap3A_643 = vector.shape_cast %add3A_637 : vector<16xi32> to vector<1x16xi32>
      tpu.vector_store %arg6[%swap3A_639, %swap3A_640], %swap3A_643 {strides = array<i32>} : memref<10x128xi32, #tpu.memory_space<vmem>>, vector<1x16xi32>,
      %get3A_644 = arith.constant 2 : i32
      %get3A_645 = arith.index_cast %get3A_644 : i32 to index
      %get3A_646 = arith.constant 64 : index
      %get3A_647 = tpu.vector_load %arg5[%get3A_645, %get3A_646] {strides = array<i32>} : memref<10x128xi32, #tpu.memory_space<vmem>>, vector<1x16xi32>,
      %get3A_648 = vector.shape_cast %get3A_647 : vector<1x16xi32> to vector<16xi32>
      %shift_right_arithmetic3A_649 = arith.constant 14 : i32
      %shift_right_arithmetic3A_650 = vector.broadcast %shift_right_arithmetic3A_649 : i32 to vector<16xi32>
      %shift_right_arithmetic3A_651 = arith.shrsi %get3A_648, %shift_right_arithmetic3A_650 : vector<16xi32>
      %shift_left3A_652 = arith.constant 14 : i32
      %shift_left3A_653 = vector.broadcast %shift_left3A_652 : i32 to vector<16xi32>
      %shift_left3A_654 = arith.shli %shift_right_arithmetic3A_651, %shift_left3A_653 : vector<16xi32>
      %and3A_655 = arith.constant 8191 : i32
      %and3A_656 = vector.broadcast %and3A_655 : i32 to vector<16xi32>
      %and3A_657 = arith.andi %get3A_648, %and3A_656 : vector<16xi32>
      %shift_left3A_658 = arith.constant 1 : i32
      %shift_left3A_659 = vector.broadcast %shift_left3A_658 : i32 to vector<16xi32>
      %shift_left3A_660 = arith.shli %and3A_657, %shift_left3A_659 : vector<16xi32>
      %add3A_661 = arith.addi %shift_left3A_654, %shift_left3A_660 : vector<16xi32>
      %shift_right_arithmetic3A_662 = arith.constant 13 : i32
      %shift_right_arithmetic3A_663 = vector.broadcast %shift_right_arithmetic3A_662 : i32 to vector<16xi32>
      %shift_right_arithmetic3A_664 = arith.shrsi %get3A_648, %shift_right_arithmetic3A_663 : vector<16xi32>
      %and3A_665 = arith.constant 1 : i32
      %and3A_666 = vector.broadcast %and3A_665 : i32 to vector<16xi32>
      %and3A_667 = arith.andi %shift_right_arithmetic3A_664, %and3A_666 : vector<16xi32>
      %add3A_668 = arith.addi %add3A_661, %and3A_667 : vector<16xi32>
      %swap3A_669 = arith.constant 2 : i32
      %swap3A_670 = arith.index_cast %swap3A_669 : i32 to index
      %swap3A_671 = arith.constant 64 : index
      %swap3A_672 = tpu.vector_load %arg6[%swap3A_670, %swap3A_671] {strides = array<i32>} : memref<10x128xi32, #tpu.memory_space<vmem>>, vector<1x16xi32>,
      %swap3A_673 = vector.shape_cast %swap3A_672 : vector<1x16xi32> to vector<16xi32>
      %swap3A_674 = vector.shape_cast %add3A_668 : vector<16xi32> to vector<1x16xi32>
      tpu.vector_store %arg6[%swap3A_670, %swap3A_671], %swap3A_674 {strides = array<i32>} : memref<10x128xi32, #tpu.memory_space<vmem>>, vector<1x16xi32>,
      %get3A_675 = arith.constant 2 : i32
      %get3A_676 = arith.index_cast %get3A_675 : i32 to index
      %get3A_677 = arith.constant 80 : index
      %get3A_678 = tpu.vector_load %arg5[%get3A_676, %get3A_677] {strides = array<i32>} : memref<10x128xi32, #tpu.memory_space<vmem>>, vector<1x16xi32>,
      %get3A_679 = vector.shape_cast %get3A_678 : vector<1x16xi32> to vector<16xi32>
      %shift_right_arithmetic3A_680 = arith.constant 14 : i32
      %shift_right_arithmetic3A_681 = vector.broadcast %shift_right_arithmetic3A_680 : i32 to vector<16xi32>
      %shift_right_arithmetic3A_682 = arith.shrsi %get3A_679, %shift_right_arithmetic3A_681 : vector<16xi32>
      %shift_left3A_683 = arith.constant 14 : i32
      %shift_left3A_684 = vector.broadcast %shift_left3A_683 : i32 to vector<16xi32>
      %shift_left3A_685 = arith.shli %shift_right_arithmetic3A_682, %shift_left3A_684 : vector<16xi32>
      %and3A_686 = arith.constant 8191 : i32
      %and3A_687 = vector.broadcast %and3A_686 : i32 to vector<16xi32>
      %and3A_688 = arith.andi %get3A_679, %and3A_687 : vector<16xi32>
      %shift_left3A_689 = arith.constant 1 : i32
      %shift_left3A_690 = vector.broadcast %shift_left3A_689 : i32 to vector<16xi32>
      %shift_left3A_691 = arith.shli %and3A_688, %shift_left3A_690 : vector<16xi32>
      %add3A_692 = arith.addi %shift_left3A_685, %shift_left3A_691 : vector<16xi32>
      %shift_right_arithmetic3A_693 = arith.constant 13 : i32
      %shift_right_arithmetic3A_694 = vector.broadcast %shift_right_arithmetic3A_693 : i32 to vector<16xi32>
      %shift_right_arithmetic3A_695 = arith.shrsi %get3A_679, %shift_right_arithmetic3A_694 : vector<16xi32>
      %and3A_696 = arith.constant 1 : i32
      %and3A_697 = vector.broadcast %and3A_696 : i32 to vector<16xi32>
      %and3A_698 = arith.andi %shift_right_arithmetic3A_695, %and3A_697 : vector<16xi32>
      %add3A_699 = arith.addi %add3A_692, %and3A_698 : vector<16xi32>
      %swap3A_700 = arith.constant 2 : i32
      %swap3A_701 = arith.index_cast %swap3A_700 : i32 to index
      %swap3A_702 = arith.constant 80 : index
      %swap3A_703 = tpu.vector_load %arg6[%swap3A_701, %swap3A_702] {strides = array<i32>} : memref<10x128xi32, #tpu.memory_space<vmem>>, vector<1x16xi32>,
      %swap3A_704 = vector.shape_cast %swap3A_703 : vector<1x16xi32> to vector<16xi32>
      %swap3A_705 = vector.shape_cast %add3A_699 : vector<16xi32> to vector<1x16xi32>
      tpu.vector_store %arg6[%swap3A_701, %swap3A_702], %swap3A_705 {strides = array<i32>} : memref<10x128xi32, #tpu.memory_space<vmem>>, vector<1x16xi32>,
      %get3A_706 = arith.constant 2 : i32
      %get3A_707 = arith.index_cast %get3A_706 : i32 to index
      %get3A_708 = arith.constant 96 : index
      %get3A_709 = tpu.vector_load %arg5[%get3A_707, %get3A_708] {strides = array<i32>} : memref<10x128xi32, #tpu.memory_space<vmem>>, vector<1x16xi32>,
      %get3A_710 = vector.shape_cast %get3A_709 : vector<1x16xi32> to vector<16xi32>
      %shift_right_arithmetic3A_711 = arith.constant 14 : i32
      %shift_right_arithmetic3A_712 = vector.broadcast %shift_right_arithmetic3A_711 : i32 to vector<16xi32>
      %shift_right_arithmetic3A_713 = arith.shrsi %get3A_710, %shift_right_arithmetic3A_712 : vector<16xi32>
      %shift_left3A_714 = arith.constant 14 : i32
      %shift_left3A_715 = vector.broadcast %shift_left3A_714 : i32 to vector<16xi32>
      %shift_left3A_716 = arith.shli %shift_right_arithmetic3A_713, %shift_left3A_715 : vector<16xi32>
      %and3A_717 = arith.constant 8191 : i32
      %and3A_718 = vector.broadcast %and3A_717 : i32 to vector<16xi32>
      %and3A_719 = arith.andi %get3A_710, %and3A_718 : vector<16xi32>
      %shift_left3A_720 = arith.constant 1 : i32
      %shift_left3A_721 = vector.broadcast %shift_left3A_720 : i32 to vector<16xi32>
      %shift_left3A_722 = arith.shli %and3A_719, %shift_left3A_721 : vector<16xi32>
      %add3A_723 = arith.addi %shift_left3A_716, %shift_left3A_722 : vector<16xi32>
      %shift_right_arithmetic3A_724 = arith.constant 13 : i32
      %shift_right_arithmetic3A_725 = vector.broadcast %shift_right_arithmetic3A_724 : i32 to vector<16xi32>
      %shift_right_arithmetic3A_726 = arith.shrsi %get3A_710, %shift_right_arithmetic3A_725 : vector<16xi32>
      %and3A_727 = arith.constant 1 : i32
      %and3A_728 = vector.broadcast %and3A_727 : i32 to vector<16xi32>
      %and3A_729 = arith.andi %shift_right_arithmetic3A_726, %and3A_728 : vector<16xi32>
      %add3A_730 = arith.addi %add3A_723, %and3A_729 : vector<16xi32>
      %swap3A_731 = arith.constant 2 : i32
      %swap3A_732 = arith.index_cast %swap3A_731 : i32 to index
      %swap3A_733 = arith.constant 96 : index
      %swap3A_734 = tpu.vector_load %arg6[%swap3A_732, %swap3A_733] {strides = array<i32>} : memref<10x128xi32, #tpu.memory_space<vmem>>, vector<1x16xi32>,
      %swap3A_735 = vector.shape_cast %swap3A_734 : vector<1x16xi32> to vector<16xi32>
      %swap3A_736 = vector.shape_cast %add3A_730 : vector<16xi32> to vector<1x16xi32>
      tpu.vector_store %arg6[%swap3A_732, %swap3A_733], %swap3A_736 {strides = array<i32>} : memref<10x128xi32, #tpu.memory_space<vmem>>, vector<1x16xi32>,
      %get3A_737 = arith.constant 2 : i32
      %get3A_738 = arith.index_cast %get3A_737 : i32 to index
      %get3A_739 = arith.constant 112 : index
      %get3A_740 = tpu.vector_load %arg5[%get3A_738, %get3A_739] {strides = array<i32>} : memref<10x128xi32, #tpu.memory_space<vmem>>, vector<1x16xi32>,
      %get3A_741 = vector.shape_cast %get3A_740 : vector<1x16xi32> to vector<16xi32>
      %shift_right_arithmetic3A_742 = arith.constant 14 : i32
      %shift_right_arithmetic3A_743 = vector.broadcast %shift_right_arithmetic3A_742 : i32 to vector<16xi32>
      %shift_right_arithmetic3A_744 = arith.shrsi %get3A_741, %shift_right_arithmetic3A_743 : vector<16xi32>
      %shift_left3A_745 = arith.constant 14 : i32
      %shift_left3A_746 = vector.broadcast %shift_left3A_745 : i32 to vector<16xi32>
      %shift_left3A_747 = arith.shli %shift_right_arithmetic3A_744, %shift_left3A_746 : vector<16xi32>
      %and3A_748 = arith.constant 8191 : i32
      %and3A_749 = vector.broadcast %and3A_748 : i32 to vector<16xi32>
      %and3A_750 = arith.andi %get3A_741, %and3A_749 : vector<16xi32>
      %shift_left3A_751 = arith.constant 1 : i32
      %shift_left3A_752 = vector.broadcast %shift_left3A_751 : i32 to vector<16xi32>
      %shift_left3A_753 = arith.shli %and3A_750, %shift_left3A_752 : vector<16xi32>
      %add3A_754 = arith.addi %shift_left3A_747, %shift_left3A_753 : vector<16xi32>
      %shift_right_arithmetic3A_755 = arith.constant 13 : i32
      %shift_right_arithmetic3A_756 = vector.broadcast %shift_right_arithmetic3A_755 : i32 to vector<16xi32>
      %shift_right_arithmetic3A_757 = arith.shrsi %get3A_741, %shift_right_arithmetic3A_756 : vector<16xi32>
      %and3A_758 = arith.constant 1 : i32
      %and3A_759 = vector.broadcast %and3A_758 : i32 to vector<16xi32>
      %and3A_760 = arith.andi %shift_right_arithmetic3A_757, %and3A_759 : vector<16xi32>
      %add3A_761 = arith.addi %add3A_754, %and3A_760 : vector<16xi32>
      %swap3A_762 = arith.constant 2 : i32
      %swap3A_763 = arith.index_cast %swap3A_762 : i32 to index
      %swap3A_764 = arith.constant 112 : index
      %swap3A_765 = tpu.vector_load %arg6[%swap3A_763, %swap3A_764] {strides = array<i32>} : memref<10x128xi32, #tpu.memory_space<vmem>>, vector<1x16xi32>,
      %swap3A_766 = vector.shape_cast %swap3A_765 : vector<1x16xi32> to vector<16xi32>
      %swap3A_767 = vector.shape_cast %add3A_761 : vector<16xi32> to vector<1x16xi32>
      tpu.vector_store %arg6[%swap3A_763, %swap3A_764], %swap3A_767 {strides = array<i32>} : memref<10x128xi32, #tpu.memory_space<vmem>>, vector<1x16xi32>,
      %get3A_768 = arith.constant 3 : i32
      %get3A_769 = arith.index_cast %get3A_768 : i32 to index
      %get3A_770 = arith.constant 0 : index
      %get3A_771 = tpu.vector_load %arg5[%get3A_769, %get3A_770] {strides = array<i32>} : memref<10x128xi32, #tpu.memory_space<vmem>>, vector<1x16xi32>,
      %get3A_772 = vector.shape_cast %get3A_771 : vector<1x16xi32> to vector<16xi32>
      %shift_right_arithmetic3A_773 = arith.constant 14 : i32
      %shift_right_arithmetic3A_774 = vector.broadcast %shift_right_arithmetic3A_773 : i32 to vector<16xi32>
      %shift_right_arithmetic3A_775 = arith.shrsi %get3A_772, %shift_right_arithmetic3A_774 : vector<16xi32>
      %shift_left3A_776 = arith.constant 14 : i32
      %shift_left3A_777 = vector.broadcast %shift_left3A_776 : i32 to vector<16xi32>
      %shift_left3A_778 = arith.shli %shift_right_arithmetic3A_775, %shift_left3A_777 : vector<16xi32>
      %and3A_779 = arith.constant 8191 : i32
      %and3A_780 = vector.broadcast %and3A_779 : i32 to vector<16xi32>
      %and3A_781 = arith.andi %get3A_772, %and3A_780 : vector<16xi32>
      %shift_left3A_782 = arith.constant 1 : i32
      %shift_left3A_783 = vector.broadcast %shift_left3A_782 : i32 to vector<16xi32>
      %shift_left3A_784 = arith.shli %and3A_781, %shift_left3A_783 : vector<16xi32>
      %add3A_785 = arith.addi %shift_left3A_778, %shift_left3A_784 : vector<16xi32>
      %shift_right_arithmetic3A_786 = arith.constant 13 : i32
      %shift_right_arithmetic3A_787 = vector.broadcast %shift_right_arithmetic3A_786 : i32 to vector<16xi32>
      %shift_right_arithmetic3A_788 = arith.shrsi %get3A_772, %shift_right_arithmetic3A_787 : vector<16xi32>
      %and3A_789 = arith.constant 1 : i32
      %and3A_790 = vector.broadcast %and3A_789 : i32 to vector<16xi32>
      %and3A_791 = arith.andi %shift_right_arithmetic3A_788, %and3A_790 : vector<16xi32>
      %add3A_792 = arith.addi %add3A_785, %and3A_791 : vector<16xi32>
      %swap3A_793 = arith.constant 3 : i32
      %swap3A_794 = arith.index_cast %swap3A_793 : i32 to index
      %swap3A_795 = arith.constant 0 : index
      %swap3A_796 = tpu.vector_load %arg6[%swap3A_794, %swap3A_795] {strides = array<i32>} : memref<10x128xi32, #tpu.memory_space<vmem>>, vector<1x16xi32>,
      %swap3A_797 = vector.shape_cast %swap3A_796 : vector<1x16xi32> to vector<16xi32>
      %swap3A_798 = vector.shape_cast %add3A_792 : vector<16xi32> to vector<1x16xi32>
      tpu.vector_store %arg6[%swap3A_794, %swap3A_795], %swap3A_798 {strides = array<i32>} : memref<10x128xi32, #tpu.memory_space<vmem>>, vector<1x16xi32>,
      %get3A_799 = arith.constant 3 : i32
      %get3A_800 = arith.index_cast %get3A_799 : i32 to index
      %get3A_801 = arith.constant 16 : index
      %get3A_802 = tpu.vector_load %arg5[%get3A_800, %get3A_801] {strides = array<i32>} : memref<10x128xi32, #tpu.memory_space<vmem>>, vector<1x16xi32>,
      %get3A_803 = vector.shape_cast %get3A_802 : vector<1x16xi32> to vector<16xi32>
      %shift_right_arithmetic3A_804 = arith.constant 14 : i32
      %shift_right_arithmetic3A_805 = vector.broadcast %shift_right_arithmetic3A_804 : i32 to vector<16xi32>
      %shift_right_arithmetic3A_806 = arith.shrsi %get3A_803, %shift_right_arithmetic3A_805 : vector<16xi32>
      %shift_left3A_807 = arith.constant 14 : i32
      %shift_left3A_808 = vector.broadcast %shift_left3A_807 : i32 to vector<16xi32>
      %shift_left3A_809 = arith.shli %shift_right_arithmetic3A_806, %shift_left3A_808 : vector<16xi32>
      %and3A_810 = arith.constant 8191 : i32
      %and3A_811 = vector.broadcast %and3A_810 : i32 to vector<16xi32>
      %and3A_812 = arith.andi %get3A_803, %and3A_811 : vector<16xi32>
      %shift_left3A_813 = arith.constant 1 : i32
      %shift_left3A_814 = vector.broadcast %shift_left3A_813 : i32 to vector<16xi32>
      %shift_left3A_815 = arith.shli %and3A_812, %shift_left3A_814 : vector<16xi32>
      %add3A_816 = arith.addi %shift_left3A_809, %shift_left3A_815 : vector<16xi32>
      %shift_right_arithmetic3A_817 = arith.constant 13 : i32
      %shift_right_arithmetic3A_818 = vector.broadcast %shift_right_arithmetic3A_817 : i32 to vector<16xi32>
      %shift_right_arithmetic3A_819 = arith.shrsi %get3A_803, %shift_right_arithmetic3A_818 : vector<16xi32>
      %and3A_820 = arith.constant 1 : i32
      %and3A_821 = vector.broadcast %and3A_820 : i32 to vector<16xi32>
      %and3A_822 = arith.andi %shift_right_arithmetic3A_819, %and3A_821 : vector<16xi32>
      %add3A_823 = arith.addi %add3A_816, %and3A_822 : vector<16xi32>
      %swap3A_824 = arith.constant 3 : i32
      %swap3A_825 = arith.index_cast %swap3A_824 : i32 to index
      %swap3A_826 = arith.constant 16 : index
      %swap3A_827 = tpu.vector_load %arg6[%swap3A_825, %swap3A_826] {strides = array<i32>} : memref<10x128xi32, #tpu.memory_space<vmem>>, vector<1x16xi32>,
      %swap3A_828 = vector.shape_cast %swap3A_827 : vector<1x16xi32> to vector<16xi32>
      %swap3A_829 = vector.shape_cast %add3A_823 : vector<16xi32> to vector<1x16xi32>
      tpu.vector_store %arg6[%swap3A_825, %swap3A_826], %swap3A_829 {strides = array<i32>} : memref<10x128xi32, #tpu.memory_space<vmem>>, vector<1x16xi32>,
      %get3A_830 = arith.constant 3 : i32
      %get3A_831 = arith.index_cast %get3A_830 : i32 to index
      %get3A_832 = arith.constant 32 : index
      %get3A_833 = tpu.vector_load %arg5[%get3A_831, %get3A_832] {strides = array<i32>} : memref<10x128xi32, #tpu.memory_space<vmem>>, vector<1x16xi32>,
      %get3A_834 = vector.shape_cast %get3A_833 : vector<1x16xi32> to vector<16xi32>
      %shift_right_arithmetic3A_835 = arith.constant 14 : i32
      %shift_right_arithmetic3A_836 = vector.broadcast %shift_right_arithmetic3A_835 : i32 to vector<16xi32>
      %shift_right_arithmetic3A_837 = arith.shrsi %get3A_834, %shift_right_arithmetic3A_836 : vector<16xi32>
      %shift_left3A_838 = arith.constant 14 : i32
      %shift_left3A_839 = vector.broadcast %shift_left3A_838 : i32 to vector<16xi32>
      %shift_left3A_840 = arith.shli %shift_right_arithmetic3A_837, %shift_left3A_839 : vector<16xi32>
      %and3A_841 = arith.constant 8191 : i32
      %and3A_842 = vector.broadcast %and3A_841 : i32 to vector<16xi32>
      %and3A_843 = arith.andi %get3A_834, %and3A_842 : vector<16xi32>
      %shift_left3A_844 = arith.constant 1 : i32
      %shift_left3A_845 = vector.broadcast %shift_left3A_844 : i32 to vector<16xi32>
      %shift_left3A_846 = arith.shli %and3A_843, %shift_left3A_845 : vector<16xi32>
      %add3A_847 = arith.addi %shift_left3A_840, %shift_left3A_846 : vector<16xi32>
      %shift_right_arithmetic3A_848 = arith.constant 13 : i32
      %shift_right_arithmetic3A_849 = vector.broadcast %shift_right_arithmetic3A_848 : i32 to vector<16xi32>
      %shift_right_arithmetic3A_850 = arith.shrsi %get3A_834, %shift_right_arithmetic3A_849 : vector<16xi32>
      %and3A_851 = arith.constant 1 : i32
      %and3A_852 = vector.broadcast %and3A_851 : i32 to vector<16xi32>
      %and3A_853 = arith.andi %shift_right_arithmetic3A_850, %and3A_852 : vector<16xi32>
      %add3A_854 = arith.addi %add3A_847, %and3A_853 : vector<16xi32>
      %swap3A_855 = arith.constant 3 : i32
      %swap3A_856 = arith.index_cast %swap3A_855 : i32 to index
      %swap3A_857 = arith.constant 32 : index
      %swap3A_858 = tpu.vector_load %arg6[%swap3A_856, %swap3A_857] {strides = array<i32>} : memref<10x128xi32, #tpu.memory_space<vmem>>, vector<1x16xi32>,
      %swap3A_859 = vector.shape_cast %swap3A_858 : vector<1x16xi32> to vector<16xi32>
      %swap3A_860 = vector.shape_cast %add3A_854 : vector<16xi32> to vector<1x16xi32>
      tpu.vector_store %arg6[%swap3A_856, %swap3A_857], %swap3A_860 {strides = array<i32>} : memref<10x128xi32, #tpu.memory_space<vmem>>, vector<1x16xi32>,
      %get3A_861 = arith.constant 3 : i32
      %get3A_862 = arith.index_cast %get3A_861 : i32 to index
      %get3A_863 = arith.constant 48 : index
      %get3A_864 = tpu.vector_load %arg5[%get3A_862, %get3A_863] {strides = array<i32>} : memref<10x128xi32, #tpu.memory_space<vmem>>, vector<1x16xi32>,
      %get3A_865 = vector.shape_cast %get3A_864 : vector<1x16xi32> to vector<16xi32>
      %shift_right_arithmetic3A_866 = arith.constant 14 : i32
      %shift_right_arithmetic3A_867 = vector.broadcast %shift_right_arithmetic3A_866 : i32 to vector<16xi32>
      %shift_right_arithmetic3A_868 = arith.shrsi %get3A_865, %shift_right_arithmetic3A_867 : vector<16xi32>
      %shift_left3A_869 = arith.constant 14 : i32
      %shift_left3A_870 = vector.broadcast %shift_left3A_869 : i32 to vector<16xi32>
      %shift_left3A_871 = arith.shli %shift_right_arithmetic3A_868, %shift_left3A_870 : vector<16xi32>
      %and3A_872 = arith.constant 8191 : i32
      %and3A_873 = vector.broadcast %and3A_872 : i32 to vector<16xi32>
      %and3A_874 = arith.andi %get3A_865, %and3A_873 : vector<16xi32>
      %shift_left3A_875 = arith.constant 1 : i32
      %shift_left3A_876 = vector.broadcast %shift_left3A_875 : i32 to vector<16xi32>
      %shift_left3A_877 = arith.shli %and3A_874, %shift_left3A_876 : vector<16xi32>
      %add3A_878 = arith.addi %shift_left3A_871, %shift_left3A_877 : vector<16xi32>
      %shift_right_arithmetic3A_879 = arith.constant 13 : i32
      %shift_right_arithmetic3A_880 = vector.broadcast %shift_right_arithmetic3A_879 : i32 to vector<16xi32>
      %shift_right_arithmetic3A_881 = arith.shrsi %get3A_865, %shift_right_arithmetic3A_880 : vector<16xi32>
      %and3A_882 = arith.constant 1 : i32
      %and3A_883 = vector.broadcast %and3A_882 : i32 to vector<16xi32>
      %and3A_884 = arith.andi %shift_right_arithmetic3A_881, %and3A_883 : vector<16xi32>
      %add3A_885 = arith.addi %add3A_878, %and3A_884 : vector<16xi32>
      %swap3A_886 = arith.constant 3 : i32
      %swap3A_887 = arith.index_cast %swap3A_886 : i32 to index
      %swap3A_888 = arith.constant 48 : index
      %swap3A_889 = tpu.vector_load %arg6[%swap3A_887, %swap3A_888] {strides = array<i32>} : memref<10x128xi32, #tpu.memory_space<vmem>>, vector<1x16xi32>,
      %swap3A_890 = vector.shape_cast %swap3A_889 : vector<1x16xi32> to vector<16xi32>
      %swap3A_891 = vector.shape_cast %add3A_885 : vector<16xi32> to vector<1x16xi32>
      tpu.vector_store %arg6[%swap3A_887, %swap3A_888], %swap3A_891 {strides = array<i32>} : memref<10x128xi32, #tpu.memory_space<vmem>>, vector<1x16xi32>,
      %get3A_892 = arith.constant 3 : i32
      %get3A_893 = arith.index_cast %get3A_892 : i32 to index
      %get3A_894 = arith.constant 64 : index
      %get3A_895 = tpu.vector_load %arg5[%get3A_893, %get3A_894] {strides = array<i32>} : memref<10x128xi32, #tpu.memory_space<vmem>>, vector<1x16xi32>,
      %get3A_896 = vector.shape_cast %get3A_895 : vector<1x16xi32> to vector<16xi32>
      %shift_right_arithmetic3A_897 = arith.constant 14 : i32
      %shift_right_arithmetic3A_898 = vector.broadcast %shift_right_arithmetic3A_897 : i32 to vector<16xi32>
      %shift_right_arithmetic3A_899 = arith.shrsi %get3A_896, %shift_right_arithmetic3A_898 : vector<16xi32>
      %shift_left3A_900 = arith.constant 14 : i32
      %shift_left3A_901 = vector.broadcast %shift_left3A_900 : i32 to vector<16xi32>
      %shift_left3A_902 = arith.shli %shift_right_arithmetic3A_899, %shift_left3A_901 : vector<16xi32>
      %and3A_903 = arith.constant 8191 : i32
      %and3A_904 = vector.broadcast %and3A_903 : i32 to vector<16xi32>
      %and3A_905 = arith.andi %get3A_896, %and3A_904 : vector<16xi32>
      %shift_left3A_906 = arith.constant 1 : i32
      %shift_left3A_907 = vector.broadcast %shift_left3A_906 : i32 to vector<16xi32>
      %shift_left3A_908 = arith.shli %and3A_905, %shift_left3A_907 : vector<16xi32>
      %add3A_909 = arith.addi %shift_left3A_902, %shift_left3A_908 : vector<16xi32>
      %shift_right_arithmetic3A_910 = arith.constant 13 : i32
      %shift_right_arithmetic3A_911 = vector.broadcast %shift_right_arithmetic3A_910 : i32 to vector<16xi32>
      %shift_right_arithmetic3A_912 = arith.shrsi %get3A_896, %shift_right_arithmetic3A_911 : vector<16xi32>
      %and3A_913 = arith.constant 1 : i32
      %and3A_914 = vector.broadcast %and3A_913 : i32 to vector<16xi32>
      %and3A_915 = arith.andi %shift_right_arithmetic3A_912, %and3A_914 : vector<16xi32>
      %add3A_916 = arith.addi %add3A_909, %and3A_915 : vector<16xi32>
      %swap3A_917 = arith.constant 3 : i32
      %swap3A_918 = arith.index_cast %swap3A_917 : i32 to index
      %swap3A_919 = arith.constant 64 : index
      %swap3A_920 = tpu.vector_load %arg6[%swap3A_918, %swap3A_919] {strides = array<i32>} : memref<10x128xi32, #tpu.memory_space<vmem>>, vector<1x16xi32>,
      %swap3A_921 = vector.shape_cast %swap3A_920 : vector<1x16xi32> to vector<16xi32>
      %swap3A_922 = vector.shape_cast %add3A_916 : vector<16xi32> to vector<1x16xi32>
      tpu.vector_store %arg6[%swap3A_918, %swap3A_919], %swap3A_922 {strides = array<i32>} : memref<10x128xi32, #tpu.memory_space<vmem>>, vector<1x16xi32>,
      %get3A_923 = arith.constant 3 : i32
      %get3A_924 = arith.index_cast %get3A_923 : i32 to index
      %get3A_925 = arith.constant 80 : index
      %get3A_926 = tpu.vector_load %arg5[%get3A_924, %get3A_925] {strides = array<i32>} : memref<10x128xi32, #tpu.memory_space<vmem>>, vector<1x16xi32>,
      %get3A_927 = vector.shape_cast %get3A_926 : vector<1x16xi32> to vector<16xi32>
      %shift_right_arithmetic3A_928 = arith.constant 14 : i32
      %shift_right_arithmetic3A_929 = vector.broadcast %shift_right_arithmetic3A_928 : i32 to vector<16xi32>
      %shift_right_arithmetic3A_930 = arith.shrsi %get3A_927, %shift_right_arithmetic3A_929 : vector<16xi32>
      %shift_left3A_931 = arith.constant 14 : i32
      %shift_left3A_932 = vector.broadcast %shift_left3A_931 : i32 to vector<16xi32>
      %shift_left3A_933 = arith.shli %shift_right_arithmetic3A_930, %shift_left3A_932 : vector<16xi32>
      %and3A_934 = arith.constant 8191 : i32
      %and3A_935 = vector.broadcast %and3A_934 : i32 to vector<16xi32>
      %and3A_936 = arith.andi %get3A_927, %and3A_935 : vector<16xi32>
      %shift_left3A_937 = arith.constant 1 : i32
      %shift_left3A_938 = vector.broadcast %shift_left3A_937 : i32 to vector<16xi32>
      %shift_left3A_939 = arith.shli %and3A_936, %shift_left3A_938 : vector<16xi32>
      %add3A_940 = arith.addi %shift_left3A_933, %shift_left3A_939 : vector<16xi32>
      %shift_right_arithmetic3A_941 = arith.constant 13 : i32
      %shift_right_arithmetic3A_942 = vector.broadcast %shift_right_arithmetic3A_941 : i32 to vector<16xi32>
      %shift_right_arithmetic3A_943 = arith.shrsi %get3A_927, %shift_right_arithmetic3A_942 : vector<16xi32>
      %and3A_944 = arith.constant 1 : i32
      %and3A_945 = vector.broadcast %and3A_944 : i32 to vector<16xi32>
      %and3A_946 = arith.andi %shift_right_arithmetic3A_943, %and3A_945 : vector<16xi32>
      %add3A_947 = arith.addi %add3A_940, %and3A_946 : vector<16xi32>
      %swap3A_948 = arith.constant 3 : i32
      %swap3A_949 = arith.index_cast %swap3A_948 : i32 to index
      %swap3A_950 = arith.constant 80 : index
      %swap3A_951 = tpu.vector_load %arg6[%swap3A_949, %swap3A_950] {strides = array<i32>} : memref<10x128xi32, #tpu.memory_space<vmem>>, vector<1x16xi32>,
      %swap3A_952 = vector.shape_cast %swap3A_951 : vector<1x16xi32> to vector<16xi32>
      %swap3A_953 = vector.shape_cast %add3A_947 : vector<16xi32> to vector<1x16xi32>
      tpu.vector_store %arg6[%swap3A_949, %swap3A_950], %swap3A_953 {strides = array<i32>} : memref<10x128xi32, #tpu.memory_space<vmem>>, vector<1x16xi32>,
      %get3A_954 = arith.constant 3 : i32
      %get3A_955 = arith.index_cast %get3A_954 : i32 to index
      %get3A_956 = arith.constant 96 : index
      %get3A_957 = tpu.vector_load %arg5[%get3A_955, %get3A_956] {strides = array<i32>} : memref<10x128xi32, #tpu.memory_space<vmem>>, vector<1x16xi32>,
      %get3A_958 = vector.shape_cast %get3A_957 : vector<1x16xi32> to vector<16xi32>
      %shift_right_arithmetic3A_959 = arith.constant 14 : i32
      %shift_right_arithmetic3A_960 = vector.broadcast %shift_right_arithmetic3A_959 : i32 to vector<16xi32>
      %shift_right_arithmetic3A_961 = arith.shrsi %get3A_958, %shift_right_arithmetic3A_960 : vector<16xi32>
      %shift_left3A_962 = arith.constant 14 : i32
      %shift_left3A_963 = vector.broadcast %shift_left3A_962 : i32 to vector<16xi32>
      %shift_left3A_964 = arith.shli %shift_right_arithmetic3A_961, %shift_left3A_963 : vector<16xi32>
      %and3A_965 = arith.constant 8191 : i32
      %and3A_966 = vector.broadcast %and3A_965 : i32 to vector<16xi32>
      %and3A_967 = arith.andi %get3A_958, %and3A_966 : vector<16xi32>
      %shift_left3A_968 = arith.constant 1 : i32
      %shift_left3A_969 = vector.broadcast %shift_left3A_968 : i32 to vector<16xi32>
      %shift_left3A_970 = arith.shli %and3A_967, %shift_left3A_969 : vector<16xi32>
      %add3A_971 = arith.addi %shift_left3A_964, %shift_left3A_970 : vector<16xi32>
      %shift_right_arithmetic3A_972 = arith.constant 13 : i32
      %shift_right_arithmetic3A_973 = vector.broadcast %shift_right_arithmetic3A_972 : i32 to vector<16xi32>
      %shift_right_arithmetic3A_974 = arith.shrsi %get3A_958, %shift_right_arithmetic3A_973 : vector<16xi32>
      %and3A_975 = arith.constant 1 : i32
      %and3A_976 = vector.broadcast %and3A_975 : i32 to vector<16xi32>
      %and3A_977 = arith.andi %shift_right_arithmetic3A_974, %and3A_976 : vector<16xi32>
      %add3A_978 = arith.addi %add3A_971, %and3A_977 : vector<16xi32>
      %swap3A_979 = arith.constant 3 : i32
      %swap3A_980 = arith.index_cast %swap3A_979 : i32 to index
      %swap3A_981 = arith.constant 96 : index
      %swap3A_982 = tpu.vector_load %arg6[%swap3A_980, %swap3A_981] {strides = array<i32>} : memref<10x128xi32, #tpu.memory_space<vmem>>, vector<1x16xi32>,
      %swap3A_983 = vector.shape_cast %swap3A_982 : vector<1x16xi32> to vector<16xi32>
      %swap3A_984 = vector.shape_cast %add3A_978 : vector<16xi32> to vector<1x16xi32>
      tpu.vector_store %arg6[%swap3A_980, %swap3A_981], %swap3A_984 {strides = array<i32>} : memref<10x128xi32, #tpu.memory_space<vmem>>, vector<1x16xi32>,
      %get3A_985 = arith.constant 3 : i32
      %get3A_986 = arith.index_cast %get3A_985 : i32 to index
      %get3A_987 = arith.constant 112 : index
      %get3A_988 = tpu.vector_load %arg5[%get3A_986, %get3A_987] {strides = array<i32>} : memref<10x128xi32, #tpu.memory_space<vmem>>, vector<1x16xi32>,
      %get3A_989 = vector.shape_cast %get3A_988 : vector<1x16xi32> to vector<16xi32>
      %shift_right_arithmetic3A_990 = arith.constant 14 : i32
      %shift_right_arithmetic3A_991 = vector.broadcast %shift_right_arithmetic3A_990 : i32 to vector<16xi32>
      %shift_right_arithmetic3A_992 = arith.shrsi %get3A_989, %shift_right_arithmetic3A_991 : vector<16xi32>
      %shift_left3A_993 = arith.constant 14 : i32
      %shift_left3A_994 = vector.broadcast %shift_left3A_993 : i32 to vector<16xi32>
      %shift_left3A_995 = arith.shli %shift_right_arithmetic3A_992, %shift_left3A_994 : vector<16xi32>
      %and3A_996 = arith.constant 8191 : i32
      %and3A_997 = vector.broadcast %and3A_996 : i32 to vector<16xi32>
      %and3A_998 = arith.andi %get3A_989, %and3A_997 : vector<16xi32>
      %shift_left3A_999 = arith.constant 1 : i32
      %shift_left3A_1000 = vector.broadcast %shift_left3A_999 : i32 to vector<16xi32>
      %shift_left3A_1001 = arith.shli %and3A_998, %shift_left3A_1000 : vector<16xi32>
      %add3A_1002 = arith.addi %shift_left3A_995, %shift_left3A_1001 : vector<16xi32>
      %shift_right_arithmetic3A_1003 = arith.constant 13 : i32
      %shift_right_arithmetic3A_1004 = vector.broadcast %shift_right_arithmetic3A_1003 : i32 to vector<16xi32>
      %shift_right_arithmetic3A_1005 = arith.shrsi %get3A_989, %shift_right_arithmetic3A_1004 : vector<16xi32>
      %and3A_1006 = arith.constant 1 : i32
      %and3A_1007 = vector.broadcast %and3A_1006 : i32 to vector<16xi32>
      %and3A_1008 = arith.andi %shift_right_arithmetic3A_1005, %and3A_1007 : vector<16xi32>
      %add3A_1009 = arith.addi %add3A_1002, %and3A_1008 : vector<16xi32>
      %swap3A_1010 = arith.constant 3 : i32
      %swap3A_1011 = arith.index_cast %swap3A_1010 : i32 to index
      %swap3A_1012 = arith.constant 112 : index
      %swap3A_1013 = tpu.vector_load %arg6[%swap3A_1011, %swap3A_1012] {strides = array<i32>} : memref<10x128xi32, #tpu.memory_space<vmem>>, vector<1x16xi32>,
      %swap3A_1014 = vector.shape_cast %swap3A_1013 : vector<1x16xi32> to vector<16xi32>
      %swap3A_1015 = vector.shape_cast %add3A_1009 : vector<16xi32> to vector<1x16xi32>
      tpu.vector_store %arg6[%swap3A_1011, %swap3A_1012], %swap3A_1015 {strides = array<i32>} : memref<10x128xi32, #tpu.memory_space<vmem>>, vector<1x16xi32>,
      %get3A_1016 = arith.constant 4 : i32
      %get3A_1017 = arith.index_cast %get3A_1016 : i32 to index
      %get3A_1018 = arith.constant 0 : index
      %get3A_1019 = tpu.vector_load %arg5[%get3A_1017, %get3A_1018] {strides = array<i32>} : memref<10x128xi32, #tpu.memory_space<vmem>>, vector<1x16xi32>,
      %get3A_1020 = vector.shape_cast %get3A_1019 : vector<1x16xi32> to vector<16xi32>
      %shift_right_arithmetic3A_1021 = arith.constant 14 : i32
      %shift_right_arithmetic3A_1022 = vector.broadcast %shift_right_arithmetic3A_1021 : i32 to vector<16xi32>
      %shift_right_arithmetic3A_1023 = arith.shrsi %get3A_1020, %shift_right_arithmetic3A_1022 : vector<16xi32>
      %shift_left3A_1024 = arith.constant 14 : i32
      %shift_left3A_1025 = vector.broadcast %shift_left3A_1024 : i32 to vector<16xi32>
      %shift_left3A_1026 = arith.shli %shift_right_arithmetic3A_1023, %shift_left3A_1025 : vector<16xi32>
      %and3A_1027 = arith.constant 8191 : i32
      %and3A_1028 = vector.broadcast %and3A_1027 : i32 to vector<16xi32>
      %and3A_1029 = arith.andi %get3A_1020, %and3A_1028 : vector<16xi32>
      %shift_left3A_1030 = arith.constant 1 : i32
      %shift_left3A_1031 = vector.broadcast %shift_left3A_1030 : i32 to vector<16xi32>
      %shift_left3A_1032 = arith.shli %and3A_1029, %shift_left3A_1031 : vector<16xi32>
      %add3A_1033 = arith.addi %shift_left3A_1026, %shift_left3A_1032 : vector<16xi32>
      %shift_right_arithmetic3A_1034 = arith.constant 13 : i32
      %shift_right_arithmetic3A_1035 = vector.broadcast %shift_right_arithmetic3A_1034 : i32 to vector<16xi32>
      %shift_right_arithmetic3A_1036 = arith.shrsi %get3A_1020, %shift_right_arithmetic3A_1035 : vector<16xi32>
      %and3A_1037 = arith.constant 1 : i32
      %and3A_1038 = vector.broadcast %and3A_1037 : i32 to vector<16xi32>
      %and3A_1039 = arith.andi %shift_right_arithmetic3A_1036, %and3A_1038 : vector<16xi32>
      %add3A_1040 = arith.addi %add3A_1033, %and3A_1039 : vector<16xi32>
      %swap3A_1041 = arith.constant 4 : i32
      %swap3A_1042 = arith.index_cast %swap3A_1041 : i32 to index
      %swap3A_1043 = arith.constant 0 : index
      %swap3A_1044 = tpu.vector_load %arg6[%swap3A_1042, %swap3A_1043] {strides = array<i32>} : memref<10x128xi32, #tpu.memory_space<vmem>>, vector<1x16xi32>,
      %swap3A_1045 = vector.shape_cast %swap3A_1044 : vector<1x16xi32> to vector<16xi32>
      %swap3A_1046 = vector.shape_cast %add3A_1040 : vector<16xi32> to vector<1x16xi32>
      tpu.vector_store %arg6[%swap3A_1042, %swap3A_1043], %swap3A_1046 {strides = array<i32>} : memref<10x128xi32, #tpu.memory_space<vmem>>, vector<1x16xi32>,
      %get3A_1047 = arith.constant 4 : i32
      %get3A_1048 = arith.index_cast %get3A_1047 : i32 to index
      %get3A_1049 = arith.constant 16 : index
      %get3A_1050 = tpu.vector_load %arg5[%get3A_1048, %get3A_1049] {strides = array<i32>} : memref<10x128xi32, #tpu.memory_space<vmem>>, vector<1x16xi32>,
      %get3A_1051 = vector.shape_cast %get3A_1050 : vector<1x16xi32> to vector<16xi32>
      %shift_right_arithmetic3A_1052 = arith.constant 14 : i32
      %shift_right_arithmetic3A_1053 = vector.broadcast %shift_right_arithmetic3A_1052 : i32 to vector<16xi32>
      %shift_right_arithmetic3A_1054 = arith.shrsi %get3A_1051, %shift_right_arithmetic3A_1053 : vector<16xi32>
      %shift_left3A_1055 = arith.constant 14 : i32
      %shift_left3A_1056 = vector.broadcast %shift_left3A_1055 : i32 to vector<16xi32>
      %shift_left3A_1057 = arith.shli %shift_right_arithmetic3A_1054, %shift_left3A_1056 : vector<16xi32>
      %and3A_1058 = arith.constant 8191 : i32
      %and3A_1059 = vector.broadcast %and3A_1058 : i32 to vector<16xi32>
      %and3A_1060 = arith.andi %get3A_1051, %and3A_1059 : vector<16xi32>
      %shift_left3A_1061 = arith.constant 1 : i32
      %shift_left3A_1062 = vector.broadcast %shift_left3A_1061 : i32 to vector<16xi32>
      %shift_left3A_1063 = arith.shli %and3A_1060, %shift_left3A_1062 : vector<16xi32>
      %add3A_1064 = arith.addi %shift_left3A_1057, %shift_left3A_1063 : vector<16xi32>
      %shift_right_arithmetic3A_1065 = arith.constant 13 : i32
      %shift_right_arithmetic3A_1066 = vector.broadcast %shift_right_arithmetic3A_1065 : i32 to vector<16xi32>
      %shift_right_arithmetic3A_1067 = arith.shrsi %get3A_1051, %shift_right_arithmetic3A_1066 : vector<16xi32>
      %and3A_1068 = arith.constant 1 : i32
      %and3A_1069 = vector.broadcast %and3A_1068 : i32 to vector<16xi32>
      %and3A_1070 = arith.andi %shift_right_arithmetic3A_1067, %and3A_1069 : vector<16xi32>
      %add3A_1071 = arith.addi %add3A_1064, %and3A_1070 : vector<16xi32>
      %swap3A_1072 = arith.constant 4 : i32
      %swap3A_1073 = arith.index_cast %swap3A_1072 : i32 to index
      %swap3A_1074 = arith.constant 16 : index
      %swap3A_1075 = tpu.vector_load %arg6[%swap3A_1073, %swap3A_1074] {strides = array<i32>} : memref<10x128xi32, #tpu.memory_space<vmem>>, vector<1x16xi32>,
      %swap3A_1076 = vector.shape_cast %swap3A_1075 : vector<1x16xi32> to vector<16xi32>
      %swap3A_1077 = vector.shape_cast %add3A_1071 : vector<16xi32> to vector<1x16xi32>
      tpu.vector_store %arg6[%swap3A_1073, %swap3A_1074], %swap3A_1077 {strides = array<i32>} : memref<10x128xi32, #tpu.memory_space<vmem>>, vector<1x16xi32>,
      %get3A_1078 = arith.constant 4 : i32
      %get3A_1079 = arith.index_cast %get3A_1078 : i32 to index
      %get3A_1080 = arith.constant 32 : index
      %get3A_1081 = tpu.vector_load %arg5[%get3A_1079, %get3A_1080] {strides = array<i32>} : memref<10x128xi32, #tpu.memory_space<vmem>>, vector<1x16xi32>,
      %get3A_1082 = vector.shape_cast %get3A_1081 : vector<1x16xi32> to vector<16xi32>
      %shift_right_arithmetic3A_1083 = arith.constant 14 : i32
      %shift_right_arithmetic3A_1084 = vector.broadcast %shift_right_arithmetic3A_1083 : i32 to vector<16xi32>
      %shift_right_arithmetic3A_1085 = arith.shrsi %get3A_1082, %shift_right_arithmetic3A_1084 : vector<16xi32>
      %shift_left3A_1086 = arith.constant 14 : i32
      %shift_left3A_1087 = vector.broadcast %shift_left3A_1086 : i32 to vector<16xi32>
      %shift_left3A_1088 = arith.shli %shift_right_arithmetic3A_1085, %shift_left3A_1087 : vector<16xi32>
      %and3A_1089 = arith.constant 8191 : i32
      %and3A_1090 = vector.broadcast %and3A_1089 : i32 to vector<16xi32>
      %and3A_1091 = arith.andi %get3A_1082, %and3A_1090 : vector<16xi32>
      %shift_left3A_1092 = arith.constant 1 : i32
      %shift_left3A_1093 = vector.broadcast %shift_left3A_1092 : i32 to vector<16xi32>
      %shift_left3A_1094 = arith.shli %and3A_1091, %shift_left3A_1093 : vector<16xi32>
      %add3A_1095 = arith.addi %shift_left3A_1088, %shift_left3A_1094 : vector<16xi32>
      %shift_right_arithmetic3A_1096 = arith.constant 13 : i32
      %shift_right_arithmetic3A_1097 = vector.broadcast %shift_right_arithmetic3A_1096 : i32 to vector<16xi32>
      %shift_right_arithmetic3A_1098 = arith.shrsi %get3A_1082, %shift_right_arithmetic3A_1097 : vector<16xi32>
      %and3A_1099 = arith.constant 1 : i32
      %and3A_1100 = vector.broadcast %and3A_1099 : i32 to vector<16xi32>
      %and3A_1101 = arith.andi %shift_right_arithmetic3A_1098, %and3A_1100 : vector<16xi32>
      %add3A_1102 = arith.addi %add3A_1095, %and3A_1101 : vector<16xi32>
      %swap3A_1103 = arith.constant 4 : i32
      %swap3A_1104 = arith.index_cast %swap3A_1103 : i32 to index
      %swap3A_1105 = arith.constant 32 : index
      %swap3A_1106 = tpu.vector_load %arg6[%swap3A_1104, %swap3A_1105] {strides = array<i32>} : memref<10x128xi32, #tpu.memory_space<vmem>>, vector<1x16xi32>,
      %swap3A_1107 = vector.shape_cast %swap3A_1106 : vector<1x16xi32> to vector<16xi32>
      %swap3A_1108 = vector.shape_cast %add3A_1102 : vector<16xi32> to vector<1x16xi32>
      tpu.vector_store %arg6[%swap3A_1104, %swap3A_1105], %swap3A_1108 {strides = array<i32>} : memref<10x128xi32, #tpu.memory_space<vmem>>, vector<1x16xi32>,
      %get3A_1109 = arith.constant 4 : i32
      %get3A_1110 = arith.index_cast %get3A_1109 : i32 to index
      %get3A_1111 = arith.constant 48 : index
      %get3A_1112 = tpu.vector_load %arg5[%get3A_1110, %get3A_1111] {strides = array<i32>} : memref<10x128xi32, #tpu.memory_space<vmem>>, vector<1x16xi32>,
      %get3A_1113 = vector.shape_cast %get3A_1112 : vector<1x16xi32> to vector<16xi32>
      %shift_right_arithmetic3A_1114 = arith.constant 14 : i32
      %shift_right_arithmetic3A_1115 = vector.broadcast %shift_right_arithmetic3A_1114 : i32 to vector<16xi32>
      %shift_right_arithmetic3A_1116 = arith.shrsi %get3A_1113, %shift_right_arithmetic3A_1115 : vector<16xi32>
      %shift_left3A_1117 = arith.constant 14 : i32
      %shift_left3A_1118 = vector.broadcast %shift_left3A_1117 : i32 to vector<16xi32>
      %shift_left3A_1119 = arith.shli %shift_right_arithmetic3A_1116, %shift_left3A_1118 : vector<16xi32>
      %and3A_1120 = arith.constant 8191 : i32
      %and3A_1121 = vector.broadcast %and3A_1120 : i32 to vector<16xi32>
      %and3A_1122 = arith.andi %get3A_1113, %and3A_1121 : vector<16xi32>
      %shift_left3A_1123 = arith.constant 1 : i32
      %shift_left3A_1124 = vector.broadcast %shift_left3A_1123 : i32 to vector<16xi32>
      %shift_left3A_1125 = arith.shli %and3A_1122, %shift_left3A_1124 : vector<16xi32>
      %add3A_1126 = arith.addi %shift_left3A_1119, %shift_left3A_1125 : vector<16xi32>
      %shift_right_arithmetic3A_1127 = arith.constant 13 : i32
      %shift_right_arithmetic3A_1128 = vector.broadcast %shift_right_arithmetic3A_1127 : i32 to vector<16xi32>
      %shift_right_arithmetic3A_1129 = arith.shrsi %get3A_1113, %shift_right_arithmetic3A_1128 : vector<16xi32>
      %and3A_1130 = arith.constant 1 : i32
      %and3A_1131 = vector.broadcast %and3A_1130 : i32 to vector<16xi32>
      %and3A_1132 = arith.andi %shift_right_arithmetic3A_1129, %and3A_1131 : vector<16xi32>
      %add3A_1133 = arith.addi %add3A_1126, %and3A_1132 : vector<16xi32>
      %swap3A_1134 = arith.constant 4 : i32
      %swap3A_1135 = arith.index_cast %swap3A_1134 : i32 to index
      %swap3A_1136 = arith.constant 48 : index
      %swap3A_1137 = tpu.vector_load %arg6[%swap3A_1135, %swap3A_1136] {strides = array<i32>} : memref<10x128xi32, #tpu.memory_space<vmem>>, vector<1x16xi32>,
      %swap3A_1138 = vector.shape_cast %swap3A_1137 : vector<1x16xi32> to vector<16xi32>
      %swap3A_1139 = vector.shape_cast %add3A_1133 : vector<16xi32> to vector<1x16xi32>
      tpu.vector_store %arg6[%swap3A_1135, %swap3A_1136], %swap3A_1139 {strides = array<i32>} : memref<10x128xi32, #tpu.memory_space<vmem>>, vector<1x16xi32>,
      %get3A_1140 = arith.constant 4 : i32
      %get3A_1141 = arith.index_cast %get3A_1140 : i32 to index
      %get3A_1142 = arith.constant 64 : index
      %get3A_1143 = tpu.vector_load %arg5[%get3A_1141, %get3A_1142] {strides = array<i32>} : memref<10x128xi32, #tpu.memory_space<vmem>>, vector<1x16xi32>,
      %get3A_1144 = vector.shape_cast %get3A_1143 : vector<1x16xi32> to vector<16xi32>
      %shift_right_arithmetic3A_1145 = arith.constant 14 : i32
      %shift_right_arithmetic3A_1146 = vector.broadcast %shift_right_arithmetic3A_1145 : i32 to vector<16xi32>
      %shift_right_arithmetic3A_1147 = arith.shrsi %get3A_1144, %shift_right_arithmetic3A_1146 : vector<16xi32>
      %shift_left3A_1148 = arith.constant 14 : i32
      %shift_left3A_1149 = vector.broadcast %shift_left3A_1148 : i32 to vector<16xi32>
      %shift_left3A_1150 = arith.shli %shift_right_arithmetic3A_1147, %shift_left3A_1149 : vector<16xi32>
      %and3A_1151 = arith.constant 8191 : i32
      %and3A_1152 = vector.broadcast %and3A_1151 : i32 to vector<16xi32>
      %and3A_1153 = arith.andi %get3A_1144, %and3A_1152 : vector<16xi32>
      %shift_left3A_1154 = arith.constant 1 : i32
      %shift_left3A_1155 = vector.broadcast %shift_left3A_1154 : i32 to vector<16xi32>
      %shift_left3A_1156 = arith.shli %and3A_1153, %shift_left3A_1155 : vector<16xi32>
      %add3A_1157 = arith.addi %shift_left3A_1150, %shift_left3A_1156 : vector<16xi32>
      %shift_right_arithmetic3A_1158 = arith.constant 13 : i32
      %shift_right_arithmetic3A_1159 = vector.broadcast %shift_right_arithmetic3A_1158 : i32 to vector<16xi32>
      %shift_right_arithmetic3A_1160 = arith.shrsi %get3A_1144, %shift_right_arithmetic3A_1159 : vector<16xi32>
      %and3A_1161 = arith.constant 1 : i32
      %and3A_1162 = vector.broadcast %and3A_1161 : i32 to vector<16xi32>
      %and3A_1163 = arith.andi %shift_right_arithmetic3A_1160, %and3A_1162 : vector<16xi32>
      %add3A_1164 = arith.addi %add3A_1157, %and3A_1163 : vector<16xi32>
      %swap3A_1165 = arith.constant 4 : i32
      %swap3A_1166 = arith.index_cast %swap3A_1165 : i32 to index
      %swap3A_1167 = arith.constant 64 : index
      %swap3A_1168 = tpu.vector_load %arg6[%swap3A_1166, %swap3A_1167] {strides = array<i32>} : memref<10x128xi32, #tpu.memory_space<vmem>>, vector<1x16xi32>,
      %swap3A_1169 = vector.shape_cast %swap3A_1168 : vector<1x16xi32> to vector<16xi32>
      %swap3A_1170 = vector.shape_cast %add3A_1164 : vector<16xi32> to vector<1x16xi32>
      tpu.vector_store %arg6[%swap3A_1166, %swap3A_1167], %swap3A_1170 {strides = array<i32>} : memref<10x128xi32, #tpu.memory_space<vmem>>, vector<1x16xi32>,
      %get3A_1171 = arith.constant 4 : i32
      %get3A_1172 = arith.index_cast %get3A_1171 : i32 to index
      %get3A_1173 = arith.constant 80 : index
      %get3A_1174 = tpu.vector_load %arg5[%get3A_1172, %get3A_1173] {strides = array<i32>} : memref<10x128xi32, #tpu.memory_space<vmem>>, vector<1x16xi32>,
      %get3A_1175 = vector.shape_cast %get3A_1174 : vector<1x16xi32> to vector<16xi32>
      %shift_right_arithmetic3A_1176 = arith.constant 14 : i32
      %shift_right_arithmetic3A_1177 = vector.broadcast %shift_right_arithmetic3A_1176 : i32 to vector<16xi32>
      %shift_right_arithmetic3A_1178 = arith.shrsi %get3A_1175, %shift_right_arithmetic3A_1177 : vector<16xi32>
      %shift_left3A_1179 = arith.constant 14 : i32
      %shift_left3A_1180 = vector.broadcast %shift_left3A_1179 : i32 to vector<16xi32>
      %shift_left3A_1181 = arith.shli %shift_right_arithmetic3A_1178, %shift_left3A_1180 : vector<16xi32>
      %and3A_1182 = arith.constant 8191 : i32
      %and3A_1183 = vector.broadcast %and3A_1182 : i32 to vector<16xi32>
      %and3A_1184 = arith.andi %get3A_1175, %and3A_1183 : vector<16xi32>
      %shift_left3A_1185 = arith.constant 1 : i32
      %shift_left3A_1186 = vector.broadcast %shift_left3A_1185 : i32 to vector<16xi32>
      %shift_left3A_1187 = arith.shli %and3A_1184, %shift_left3A_1186 : vector<16xi32>
      %add3A_1188 = arith.addi %shift_left3A_1181, %shift_left3A_1187 : vector<16xi32>
      %shift_right_arithmetic3A_1189 = arith.constant 13 : i32
      %shift_right_arithmetic3A_1190 = vector.broadcast %shift_right_arithmetic3A_1189 : i32 to vector<16xi32>
      %shift_right_arithmetic3A_1191 = arith.shrsi %get3A_1175, %shift_right_arithmetic3A_1190 : vector<16xi32>
      %and3A_1192 = arith.constant 1 : i32
      %and3A_1193 = vector.broadcast %and3A_1192 : i32 to vector<16xi32>
      %and3A_1194 = arith.andi %shift_right_arithmetic3A_1191, %and3A_1193 : vector<16xi32>
      %add3A_1195 = arith.addi %add3A_1188, %and3A_1194 : vector<16xi32>
      %swap3A_1196 = arith.constant 4 : i32
      %swap3A_1197 = arith.index_cast %swap3A_1196 : i32 to index
      %swap3A_1198 = arith.constant 80 : index
      %swap3A_1199 = tpu.vector_load %arg6[%swap3A_1197, %swap3A_1198] {strides = array<i32>} : memref<10x128xi32, #tpu.memory_space<vmem>>, vector<1x16xi32>,
      %swap3A_1200 = vector.shape_cast %swap3A_1199 : vector<1x16xi32> to vector<16xi32>
      %swap3A_1201 = vector.shape_cast %add3A_1195 : vector<16xi32> to vector<1x16xi32>
      tpu.vector_store %arg6[%swap3A_1197, %swap3A_1198], %swap3A_1201 {strides = array<i32>} : memref<10x128xi32, #tpu.memory_space<vmem>>, vector<1x16xi32>,
      %get3A_1202 = arith.constant 4 : i32
      %get3A_1203 = arith.index_cast %get3A_1202 : i32 to index
      %get3A_1204 = arith.constant 96 : index
      %get3A_1205 = tpu.vector_load %arg5[%get3A_1203, %get3A_1204] {strides = array<i32>} : memref<10x128xi32, #tpu.memory_space<vmem>>, vector<1x16xi32>,
      %get3A_1206 = vector.shape_cast %get3A_1205 : vector<1x16xi32> to vector<16xi32>
      %shift_right_arithmetic3A_1207 = arith.constant 14 : i32
      %shift_right_arithmetic3A_1208 = vector.broadcast %shift_right_arithmetic3A_1207 : i32 to vector<16xi32>
      %shift_right_arithmetic3A_1209 = arith.shrsi %get3A_1206, %shift_right_arithmetic3A_1208 : vector<16xi32>
      %shift_left3A_1210 = arith.constant 14 : i32
      %shift_left3A_1211 = vector.broadcast %shift_left3A_1210 : i32 to vector<16xi32>
      %shift_left3A_1212 = arith.shli %shift_right_arithmetic3A_1209, %shift_left3A_1211 : vector<16xi32>
      %and3A_1213 = arith.constant 8191 : i32
      %and3A_1214 = vector.broadcast %and3A_1213 : i32 to vector<16xi32>
      %and3A_1215 = arith.andi %get3A_1206, %and3A_1214 : vector<16xi32>
      %shift_left3A_1216 = arith.constant 1 : i32
      %shift_left3A_1217 = vector.broadcast %shift_left3A_1216 : i32 to vector<16xi32>
      %shift_left3A_1218 = arith.shli %and3A_1215, %shift_left3A_1217 : vector<16xi32>
      %add3A_1219 = arith.addi %shift_left3A_1212, %shift_left3A_1218 : vector<16xi32>
      %shift_right_arithmetic3A_1220 = arith.constant 13 : i32
      %shift_right_arithmetic3A_1221 = vector.broadcast %shift_right_arithmetic3A_1220 : i32 to vector<16xi32>
      %shift_right_arithmetic3A_1222 = arith.shrsi %get3A_1206, %shift_right_arithmetic3A_1221 : vector<16xi32>
      %and3A_1223 = arith.constant 1 : i32
      %and3A_1224 = vector.broadcast %and3A_1223 : i32 to vector<16xi32>
      %and3A_1225 = arith.andi %shift_right_arithmetic3A_1222, %and3A_1224 : vector<16xi32>
      %add3A_1226 = arith.addi %add3A_1219, %and3A_1225 : vector<16xi32>
      %swap3A_1227 = arith.constant 4 : i32
      %swap3A_1228 = arith.index_cast %swap3A_1227 : i32 to index
      %swap3A_1229 = arith.constant 96 : index
      %swap3A_1230 = tpu.vector_load %arg6[%swap3A_1228, %swap3A_1229] {strides = array<i32>} : memref<10x128xi32, #tpu.memory_space<vmem>>, vector<1x16xi32>,
      %swap3A_1231 = vector.shape_cast %swap3A_1230 : vector<1x16xi32> to vector<16xi32>
      %swap3A_1232 = vector.shape_cast %add3A_1226 : vector<16xi32> to vector<1x16xi32>
      tpu.vector_store %arg6[%swap3A_1228, %swap3A_1229], %swap3A_1232 {strides = array<i32>} : memref<10x128xi32, #tpu.memory_space<vmem>>, vector<1x16xi32>,
      %get3A_1233 = arith.constant 4 : i32
      %get3A_1234 = arith.index_cast %get3A_1233 : i32 to index
      %get3A_1235 = arith.constant 112 : index
      %get3A_1236 = tpu.vector_load %arg5[%get3A_1234, %get3A_1235] {strides = array<i32>} : memref<10x128xi32, #tpu.memory_space<vmem>>, vector<1x16xi32>,
      %get3A_1237 = vector.shape_cast %get3A_1236 : vector<1x16xi32> to vector<16xi32>
      %shift_right_arithmetic3A_1238 = arith.constant 14 : i32
      %shift_right_arithmetic3A_1239 = vector.broadcast %shift_right_arithmetic3A_1238 : i32 to vector<16xi32>
      %shift_right_arithmetic3A_1240 = arith.shrsi %get3A_1237, %shift_right_arithmetic3A_1239 : vector<16xi32>
      %shift_left3A_1241 = arith.constant 14 : i32
      %shift_left3A_1242 = vector.broadcast %shift_left3A_1241 : i32 to vector<16xi32>
      %shift_left3A_1243 = arith.shli %shift_right_arithmetic3A_1240, %shift_left3A_1242 : vector<16xi32>
      %and3A_1244 = arith.constant 8191 : i32
      %and3A_1245 = vector.broadcast %and3A_1244 : i32 to vector<16xi32>
      %and3A_1246 = arith.andi %get3A_1237, %and3A_1245 : vector<16xi32>
      %shift_left3A_1247 = arith.constant 1 : i32
      %shift_left3A_1248 = vector.broadcast %shift_left3A_1247 : i32 to vector<16xi32>
      %shift_left3A_1249 = arith.shli %and3A_1246, %shift_left3A_1248 : vector<16xi32>
      %add3A_1250 = arith.addi %shift_left3A_1243, %shift_left3A_1249 : vector<16xi32>
      %shift_right_arithmetic3A_1251 = arith.constant 13 : i32
      %shift_right_arithmetic3A_1252 = vector.broadcast %shift_right_arithmetic3A_1251 : i32 to vector<16xi32>
      %shift_right_arithmetic3A_1253 = arith.shrsi %get3A_1237, %shift_right_arithmetic3A_1252 : vector<16xi32>
      %and3A_1254 = arith.constant 1 : i32
      %and3A_1255 = vector.broadcast %and3A_1254 : i32 to vector<16xi32>
      %and3A_1256 = arith.andi %shift_right_arithmetic3A_1253, %and3A_1255 : vector<16xi32>
      %add3A_1257 = arith.addi %add3A_1250, %and3A_1256 : vector<16xi32>
      %swap3A_1258 = arith.constant 4 : i32
      %swap3A_1259 = arith.index_cast %swap3A_1258 : i32 to index
      %swap3A_1260 = arith.constant 112 : index
      %swap3A_1261 = tpu.vector_load %arg6[%swap3A_1259, %swap3A_1260] {strides = array<i32>} : memref<10x128xi32, #tpu.memory_space<vmem>>, vector<1x16xi32>,
      %swap3A_1262 = vector.shape_cast %swap3A_1261 : vector<1x16xi32> to vector<16xi32>
      %swap3A_1263 = vector.shape_cast %add3A_1257 : vector<16xi32> to vector<1x16xi32>
      tpu.vector_store %arg6[%swap3A_1259, %swap3A_1260], %swap3A_1263 {strides = array<i32>} : memref<10x128xi32, #tpu.memory_space<vmem>>, vector<1x16xi32>,
      %get3A_1264 = arith.constant 5 : i32
      %get3A_1265 = arith.index_cast %get3A_1264 : i32 to index
      %get3A_1266 = arith.constant 0 : index
      %get3A_1267 = tpu.vector_load %arg5[%get3A_1265, %get3A_1266] {strides = array<i32>} : memref<10x128xi32, #tpu.memory_space<vmem>>, vector<1x16xi32>,
      %get3A_1268 = vector.shape_cast %get3A_1267 : vector<1x16xi32> to vector<16xi32>
      %shift_right_arithmetic3A_1269 = arith.constant 14 : i32
      %shift_right_arithmetic3A_1270 = vector.broadcast %shift_right_arithmetic3A_1269 : i32 to vector<16xi32>
      %shift_right_arithmetic3A_1271 = arith.shrsi %get3A_1268, %shift_right_arithmetic3A_1270 : vector<16xi32>
      %shift_left3A_1272 = arith.constant 14 : i32
      %shift_left3A_1273 = vector.broadcast %shift_left3A_1272 : i32 to vector<16xi32>
      %shift_left3A_1274 = arith.shli %shift_right_arithmetic3A_1271, %shift_left3A_1273 : vector<16xi32>
      %and3A_1275 = arith.constant 8191 : i32
      %and3A_1276 = vector.broadcast %and3A_1275 : i32 to vector<16xi32>
      %and3A_1277 = arith.andi %get3A_1268, %and3A_1276 : vector<16xi32>
      %shift_left3A_1278 = arith.constant 1 : i32
      %shift_left3A_1279 = vector.broadcast %shift_left3A_1278 : i32 to vector<16xi32>
      %shift_left3A_1280 = arith.shli %and3A_1277, %shift_left3A_1279 : vector<16xi32>
      %add3A_1281 = arith.addi %shift_left3A_1274, %shift_left3A_1280 : vector<16xi32>
      %shift_right_arithmetic3A_1282 = arith.constant 13 : i32
      %shift_right_arithmetic3A_1283 = vector.broadcast %shift_right_arithmetic3A_1282 : i32 to vector<16xi32>
      %shift_right_arithmetic3A_1284 = arith.shrsi %get3A_1268, %shift_right_arithmetic3A_1283 : vector<16xi32>
      %and3A_1285 = arith.constant 1 : i32
      %and3A_1286 = vector.broadcast %and3A_1285 : i32 to vector<16xi32>
      %and3A_1287 = arith.andi %shift_right_arithmetic3A_1284, %and3A_1286 : vector<16xi32>
      %add3A_1288 = arith.addi %add3A_1281, %and3A_1287 : vector<16xi32>
      %swap3A_1289 = arith.constant 5 : i32
      %swap3A_1290 = arith.index_cast %swap3A_1289 : i32 to index
      %swap3A_1291 = arith.constant 0 : index
      %swap3A_1292 = tpu.vector_load %arg6[%swap3A_1290, %swap3A_1291] {strides = array<i32>} : memref<10x128xi32, #tpu.memory_space<vmem>>, vector<1x16xi32>,
      %swap3A_1293 = vector.shape_cast %swap3A_1292 : vector<1x16xi32> to vector<16xi32>
      %swap3A_1294 = vector.shape_cast %add3A_1288 : vector<16xi32> to vector<1x16xi32>
      tpu.vector_store %arg6[%swap3A_1290, %swap3A_1291], %swap3A_1294 {strides = array<i32>} : memref<10x128xi32, #tpu.memory_space<vmem>>, vector<1x16xi32>,
      %get3A_1295 = arith.constant 5 : i32
      %get3A_1296 = arith.index_cast %get3A_1295 : i32 to index
      %get3A_1297 = arith.constant 16 : index
      %get3A_1298 = tpu.vector_load %arg5[%get3A_1296, %get3A_1297] {strides = array<i32>} : memref<10x128xi32, #tpu.memory_space<vmem>>, vector<1x16xi32>,
      %get3A_1299 = vector.shape_cast %get3A_1298 : vector<1x16xi32> to vector<16xi32>
      %shift_right_arithmetic3A_1300 = arith.constant 14 : i32
      %shift_right_arithmetic3A_1301 = vector.broadcast %shift_right_arithmetic3A_1300 : i32 to vector<16xi32>
      %shift_right_arithmetic3A_1302 = arith.shrsi %get3A_1299, %shift_right_arithmetic3A_1301 : vector<16xi32>
      %shift_left3A_1303 = arith.constant 14 : i32
      %shift_left3A_1304 = vector.broadcast %shift_left3A_1303 : i32 to vector<16xi32>
      %shift_left3A_1305 = arith.shli %shift_right_arithmetic3A_1302, %shift_left3A_1304 : vector<16xi32>
      %and3A_1306 = arith.constant 8191 : i32
      %and3A_1307 = vector.broadcast %and3A_1306 : i32 to vector<16xi32>
      %and3A_1308 = arith.andi %get3A_1299, %and3A_1307 : vector<16xi32>
      %shift_left3A_1309 = arith.constant 1 : i32
      %shift_left3A_1310 = vector.broadcast %shift_left3A_1309 : i32 to vector<16xi32>
      %shift_left3A_1311 = arith.shli %and3A_1308, %shift_left3A_1310 : vector<16xi32>
      %add3A_1312 = arith.addi %shift_left3A_1305, %shift_left3A_1311 : vector<16xi32>
      %shift_right_arithmetic3A_1313 = arith.constant 13 : i32
      %shift_right_arithmetic3A_1314 = vector.broadcast %shift_right_arithmetic3A_1313 : i32 to vector<16xi32>
      %shift_right_arithmetic3A_1315 = arith.shrsi %get3A_1299, %shift_right_arithmetic3A_1314 : vector<16xi32>
      %and3A_1316 = arith.constant 1 : i32
      %and3A_1317 = vector.broadcast %and3A_1316 : i32 to vector<16xi32>
      %and3A_1318 = arith.andi %shift_right_arithmetic3A_1315, %and3A_1317 : vector<16xi32>
      %add3A_1319 = arith.addi %add3A_1312, %and3A_1318 : vector<16xi32>
      %swap3A_1320 = arith.constant 5 : i32
      %swap3A_1321 = arith.index_cast %swap3A_1320 : i32 to index
      %swap3A_1322 = arith.constant 16 : index
      %swap3A_1323 = tpu.vector_load %arg6[%swap3A_1321, %swap3A_1322] {strides = array<i32>} : memref<10x128xi32, #tpu.memory_space<vmem>>, vector<1x16xi32>,
      %swap3A_1324 = vector.shape_cast %swap3A_1323 : vector<1x16xi32> to vector<16xi32>
      %swap3A_1325 = vector.shape_cast %add3A_1319 : vector<16xi32> to vector<1x16xi32>
      tpu.vector_store %arg6[%swap3A_1321, %swap3A_1322], %swap3A_1325 {strides = array<i32>} : memref<10x128xi32, #tpu.memory_space<vmem>>, vector<1x16xi32>,
      %get3A_1326 = arith.constant 5 : i32
      %get3A_1327 = arith.index_cast %get3A_1326 : i32 to index
      %get3A_1328 = arith.constant 32 : index
      %get3A_1329 = tpu.vector_load %arg5[%get3A_1327, %get3A_1328] {strides = array<i32>} : memref<10x128xi32, #tpu.memory_space<vmem>>, vector<1x16xi32>,
      %get3A_1330 = vector.shape_cast %get3A_1329 : vector<1x16xi32> to vector<16xi32>
      %shift_right_arithmetic3A_1331 = arith.constant 14 : i32
      %shift_right_arithmetic3A_1332 = vector.broadcast %shift_right_arithmetic3A_1331 : i32 to vector<16xi32>
      %shift_right_arithmetic3A_1333 = arith.shrsi %get3A_1330, %shift_right_arithmetic3A_1332 : vector<16xi32>
      %shift_left3A_1334 = arith.constant 14 : i32
      %shift_left3A_1335 = vector.broadcast %shift_left3A_1334 : i32 to vector<16xi32>
      %shift_left3A_1336 = arith.shli %shift_right_arithmetic3A_1333, %shift_left3A_1335 : vector<16xi32>
      %and3A_1337 = arith.constant 8191 : i32
      %and3A_1338 = vector.broadcast %and3A_1337 : i32 to vector<16xi32>
      %and3A_1339 = arith.andi %get3A_1330, %and3A_1338 : vector<16xi32>
      %shift_left3A_1340 = arith.constant 1 : i32
      %shift_left3A_1341 = vector.broadcast %shift_left3A_1340 : i32 to vector<16xi32>
      %shift_left3A_1342 = arith.shli %and3A_1339, %shift_left3A_1341 : vector<16xi32>
      %add3A_1343 = arith.addi %shift_left3A_1336, %shift_left3A_1342 : vector<16xi32>
      %shift_right_arithmetic3A_1344 = arith.constant 13 : i32
      %shift_right_arithmetic3A_1345 = vector.broadcast %shift_right_arithmetic3A_1344 : i32 to vector<16xi32>
      %shift_right_arithmetic3A_1346 = arith.shrsi %get3A_1330, %shift_right_arithmetic3A_1345 : vector<16xi32>
      %and3A_1347 = arith.constant 1 : i32
      %and3A_1348 = vector.broadcast %and3A_1347 : i32 to vector<16xi32>
      %and3A_1349 = arith.andi %shift_right_arithmetic3A_1346, %and3A_1348 : vector<16xi32>
      %add3A_1350 = arith.addi %add3A_1343, %and3A_1349 : vector<16xi32>
      %swap3A_1351 = arith.constant 5 : i32
      %swap3A_1352 = arith.index_cast %swap3A_1351 : i32 to index
      %swap3A_1353 = arith.constant 32 : index
      %swap3A_1354 = tpu.vector_load %arg6[%swap3A_1352, %swap3A_1353] {strides = array<i32>} : memref<10x128xi32, #tpu.memory_space<vmem>>, vector<1x16xi32>,
      %swap3A_1355 = vector.shape_cast %swap3A_1354 : vector<1x16xi32> to vector<16xi32>
      %swap3A_1356 = vector.shape_cast %add3A_1350 : vector<16xi32> to vector<1x16xi32>
      tpu.vector_store %arg6[%swap3A_1352, %swap3A_1353], %swap3A_1356 {strides = array<i32>} : memref<10x128xi32, #tpu.memory_space<vmem>>, vector<1x16xi32>,
      %get3A_1357 = arith.constant 5 : i32
      %get3A_1358 = arith.index_cast %get3A_1357 : i32 to index
      %get3A_1359 = arith.constant 48 : index
      %get3A_1360 = tpu.vector_load %arg5[%get3A_1358, %get3A_1359] {strides = array<i32>} : memref<10x128xi32, #tpu.memory_space<vmem>>, vector<1x16xi32>,
      %get3A_1361 = vector.shape_cast %get3A_1360 : vector<1x16xi32> to vector<16xi32>
      %shift_right_arithmetic3A_1362 = arith.constant 14 : i32
      %shift_right_arithmetic3A_1363 = vector.broadcast %shift_right_arithmetic3A_1362 : i32 to vector<16xi32>
      %shift_right_arithmetic3A_1364 = arith.shrsi %get3A_1361, %shift_right_arithmetic3A_1363 : vector<16xi32>
      %shift_left3A_1365 = arith.constant 14 : i32
      %shift_left3A_1366 = vector.broadcast %shift_left3A_1365 : i32 to vector<16xi32>
      %shift_left3A_1367 = arith.shli %shift_right_arithmetic3A_1364, %shift_left3A_1366 : vector<16xi32>
      %and3A_1368 = arith.constant 8191 : i32
      %and3A_1369 = vector.broadcast %and3A_1368 : i32 to vector<16xi32>
      %and3A_1370 = arith.andi %get3A_1361, %and3A_1369 : vector<16xi32>
      %shift_left3A_1371 = arith.constant 1 : i32
      %shift_left3A_1372 = vector.broadcast %shift_left3A_1371 : i32 to vector<16xi32>
      %shift_left3A_1373 = arith.shli %and3A_1370, %shift_left3A_1372 : vector<16xi32>
      %add3A_1374 = arith.addi %shift_left3A_1367, %shift_left3A_1373 : vector<16xi32>
      %shift_right_arithmetic3A_1375 = arith.constant 13 : i32
      %shift_right_arithmetic3A_1376 = vector.broadcast %shift_right_arithmetic3A_1375 : i32 to vector<16xi32>
      %shift_right_arithmetic3A_1377 = arith.shrsi %get3A_1361, %shift_right_arithmetic3A_1376 : vector<16xi32>
      %and3A_1378 = arith.constant 1 : i32
      %and3A_1379 = vector.broadcast %and3A_1378 : i32 to vector<16xi32>
      %and3A_1380 = arith.andi %shift_right_arithmetic3A_1377, %and3A_1379 : vector<16xi32>
      %add3A_1381 = arith.addi %add3A_1374, %and3A_1380 : vector<16xi32>
      %swap3A_1382 = arith.constant 5 : i32
      %swap3A_1383 = arith.index_cast %swap3A_1382 : i32 to index
      %swap3A_1384 = arith.constant 48 : index
      %swap3A_1385 = tpu.vector_load %arg6[%swap3A_1383, %swap3A_1384] {strides = array<i32>} : memref<10x128xi32, #tpu.memory_space<vmem>>, vector<1x16xi32>,
      %swap3A_1386 = vector.shape_cast %swap3A_1385 : vector<1x16xi32> to vector<16xi32>
      %swap3A_1387 = vector.shape_cast %add3A_1381 : vector<16xi32> to vector<1x16xi32>
      tpu.vector_store %arg6[%swap3A_1383, %swap3A_1384], %swap3A_1387 {strides = array<i32>} : memref<10x128xi32, #tpu.memory_space<vmem>>, vector<1x16xi32>,
      %get3A_1388 = arith.constant 5 : i32
      %get3A_1389 = arith.index_cast %get3A_1388 : i32 to index
      %get3A_1390 = arith.constant 64 : index
      %get3A_1391 = tpu.vector_load %arg5[%get3A_1389, %get3A_1390] {strides = array<i32>} : memref<10x128xi32, #tpu.memory_space<vmem>>, vector<1x16xi32>,
      %get3A_1392 = vector.shape_cast %get3A_1391 : vector<1x16xi32> to vector<16xi32>
      %shift_right_arithmetic3A_1393 = arith.constant 14 : i32
      %shift_right_arithmetic3A_1394 = vector.broadcast %shift_right_arithmetic3A_1393 : i32 to vector<16xi32>
      %shift_right_arithmetic3A_1395 = arith.shrsi %get3A_1392, %shift_right_arithmetic3A_1394 : vector<16xi32>
      %shift_left3A_1396 = arith.constant 14 : i32
      %shift_left3A_1397 = vector.broadcast %shift_left3A_1396 : i32 to vector<16xi32>
      %shift_left3A_1398 = arith.shli %shift_right_arithmetic3A_1395, %shift_left3A_1397 : vector<16xi32>
      %and3A_1399 = arith.constant 8191 : i32
      %and3A_1400 = vector.broadcast %and3A_1399 : i32 to vector<16xi32>
      %and3A_1401 = arith.andi %get3A_1392, %and3A_1400 : vector<16xi32>
      %shift_left3A_1402 = arith.constant 1 : i32
      %shift_left3A_1403 = vector.broadcast %shift_left3A_1402 : i32 to vector<16xi32>
      %shift_left3A_1404 = arith.shli %and3A_1401, %shift_left3A_1403 : vector<16xi32>
      %add3A_1405 = arith.addi %shift_left3A_1398, %shift_left3A_1404 : vector<16xi32>
      %shift_right_arithmetic3A_1406 = arith.constant 13 : i32
      %shift_right_arithmetic3A_1407 = vector.broadcast %shift_right_arithmetic3A_1406 : i32 to vector<16xi32>
      %shift_right_arithmetic3A_1408 = arith.shrsi %get3A_1392, %shift_right_arithmetic3A_1407 : vector<16xi32>
      %and3A_1409 = arith.constant 1 : i32
      %and3A_1410 = vector.broadcast %and3A_1409 : i32 to vector<16xi32>
      %and3A_1411 = arith.andi %shift_right_arithmetic3A_1408, %and3A_1410 : vector<16xi32>
      %add3A_1412 = arith.addi %add3A_1405, %and3A_1411 : vector<16xi32>
      %swap3A_1413 = arith.constant 5 : i32
      %swap3A_1414 = arith.index_cast %swap3A_1413 : i32 to index
      %swap3A_1415 = arith.constant 64 : index
      %swap3A_1416 = tpu.vector_load %arg6[%swap3A_1414, %swap3A_1415] {strides = array<i32>} : memref<10x128xi32, #tpu.memory_space<vmem>>, vector<1x16xi32>,
      %swap3A_1417 = vector.shape_cast %swap3A_1416 : vector<1x16xi32> to vector<16xi32>
      %swap3A_1418 = vector.shape_cast %add3A_1412 : vector<16xi32> to vector<1x16xi32>
      tpu.vector_store %arg6[%swap3A_1414, %swap3A_1415], %swap3A_1418 {strides = array<i32>} : memref<10x128xi32, #tpu.memory_space<vmem>>, vector<1x16xi32>,
      %get3A_1419 = arith.constant 5 : i32
      %get3A_1420 = arith.index_cast %get3A_1419 : i32 to index
      %get3A_1421 = arith.constant 80 : index
      %get3A_1422 = tpu.vector_load %arg5[%get3A_1420, %get3A_1421] {strides = array<i32>} : memref<10x128xi32, #tpu.memory_space<vmem>>, vector<1x16xi32>,
      %get3A_1423 = vector.shape_cast %get3A_1422 : vector<1x16xi32> to vector<16xi32>
      %shift_right_arithmetic3A_1424 = arith.constant 14 : i32
      %shift_right_arithmetic3A_1425 = vector.broadcast %shift_right_arithmetic3A_1424 : i32 to vector<16xi32>
      %shift_right_arithmetic3A_1426 = arith.shrsi %get3A_1423, %shift_right_arithmetic3A_1425 : vector<16xi32>
      %shift_left3A_1427 = arith.constant 14 : i32
      %shift_left3A_1428 = vector.broadcast %shift_left3A_1427 : i32 to vector<16xi32>
      %shift_left3A_1429 = arith.shli %shift_right_arithmetic3A_1426, %shift_left3A_1428 : vector<16xi32>
      %and3A_1430 = arith.constant 8191 : i32
      %and3A_1431 = vector.broadcast %and3A_1430 : i32 to vector<16xi32>
      %and3A_1432 = arith.andi %get3A_1423, %and3A_1431 : vector<16xi32>
      %shift_left3A_1433 = arith.constant 1 : i32
      %shift_left3A_1434 = vector.broadcast %shift_left3A_1433 : i32 to vector<16xi32>
      %shift_left3A_1435 = arith.shli %and3A_1432, %shift_left3A_1434 : vector<16xi32>
      %add3A_1436 = arith.addi %shift_left3A_1429, %shift_left3A_1435 : vector<16xi32>
      %shift_right_arithmetic3A_1437 = arith.constant 13 : i32
      %shift_right_arithmetic3A_1438 = vector.broadcast %shift_right_arithmetic3A_1437 : i32 to vector<16xi32>
      %shift_right_arithmetic3A_1439 = arith.shrsi %get3A_1423, %shift_right_arithmetic3A_1438 : vector<16xi32>
      %and3A_1440 = arith.constant 1 : i32
      %and3A_1441 = vector.broadcast %and3A_1440 : i32 to vector<16xi32>
      %and3A_1442 = arith.andi %shift_right_arithmetic3A_1439, %and3A_1441 : vector<16xi32>
      %add3A_1443 = arith.addi %add3A_1436, %and3A_1442 : vector<16xi32>
      %swap3A_1444 = arith.constant 5 : i32
      %swap3A_1445 = arith.index_cast %swap3A_1444 : i32 to index
      %swap3A_1446 = arith.constant 80 : index
      %swap3A_1447 = tpu.vector_load %arg6[%swap3A_1445, %swap3A_1446] {strides = array<i32>} : memref<10x128xi32, #tpu.memory_space<vmem>>, vector<1x16xi32>,
      %swap3A_1448 = vector.shape_cast %swap3A_1447 : vector<1x16xi32> to vector<16xi32>
      %swap3A_1449 = vector.shape_cast %add3A_1443 : vector<16xi32> to vector<1x16xi32>
      tpu.vector_store %arg6[%swap3A_1445, %swap3A_1446], %swap3A_1449 {strides = array<i32>} : memref<10x128xi32, #tpu.memory_space<vmem>>, vector<1x16xi32>,
      %get3A_1450 = arith.constant 5 : i32
      %get3A_1451 = arith.index_cast %get3A_1450 : i32 to index
      %get3A_1452 = arith.constant 96 : index
      %get3A_1453 = tpu.vector_load %arg5[%get3A_1451, %get3A_1452] {strides = array<i32>} : memref<10x128xi32, #tpu.memory_space<vmem>>, vector<1x16xi32>,
      %get3A_1454 = vector.shape_cast %get3A_1453 : vector<1x16xi32> to vector<16xi32>
      %shift_right_arithmetic3A_1455 = arith.constant 14 : i32
      %shift_right_arithmetic3A_1456 = vector.broadcast %shift_right_arithmetic3A_1455 : i32 to vector<16xi32>
      %shift_right_arithmetic3A_1457 = arith.shrsi %get3A_1454, %shift_right_arithmetic3A_1456 : vector<16xi32>
      %shift_left3A_1458 = arith.constant 14 : i32
      %shift_left3A_1459 = vector.broadcast %shift_left3A_1458 : i32 to vector<16xi32>
      %shift_left3A_1460 = arith.shli %shift_right_arithmetic3A_1457, %shift_left3A_1459 : vector<16xi32>
      %and3A_1461 = arith.constant 8191 : i32
      %and3A_1462 = vector.broadcast %and3A_1461 : i32 to vector<16xi32>
      %and3A_1463 = arith.andi %get3A_1454, %and3A_1462 : vector<16xi32>
      %shift_left3A_1464 = arith.constant 1 : i32
      %shift_left3A_1465 = vector.broadcast %shift_left3A_1464 : i32 to vector<16xi32>
      %shift_left3A_1466 = arith.shli %and3A_1463, %shift_left3A_1465 : vector<16xi32>
      %add3A_1467 = arith.addi %shift_left3A_1460, %shift_left3A_1466 : vector<16xi32>
      %shift_right_arithmetic3A_1468 = arith.constant 13 : i32
      %shift_right_arithmetic3A_1469 = vector.broadcast %shift_right_arithmetic3A_1468 : i32 to vector<16xi32>
      %shift_right_arithmetic3A_1470 = arith.shrsi %get3A_1454, %shift_right_arithmetic3A_1469 : vector<16xi32>
      %and3A_1471 = arith.constant 1 : i32
      %and3A_1472 = vector.broadcast %and3A_1471 : i32 to vector<16xi32>
      %and3A_1473 = arith.andi %shift_right_arithmetic3A_1470, %and3A_1472 : vector<16xi32>
      %add3A_1474 = arith.addi %add3A_1467, %and3A_1473 : vector<16xi32>
      %swap3A_1475 = arith.constant 5 : i32
      %swap3A_1476 = arith.index_cast %swap3A_1475 : i32 to index
      %swap3A_1477 = arith.constant 96 : index
      %swap3A_1478 = tpu.vector_load %arg6[%swap3A_1476, %swap3A_1477] {strides = array<i32>} : memref<10x128xi32, #tpu.memory_space<vmem>>, vector<1x16xi32>,
      %swap3A_1479 = vector.shape_cast %swap3A_1478 : vector<1x16xi32> to vector<16xi32>
      %swap3A_1480 = vector.shape_cast %add3A_1474 : vector<16xi32> to vector<1x16xi32>
      tpu.vector_store %arg6[%swap3A_1476, %swap3A_1477], %swap3A_1480 {strides = array<i32>} : memref<10x128xi32, #tpu.memory_space<vmem>>, vector<1x16xi32>,
      %get3A_1481 = arith.constant 5 : i32
      %get3A_1482 = arith.index_cast %get3A_1481 : i32 to index
      %get3A_1483 = arith.constant 112 : index
      %get3A_1484 = tpu.vector_load %arg5[%get3A_1482, %get3A_1483] {strides = array<i32>} : memref<10x128xi32, #tpu.memory_space<vmem>>, vector<1x16xi32>,
      %get3A_1485 = vector.shape_cast %get3A_1484 : vector<1x16xi32> to vector<16xi32>
      %shift_right_arithmetic3A_1486 = arith.constant 14 : i32
      %shift_right_arithmetic3A_1487 = vector.broadcast %shift_right_arithmetic3A_1486 : i32 to vector<16xi32>
      %shift_right_arithmetic3A_1488 = arith.shrsi %get3A_1485, %shift_right_arithmetic3A_1487 : vector<16xi32>
      %shift_left3A_1489 = arith.constant 14 : i32
      %shift_left3A_1490 = vector.broadcast %shift_left3A_1489 : i32 to vector<16xi32>
      %shift_left3A_1491 = arith.shli %shift_right_arithmetic3A_1488, %shift_left3A_1490 : vector<16xi32>
      %and3A_1492 = arith.constant 8191 : i32
      %and3A_1493 = vector.broadcast %and3A_1492 : i32 to vector<16xi32>
      %and3A_1494 = arith.andi %get3A_1485, %and3A_1493 : vector<16xi32>
      %shift_left3A_1495 = arith.constant 1 : i32
      %shift_left3A_1496 = vector.broadcast %shift_left3A_1495 : i32 to vector<16xi32>
      %shift_left3A_1497 = arith.shli %and3A_1494, %shift_left3A_1496 : vector<16xi32>
      %add3A_1498 = arith.addi %shift_left3A_1491, %shift_left3A_1497 : vector<16xi32>
      %shift_right_arithmetic3A_1499 = arith.constant 13 : i32
      %shift_right_arithmetic3A_1500 = vector.broadcast %shift_right_arithmetic3A_1499 : i32 to vector<16xi32>
      %shift_right_arithmetic3A_1501 = arith.shrsi %get3A_1485, %shift_right_arithmetic3A_1500 : vector<16xi32>
      %and3A_1502 = arith.constant 1 : i32
      %and3A_1503 = vector.broadcast %and3A_1502 : i32 to vector<16xi32>
      %and3A_1504 = arith.andi %shift_right_arithmetic3A_1501, %and3A_1503 : vector<16xi32>
      %add3A_1505 = arith.addi %add3A_1498, %and3A_1504 : vector<16xi32>
      %swap3A_1506 = arith.constant 5 : i32
      %swap3A_1507 = arith.index_cast %swap3A_1506 : i32 to index
      %swap3A_1508 = arith.constant 112 : index
      %swap3A_1509 = tpu.vector_load %arg6[%swap3A_1507, %swap3A_1508] {strides = array<i32>} : memref<10x128xi32, #tpu.memory_space<vmem>>, vector<1x16xi32>,
      %swap3A_1510 = vector.shape_cast %swap3A_1509 : vector<1x16xi32> to vector<16xi32>
      %swap3A_1511 = vector.shape_cast %add3A_1505 : vector<16xi32> to vector<1x16xi32>
      tpu.vector_store %arg6[%swap3A_1507, %swap3A_1508], %swap3A_1511 {strides = array<i32>} : memref<10x128xi32, #tpu.memory_space<vmem>>, vector<1x16xi32>,
      %get3A_1512 = arith.constant 6 : i32
      %get3A_1513 = arith.index_cast %get3A_1512 : i32 to index
      %get3A_1514 = arith.constant 0 : index
      %get3A_1515 = tpu.vector_load %arg5[%get3A_1513, %get3A_1514] {strides = array<i32>} : memref<10x128xi32, #tpu.memory_space<vmem>>, vector<1x16xi32>,
      %get3A_1516 = vector.shape_cast %get3A_1515 : vector<1x16xi32> to vector<16xi32>
      %shift_right_arithmetic3A_1517 = arith.constant 14 : i32
      %shift_right_arithmetic3A_1518 = vector.broadcast %shift_right_arithmetic3A_1517 : i32 to vector<16xi32>
      %shift_right_arithmetic3A_1519 = arith.shrsi %get3A_1516, %shift_right_arithmetic3A_1518 : vector<16xi32>
      %shift_left3A_1520 = arith.constant 14 : i32
      %shift_left3A_1521 = vector.broadcast %shift_left3A_1520 : i32 to vector<16xi32>
      %shift_left3A_1522 = arith.shli %shift_right_arithmetic3A_1519, %shift_left3A_1521 : vector<16xi32>
      %and3A_1523 = arith.constant 8191 : i32
      %and3A_1524 = vector.broadcast %and3A_1523 : i32 to vector<16xi32>
      %and3A_1525 = arith.andi %get3A_1516, %and3A_1524 : vector<16xi32>
      %shift_left3A_1526 = arith.constant 1 : i32
      %shift_left3A_1527 = vector.broadcast %shift_left3A_1526 : i32 to vector<16xi32>
      %shift_left3A_1528 = arith.shli %and3A_1525, %shift_left3A_1527 : vector<16xi32>
      %add3A_1529 = arith.addi %shift_left3A_1522, %shift_left3A_1528 : vector<16xi32>
      %shift_right_arithmetic3A_1530 = arith.constant 13 : i32
      %shift_right_arithmetic3A_1531 = vector.broadcast %shift_right_arithmetic3A_1530 : i32 to vector<16xi32>
      %shift_right_arithmetic3A_1532 = arith.shrsi %get3A_1516, %shift_right_arithmetic3A_1531 : vector<16xi32>
      %and3A_1533 = arith.constant 1 : i32
      %and3A_1534 = vector.broadcast %and3A_1533 : i32 to vector<16xi32>
      %and3A_1535 = arith.andi %shift_right_arithmetic3A_1532, %and3A_1534 : vector<16xi32>
      %add3A_1536 = arith.addi %add3A_1529, %and3A_1535 : vector<16xi32>
      %swap3A_1537 = arith.constant 6 : i32
      %swap3A_1538 = arith.index_cast %swap3A_1537 : i32 to index
      %swap3A_1539 = arith.constant 0 : index
      %swap3A_1540 = tpu.vector_load %arg6[%swap3A_1538, %swap3A_1539] {strides = array<i32>} : memref<10x128xi32, #tpu.memory_space<vmem>>, vector<1x16xi32>,
      %swap3A_1541 = vector.shape_cast %swap3A_1540 : vector<1x16xi32> to vector<16xi32>
      %swap3A_1542 = vector.shape_cast %add3A_1536 : vector<16xi32> to vector<1x16xi32>
      tpu.vector_store %arg6[%swap3A_1538, %swap3A_1539], %swap3A_1542 {strides = array<i32>} : memref<10x128xi32, #tpu.memory_space<vmem>>, vector<1x16xi32>,
      %get3A_1543 = arith.constant 6 : i32
      %get3A_1544 = arith.index_cast %get3A_1543 : i32 to index
      %get3A_1545 = arith.constant 16 : index
      %get3A_1546 = tpu.vector_load %arg5[%get3A_1544, %get3A_1545] {strides = array<i32>} : memref<10x128xi32, #tpu.memory_space<vmem>>, vector<1x16xi32>,
      %get3A_1547 = vector.shape_cast %get3A_1546 : vector<1x16xi32> to vector<16xi32>
      %shift_right_arithmetic3A_1548 = arith.constant 14 : i32
      %shift_right_arithmetic3A_1549 = vector.broadcast %shift_right_arithmetic3A_1548 : i32 to vector<16xi32>
      %shift_right_arithmetic3A_1550 = arith.shrsi %get3A_1547, %shift_right_arithmetic3A_1549 : vector<16xi32>
      %shift_left3A_1551 = arith.constant 14 : i32
      %shift_left3A_1552 = vector.broadcast %shift_left3A_1551 : i32 to vector<16xi32>
      %shift_left3A_1553 = arith.shli %shift_right_arithmetic3A_1550, %shift_left3A_1552 : vector<16xi32>
      %and3A_1554 = arith.constant 8191 : i32
      %and3A_1555 = vector.broadcast %and3A_1554 : i32 to vector<16xi32>
      %and3A_1556 = arith.andi %get3A_1547, %and3A_1555 : vector<16xi32>
      %shift_left3A_1557 = arith.constant 1 : i32
      %shift_left3A_1558 = vector.broadcast %shift_left3A_1557 : i32 to vector<16xi32>
      %shift_left3A_1559 = arith.shli %and3A_1556, %shift_left3A_1558 : vector<16xi32>
      %add3A_1560 = arith.addi %shift_left3A_1553, %shift_left3A_1559 : vector<16xi32>
      %shift_right_arithmetic3A_1561 = arith.constant 13 : i32
      %shift_right_arithmetic3A_1562 = vector.broadcast %shift_right_arithmetic3A_1561 : i32 to vector<16xi32>
      %shift_right_arithmetic3A_1563 = arith.shrsi %get3A_1547, %shift_right_arithmetic3A_1562 : vector<16xi32>
      %and3A_1564 = arith.constant 1 : i32
      %and3A_1565 = vector.broadcast %and3A_1564 : i32 to vector<16xi32>
      %and3A_1566 = arith.andi %shift_right_arithmetic3A_1563, %and3A_1565 : vector<16xi32>
      %add3A_1567 = arith.addi %add3A_1560, %and3A_1566 : vector<16xi32>
      %swap3A_1568 = arith.constant 6 : i32
      %swap3A_1569 = arith.index_cast %swap3A_1568 : i32 to index
      %swap3A_1570 = arith.constant 16 : index
      %swap3A_1571 = tpu.vector_load %arg6[%swap3A_1569, %swap3A_1570] {strides = array<i32>} : memref<10x128xi32, #tpu.memory_space<vmem>>, vector<1x16xi32>,
      %swap3A_1572 = vector.shape_cast %swap3A_1571 : vector<1x16xi32> to vector<16xi32>
      %swap3A_1573 = vector.shape_cast %add3A_1567 : vector<16xi32> to vector<1x16xi32>
      tpu.vector_store %arg6[%swap3A_1569, %swap3A_1570], %swap3A_1573 {strides = array<i32>} : memref<10x128xi32, #tpu.memory_space<vmem>>, vector<1x16xi32>,
      %get3A_1574 = arith.constant 6 : i32
      %get3A_1575 = arith.index_cast %get3A_1574 : i32 to index
      %get3A_1576 = arith.constant 32 : index
      %get3A_1577 = tpu.vector_load %arg5[%get3A_1575, %get3A_1576] {strides = array<i32>} : memref<10x128xi32, #tpu.memory_space<vmem>>, vector<1x16xi32>,
      %get3A_1578 = vector.shape_cast %get3A_1577 : vector<1x16xi32> to vector<16xi32>
      %shift_right_arithmetic3A_1579 = arith.constant 14 : i32
      %shift_right_arithmetic3A_1580 = vector.broadcast %shift_right_arithmetic3A_1579 : i32 to vector<16xi32>
      %shift_right_arithmetic3A_1581 = arith.shrsi %get3A_1578, %shift_right_arithmetic3A_1580 : vector<16xi32>
      %shift_left3A_1582 = arith.constant 14 : i32
      %shift_left3A_1583 = vector.broadcast %shift_left3A_1582 : i32 to vector<16xi32>
      %shift_left3A_1584 = arith.shli %shift_right_arithmetic3A_1581, %shift_left3A_1583 : vector<16xi32>
      %and3A_1585 = arith.constant 8191 : i32
      %and3A_1586 = vector.broadcast %and3A_1585 : i32 to vector<16xi32>
      %and3A_1587 = arith.andi %get3A_1578, %and3A_1586 : vector<16xi32>
      %shift_left3A_1588 = arith.constant 1 : i32
      %shift_left3A_1589 = vector.broadcast %shift_left3A_1588 : i32 to vector<16xi32>
      %shift_left3A_1590 = arith.shli %and3A_1587, %shift_left3A_1589 : vector<16xi32>
      %add3A_1591 = arith.addi %shift_left3A_1584, %shift_left3A_1590 : vector<16xi32>
      %shift_right_arithmetic3A_1592 = arith.constant 13 : i32
      %shift_right_arithmetic3A_1593 = vector.broadcast %shift_right_arithmetic3A_1592 : i32 to vector<16xi32>
      %shift_right_arithmetic3A_1594 = arith.shrsi %get3A_1578, %shift_right_arithmetic3A_1593 : vector<16xi32>
      %and3A_1595 = arith.constant 1 : i32
      %and3A_1596 = vector.broadcast %and3A_1595 : i32 to vector<16xi32>
      %and3A_1597 = arith.andi %shift_right_arithmetic3A_1594, %and3A_1596 : vector<16xi32>
      %add3A_1598 = arith.addi %add3A_1591, %and3A_1597 : vector<16xi32>
      %swap3A_1599 = arith.constant 6 : i32
      %swap3A_1600 = arith.index_cast %swap3A_1599 : i32 to index
      %swap3A_1601 = arith.constant 32 : index
      %swap3A_1602 = tpu.vector_load %arg6[%swap3A_1600, %swap3A_1601] {strides = array<i32>} : memref<10x128xi32, #tpu.memory_space<vmem>>, vector<1x16xi32>,
      %swap3A_1603 = vector.shape_cast %swap3A_1602 : vector<1x16xi32> to vector<16xi32>
      %swap3A_1604 = vector.shape_cast %add3A_1598 : vector<16xi32> to vector<1x16xi32>
      tpu.vector_store %arg6[%swap3A_1600, %swap3A_1601], %swap3A_1604 {strides = array<i32>} : memref<10x128xi32, #tpu.memory_space<vmem>>, vector<1x16xi32>,
      %get3A_1605 = arith.constant 6 : i32
      %get3A_1606 = arith.index_cast %get3A_1605 : i32 to index
      %get3A_1607 = arith.constant 48 : index
      %get3A_1608 = tpu.vector_load %arg5[%get3A_1606, %get3A_1607] {strides = array<i32>} : memref<10x128xi32, #tpu.memory_space<vmem>>, vector<1x16xi32>,
      %get3A_1609 = vector.shape_cast %get3A_1608 : vector<1x16xi32> to vector<16xi32>
      %shift_right_arithmetic3A_1610 = arith.constant 14 : i32
      %shift_right_arithmetic3A_1611 = vector.broadcast %shift_right_arithmetic3A_1610 : i32 to vector<16xi32>
      %shift_right_arithmetic3A_1612 = arith.shrsi %get3A_1609, %shift_right_arithmetic3A_1611 : vector<16xi32>
      %shift_left3A_1613 = arith.constant 14 : i32
      %shift_left3A_1614 = vector.broadcast %shift_left3A_1613 : i32 to vector<16xi32>
      %shift_left3A_1615 = arith.shli %shift_right_arithmetic3A_1612, %shift_left3A_1614 : vector<16xi32>
      %and3A_1616 = arith.constant 8191 : i32
      %and3A_1617 = vector.broadcast %and3A_1616 : i32 to vector<16xi32>
      %and3A_1618 = arith.andi %get3A_1609, %and3A_1617 : vector<16xi32>
      %shift_left3A_1619 = arith.constant 1 : i32
      %shift_left3A_1620 = vector.broadcast %shift_left3A_1619 : i32 to vector<16xi32>
      %shift_left3A_1621 = arith.shli %and3A_1618, %shift_left3A_1620 : vector<16xi32>
      %add3A_1622 = arith.addi %shift_left3A_1615, %shift_left3A_1621 : vector<16xi32>
      %shift_right_arithmetic3A_1623 = arith.constant 13 : i32
      %shift_right_arithmetic3A_1624 = vector.broadcast %shift_right_arithmetic3A_1623 : i32 to vector<16xi32>
      %shift_right_arithmetic3A_1625 = arith.shrsi %get3A_1609, %shift_right_arithmetic3A_1624 : vector<16xi32>
      %and3A_1626 = arith.constant 1 : i32
      %and3A_1627 = vector.broadcast %and3A_1626 : i32 to vector<16xi32>
      %and3A_1628 = arith.andi %shift_right_arithmetic3A_1625, %and3A_1627 : vector<16xi32>
      %add3A_1629 = arith.addi %add3A_1622, %and3A_1628 : vector<16xi32>
      %swap3A_1630 = arith.constant 6 : i32
      %swap3A_1631 = arith.index_cast %swap3A_1630 : i32 to index
      %swap3A_1632 = arith.constant 48 : index
      %swap3A_1633 = tpu.vector_load %arg6[%swap3A_1631, %swap3A_1632] {strides = array<i32>} : memref<10x128xi32, #tpu.memory_space<vmem>>, vector<1x16xi32>,
      %swap3A_1634 = vector.shape_cast %swap3A_1633 : vector<1x16xi32> to vector<16xi32>
      %swap3A_1635 = vector.shape_cast %add3A_1629 : vector<16xi32> to vector<1x16xi32>
      tpu.vector_store %arg6[%swap3A_1631, %swap3A_1632], %swap3A_1635 {strides = array<i32>} : memref<10x128xi32, #tpu.memory_space<vmem>>, vector<1x16xi32>,
      %get3A_1636 = arith.constant 6 : i32
      %get3A_1637 = arith.index_cast %get3A_1636 : i32 to index
      %get3A_1638 = arith.constant 64 : index
      %get3A_1639 = tpu.vector_load %arg5[%get3A_1637, %get3A_1638] {strides = array<i32>} : memref<10x128xi32, #tpu.memory_space<vmem>>, vector<1x16xi32>,
      %get3A_1640 = vector.shape_cast %get3A_1639 : vector<1x16xi32> to vector<16xi32>
      %shift_right_arithmetic3A_1641 = arith.constant 14 : i32
      %shift_right_arithmetic3A_1642 = vector.broadcast %shift_right_arithmetic3A_1641 : i32 to vector<16xi32>
      %shift_right_arithmetic3A_1643 = arith.shrsi %get3A_1640, %shift_right_arithmetic3A_1642 : vector<16xi32>
      %shift_left3A_1644 = arith.constant 14 : i32
      %shift_left3A_1645 = vector.broadcast %shift_left3A_1644 : i32 to vector<16xi32>
      %shift_left3A_1646 = arith.shli %shift_right_arithmetic3A_1643, %shift_left3A_1645 : vector<16xi32>
      %and3A_1647 = arith.constant 8191 : i32
      %and3A_1648 = vector.broadcast %and3A_1647 : i32 to vector<16xi32>
      %and3A_1649 = arith.andi %get3A_1640, %and3A_1648 : vector<16xi32>
      %shift_left3A_1650 = arith.constant 1 : i32
      %shift_left3A_1651 = vector.broadcast %shift_left3A_1650 : i32 to vector<16xi32>
      %shift_left3A_1652 = arith.shli %and3A_1649, %shift_left3A_1651 : vector<16xi32>
      %add3A_1653 = arith.addi %shift_left3A_1646, %shift_left3A_1652 : vector<16xi32>
      %shift_right_arithmetic3A_1654 = arith.constant 13 : i32
      %shift_right_arithmetic3A_1655 = vector.broadcast %shift_right_arithmetic3A_1654 : i32 to vector<16xi32>
      %shift_right_arithmetic3A_1656 = arith.shrsi %get3A_1640, %shift_right_arithmetic3A_1655 : vector<16xi32>
      %and3A_1657 = arith.constant 1 : i32
      %and3A_1658 = vector.broadcast %and3A_1657 : i32 to vector<16xi32>
      %and3A_1659 = arith.andi %shift_right_arithmetic3A_1656, %and3A_1658 : vector<16xi32>
      %add3A_1660 = arith.addi %add3A_1653, %and3A_1659 : vector<16xi32>
      %swap3A_1661 = arith.constant 6 : i32
      %swap3A_1662 = arith.index_cast %swap3A_1661 : i32 to index
      %swap3A_1663 = arith.constant 64 : index
      %swap3A_1664 = tpu.vector_load %arg6[%swap3A_1662, %swap3A_1663] {strides = array<i32>} : memref<10x128xi32, #tpu.memory_space<vmem>>, vector<1x16xi32>,
      %swap3A_1665 = vector.shape_cast %swap3A_1664 : vector<1x16xi32> to vector<16xi32>
      %swap3A_1666 = vector.shape_cast %add3A_1660 : vector<16xi32> to vector<1x16xi32>
      tpu.vector_store %arg6[%swap3A_1662, %swap3A_1663], %swap3A_1666 {strides = array<i32>} : memref<10x128xi32, #tpu.memory_space<vmem>>, vector<1x16xi32>,
      %get3A_1667 = arith.constant 6 : i32
      %get3A_1668 = arith.index_cast %get3A_1667 : i32 to index
      %get3A_1669 = arith.constant 80 : index
      %get3A_1670 = tpu.vector_load %arg5[%get3A_1668, %get3A_1669] {strides = array<i32>} : memref<10x128xi32, #tpu.memory_space<vmem>>, vector<1x16xi32>,
      %get3A_1671 = vector.shape_cast %get3A_1670 : vector<1x16xi32> to vector<16xi32>
      %shift_right_arithmetic3A_1672 = arith.constant 14 : i32
      %shift_right_arithmetic3A_1673 = vector.broadcast %shift_right_arithmetic3A_1672 : i32 to vector<16xi32>
      %shift_right_arithmetic3A_1674 = arith.shrsi %get3A_1671, %shift_right_arithmetic3A_1673 : vector<16xi32>
      %shift_left3A_1675 = arith.constant 14 : i32
      %shift_left3A_1676 = vector.broadcast %shift_left3A_1675 : i32 to vector<16xi32>
      %shift_left3A_1677 = arith.shli %shift_right_arithmetic3A_1674, %shift_left3A_1676 : vector<16xi32>
      %and3A_1678 = arith.constant 8191 : i32
      %and3A_1679 = vector.broadcast %and3A_1678 : i32 to vector<16xi32>
      %and3A_1680 = arith.andi %get3A_1671, %and3A_1679 : vector<16xi32>
      %shift_left3A_1681 = arith.constant 1 : i32
      %shift_left3A_1682 = vector.broadcast %shift_left3A_1681 : i32 to vector<16xi32>
      %shift_left3A_1683 = arith.shli %and3A_1680, %shift_left3A_1682 : vector<16xi32>
      %add3A_1684 = arith.addi %shift_left3A_1677, %shift_left3A_1683 : vector<16xi32>
      %shift_right_arithmetic3A_1685 = arith.constant 13 : i32
      %shift_right_arithmetic3A_1686 = vector.broadcast %shift_right_arithmetic3A_1685 : i32 to vector<16xi32>
      %shift_right_arithmetic3A_1687 = arith.shrsi %get3A_1671, %shift_right_arithmetic3A_1686 : vector<16xi32>
      %and3A_1688 = arith.constant 1 : i32
      %and3A_1689 = vector.broadcast %and3A_1688 : i32 to vector<16xi32>
      %and3A_1690 = arith.andi %shift_right_arithmetic3A_1687, %and3A_1689 : vector<16xi32>
      %add3A_1691 = arith.addi %add3A_1684, %and3A_1690 : vector<16xi32>
      %swap3A_1692 = arith.constant 6 : i32
      %swap3A_1693 = arith.index_cast %swap3A_1692 : i32 to index
      %swap3A_1694 = arith.constant 80 : index
      %swap3A_1695 = tpu.vector_load %arg6[%swap3A_1693, %swap3A_1694] {strides = array<i32>} : memref<10x128xi32, #tpu.memory_space<vmem>>, vector<1x16xi32>,
      %swap3A_1696 = vector.shape_cast %swap3A_1695 : vector<1x16xi32> to vector<16xi32>
      %swap3A_1697 = vector.shape_cast %add3A_1691 : vector<16xi32> to vector<1x16xi32>
      tpu.vector_store %arg6[%swap3A_1693, %swap3A_1694], %swap3A_1697 {strides = array<i32>} : memref<10x128xi32, #tpu.memory_space<vmem>>, vector<1x16xi32>,
      %get3A_1698 = arith.constant 6 : i32
      %get3A_1699 = arith.index_cast %get3A_1698 : i32 to index
      %get3A_1700 = arith.constant 96 : index
      %get3A_1701 = tpu.vector_load %arg5[%get3A_1699, %get3A_1700] {strides = array<i32>} : memref<10x128xi32, #tpu.memory_space<vmem>>, vector<1x16xi32>,
      %get3A_1702 = vector.shape_cast %get3A_1701 : vector<1x16xi32> to vector<16xi32>
      %shift_right_arithmetic3A_1703 = arith.constant 14 : i32
      %shift_right_arithmetic3A_1704 = vector.broadcast %shift_right_arithmetic3A_1703 : i32 to vector<16xi32>
      %shift_right_arithmetic3A_1705 = arith.shrsi %get3A_1702, %shift_right_arithmetic3A_1704 : vector<16xi32>
      %shift_left3A_1706 = arith.constant 14 : i32
      %shift_left3A_1707 = vector.broadcast %shift_left3A_1706 : i32 to vector<16xi32>
      %shift_left3A_1708 = arith.shli %shift_right_arithmetic3A_1705, %shift_left3A_1707 : vector<16xi32>
      %and3A_1709 = arith.constant 8191 : i32
      %and3A_1710 = vector.broadcast %and3A_1709 : i32 to vector<16xi32>
      %and3A_1711 = arith.andi %get3A_1702, %and3A_1710 : vector<16xi32>
      %shift_left3A_1712 = arith.constant 1 : i32
      %shift_left3A_1713 = vector.broadcast %shift_left3A_1712 : i32 to vector<16xi32>
      %shift_left3A_1714 = arith.shli %and3A_1711, %shift_left3A_1713 : vector<16xi32>
      %add3A_1715 = arith.addi %shift_left3A_1708, %shift_left3A_1714 : vector<16xi32>
      %shift_right_arithmetic3A_1716 = arith.constant 13 : i32
      %shift_right_arithmetic3A_1717 = vector.broadcast %shift_right_arithmetic3A_1716 : i32 to vector<16xi32>
      %shift_right_arithmetic3A_1718 = arith.shrsi %get3A_1702, %shift_right_arithmetic3A_1717 : vector<16xi32>
      %and3A_1719 = arith.constant 1 : i32
      %and3A_1720 = vector.broadcast %and3A_1719 : i32 to vector<16xi32>
      %and3A_1721 = arith.andi %shift_right_arithmetic3A_1718, %and3A_1720 : vector<16xi32>
      %add3A_1722 = arith.addi %add3A_1715, %and3A_1721 : vector<16xi32>
      %swap3A_1723 = arith.constant 6 : i32
      %swap3A_1724 = arith.index_cast %swap3A_1723 : i32 to index
      %swap3A_1725 = arith.constant 96 : index
      %swap3A_1726 = tpu.vector_load %arg6[%swap3A_1724, %swap3A_1725] {strides = array<i32>} : memref<10x128xi32, #tpu.memory_space<vmem>>, vector<1x16xi32>,
      %swap3A_1727 = vector.shape_cast %swap3A_1726 : vector<1x16xi32> to vector<16xi32>
      %swap3A_1728 = vector.shape_cast %add3A_1722 : vector<16xi32> to vector<1x16xi32>
      tpu.vector_store %arg6[%swap3A_1724, %swap3A_1725], %swap3A_1728 {strides = array<i32>} : memref<10x128xi32, #tpu.memory_space<vmem>>, vector<1x16xi32>,
      %get3A_1729 = arith.constant 6 : i32
      %get3A_1730 = arith.index_cast %get3A_1729 : i32 to index
      %get3A_1731 = arith.constant 112 : index
      %get3A_1732 = tpu.vector_load %arg5[%get3A_1730, %get3A_1731] {strides = array<i32>} : memref<10x128xi32, #tpu.memory_space<vmem>>, vector<1x16xi32>,
      %get3A_1733 = vector.shape_cast %get3A_1732 : vector<1x16xi32> to vector<16xi32>
      %shift_right_arithmetic3A_1734 = arith.constant 14 : i32
      %shift_right_arithmetic3A_1735 = vector.broadcast %shift_right_arithmetic3A_1734 : i32 to vector<16xi32>
      %shift_right_arithmetic3A_1736 = arith.shrsi %get3A_1733, %shift_right_arithmetic3A_1735 : vector<16xi32>
      %shift_left3A_1737 = arith.constant 14 : i32
      %shift_left3A_1738 = vector.broadcast %shift_left3A_1737 : i32 to vector<16xi32>
      %shift_left3A_1739 = arith.shli %shift_right_arithmetic3A_1736, %shift_left3A_1738 : vector<16xi32>
      %and3A_1740 = arith.constant 8191 : i32
      %and3A_1741 = vector.broadcast %and3A_1740 : i32 to vector<16xi32>
      %and3A_1742 = arith.andi %get3A_1733, %and3A_1741 : vector<16xi32>
      %shift_left3A_1743 = arith.constant 1 : i32
      %shift_left3A_1744 = vector.broadcast %shift_left3A_1743 : i32 to vector<16xi32>
      %shift_left3A_1745 = arith.shli %and3A_1742, %shift_left3A_1744 : vector<16xi32>
      %add3A_1746 = arith.addi %shift_left3A_1739, %shift_left3A_1745 : vector<16xi32>
      %shift_right_arithmetic3A_1747 = arith.constant 13 : i32
      %shift_right_arithmetic3A_1748 = vector.broadcast %shift_right_arithmetic3A_1747 : i32 to vector<16xi32>
      %shift_right_arithmetic3A_1749 = arith.shrsi %get3A_1733, %shift_right_arithmetic3A_1748 : vector<16xi32>
      %and3A_1750 = arith.constant 1 : i32
      %and3A_1751 = vector.broadcast %and3A_1750 : i32 to vector<16xi32>
      %and3A_1752 = arith.andi %shift_right_arithmetic3A_1749, %and3A_1751 : vector<16xi32>
      %add3A_1753 = arith.addi %add3A_1746, %and3A_1752 : vector<16xi32>
      %swap3A_1754 = arith.constant 6 : i32
      %swap3A_1755 = arith.index_cast %swap3A_1754 : i32 to index
      %swap3A_1756 = arith.constant 112 : index
      %swap3A_1757 = tpu.vector_load %arg6[%swap3A_1755, %swap3A_1756] {strides = array<i32>} : memref<10x128xi32, #tpu.memory_space<vmem>>, vector<1x16xi32>,
      %swap3A_1758 = vector.shape_cast %swap3A_1757 : vector<1x16xi32> to vector<16xi32>
      %swap3A_1759 = vector.shape_cast %add3A_1753 : vector<16xi32> to vector<1x16xi32>
      tpu.vector_store %arg6[%swap3A_1755, %swap3A_1756], %swap3A_1759 {strides = array<i32>} : memref<10x128xi32, #tpu.memory_space<vmem>>, vector<1x16xi32>,
      %get3A_1760 = arith.constant 7 : i32
      %get3A_1761 = arith.index_cast %get3A_1760 : i32 to index
      %get3A_1762 = arith.constant 0 : index
      %get3A_1763 = tpu.vector_load %arg5[%get3A_1761, %get3A_1762] {strides = array<i32>} : memref<10x128xi32, #tpu.memory_space<vmem>>, vector<1x16xi32>,
      %get3A_1764 = vector.shape_cast %get3A_1763 : vector<1x16xi32> to vector<16xi32>
      %shift_right_arithmetic3A_1765 = arith.constant 14 : i32
      %shift_right_arithmetic3A_1766 = vector.broadcast %shift_right_arithmetic3A_1765 : i32 to vector<16xi32>
      %shift_right_arithmetic3A_1767 = arith.shrsi %get3A_1764, %shift_right_arithmetic3A_1766 : vector<16xi32>
      %shift_left3A_1768 = arith.constant 14 : i32
      %shift_left3A_1769 = vector.broadcast %shift_left3A_1768 : i32 to vector<16xi32>
      %shift_left3A_1770 = arith.shli %shift_right_arithmetic3A_1767, %shift_left3A_1769 : vector<16xi32>
      %and3A_1771 = arith.constant 8191 : i32
      %and3A_1772 = vector.broadcast %and3A_1771 : i32 to vector<16xi32>
      %and3A_1773 = arith.andi %get3A_1764, %and3A_1772 : vector<16xi32>
      %shift_left3A_1774 = arith.constant 1 : i32
      %shift_left3A_1775 = vector.broadcast %shift_left3A_1774 : i32 to vector<16xi32>
      %shift_left3A_1776 = arith.shli %and3A_1773, %shift_left3A_1775 : vector<16xi32>
      %add3A_1777 = arith.addi %shift_left3A_1770, %shift_left3A_1776 : vector<16xi32>
      %shift_right_arithmetic3A_1778 = arith.constant 13 : i32
      %shift_right_arithmetic3A_1779 = vector.broadcast %shift_right_arithmetic3A_1778 : i32 to vector<16xi32>
      %shift_right_arithmetic3A_1780 = arith.shrsi %get3A_1764, %shift_right_arithmetic3A_1779 : vector<16xi32>
      %and3A_1781 = arith.constant 1 : i32
      %and3A_1782 = vector.broadcast %and3A_1781 : i32 to vector<16xi32>
      %and3A_1783 = arith.andi %shift_right_arithmetic3A_1780, %and3A_1782 : vector<16xi32>
      %add3A_1784 = arith.addi %add3A_1777, %and3A_1783 : vector<16xi32>
      %swap3A_1785 = arith.constant 7 : i32
      %swap3A_1786 = arith.index_cast %swap3A_1785 : i32 to index
      %swap3A_1787 = arith.constant 0 : index
      %swap3A_1788 = tpu.vector_load %arg6[%swap3A_1786, %swap3A_1787] {strides = array<i32>} : memref<10x128xi32, #tpu.memory_space<vmem>>, vector<1x16xi32>,
      %swap3A_1789 = vector.shape_cast %swap3A_1788 : vector<1x16xi32> to vector<16xi32>
      %swap3A_1790 = vector.shape_cast %add3A_1784 : vector<16xi32> to vector<1x16xi32>
      tpu.vector_store %arg6[%swap3A_1786, %swap3A_1787], %swap3A_1790 {strides = array<i32>} : memref<10x128xi32, #tpu.memory_space<vmem>>, vector<1x16xi32>,
      %get3A_1791 = arith.constant 7 : i32
      %get3A_1792 = arith.index_cast %get3A_1791 : i32 to index
      %get3A_1793 = arith.constant 16 : index
      %get3A_1794 = tpu.vector_load %arg5[%get3A_1792, %get3A_1793] {strides = array<i32>} : memref<10x128xi32, #tpu.memory_space<vmem>>, vector<1x16xi32>,
      %get3A_1795 = vector.shape_cast %get3A_1794 : vector<1x16xi32> to vector<16xi32>
      %shift_right_arithmetic3A_1796 = arith.constant 14 : i32
      %shift_right_arithmetic3A_1797 = vector.broadcast %shift_right_arithmetic3A_1796 : i32 to vector<16xi32>
      %shift_right_arithmetic3A_1798 = arith.shrsi %get3A_1795, %shift_right_arithmetic3A_1797 : vector<16xi32>
      %shift_left3A_1799 = arith.constant 14 : i32
      %shift_left3A_1800 = vector.broadcast %shift_left3A_1799 : i32 to vector<16xi32>
      %shift_left3A_1801 = arith.shli %shift_right_arithmetic3A_1798, %shift_left3A_1800 : vector<16xi32>
      %and3A_1802 = arith.constant 8191 : i32
      %and3A_1803 = vector.broadcast %and3A_1802 : i32 to vector<16xi32>
      %and3A_1804 = arith.andi %get3A_1795, %and3A_1803 : vector<16xi32>
      %shift_left3A_1805 = arith.constant 1 : i32
      %shift_left3A_1806 = vector.broadcast %shift_left3A_1805 : i32 to vector<16xi32>
      %shift_left3A_1807 = arith.shli %and3A_1804, %shift_left3A_1806 : vector<16xi32>
      %add3A_1808 = arith.addi %shift_left3A_1801, %shift_left3A_1807 : vector<16xi32>
      %shift_right_arithmetic3A_1809 = arith.constant 13 : i32
      %shift_right_arithmetic3A_1810 = vector.broadcast %shift_right_arithmetic3A_1809 : i32 to vector<16xi32>
      %shift_right_arithmetic3A_1811 = arith.shrsi %get3A_1795, %shift_right_arithmetic3A_1810 : vector<16xi32>
      %and3A_1812 = arith.constant 1 : i32
      %and3A_1813 = vector.broadcast %and3A_1812 : i32 to vector<16xi32>
      %and3A_1814 = arith.andi %shift_right_arithmetic3A_1811, %and3A_1813 : vector<16xi32>
      %add3A_1815 = arith.addi %add3A_1808, %and3A_1814 : vector<16xi32>
      %swap3A_1816 = arith.constant 7 : i32
      %swap3A_1817 = arith.index_cast %swap3A_1816 : i32 to index
      %swap3A_1818 = arith.constant 16 : index
      %swap3A_1819 = tpu.vector_load %arg6[%swap3A_1817, %swap3A_1818] {strides = array<i32>} : memref<10x128xi32, #tpu.memory_space<vmem>>, vector<1x16xi32>,
      %swap3A_1820 = vector.shape_cast %swap3A_1819 : vector<1x16xi32> to vector<16xi32>
      %swap3A_1821 = vector.shape_cast %add3A_1815 : vector<16xi32> to vector<1x16xi32>
      tpu.vector_store %arg6[%swap3A_1817, %swap3A_1818], %swap3A_1821 {strides = array<i32>} : memref<10x128xi32, #tpu.memory_space<vmem>>, vector<1x16xi32>,
      %get3A_1822 = arith.constant 7 : i32
      %get3A_1823 = arith.index_cast %get3A_1822 : i32 to index
      %get3A_1824 = arith.constant 32 : index
      %get3A_1825 = tpu.vector_load %arg5[%get3A_1823, %get3A_1824] {strides = array<i32>} : memref<10x128xi32, #tpu.memory_space<vmem>>, vector<1x16xi32>,
      %get3A_1826 = vector.shape_cast %get3A_1825 : vector<1x16xi32> to vector<16xi32>
      %shift_right_arithmetic3A_1827 = arith.constant 14 : i32
      %shift_right_arithmetic3A_1828 = vector.broadcast %shift_right_arithmetic3A_1827 : i32 to vector<16xi32>
      %shift_right_arithmetic3A_1829 = arith.shrsi %get3A_1826, %shift_right_arithmetic3A_1828 : vector<16xi32>
      %shift_left3A_1830 = arith.constant 14 : i32
      %shift_left3A_1831 = vector.broadcast %shift_left3A_1830 : i32 to vector<16xi32>
      %shift_left3A_1832 = arith.shli %shift_right_arithmetic3A_1829, %shift_left3A_1831 : vector<16xi32>
      %and3A_1833 = arith.constant 8191 : i32
      %and3A_1834 = vector.broadcast %and3A_1833 : i32 to vector<16xi32>
      %and3A_1835 = arith.andi %get3A_1826, %and3A_1834 : vector<16xi32>
      %shift_left3A_1836 = arith.constant 1 : i32
      %shift_left3A_1837 = vector.broadcast %shift_left3A_1836 : i32 to vector<16xi32>
      %shift_left3A_1838 = arith.shli %and3A_1835, %shift_left3A_1837 : vector<16xi32>
      %add3A_1839 = arith.addi %shift_left3A_1832, %shift_left3A_1838 : vector<16xi32>
      %shift_right_arithmetic3A_1840 = arith.constant 13 : i32
      %shift_right_arithmetic3A_1841 = vector.broadcast %shift_right_arithmetic3A_1840 : i32 to vector<16xi32>
      %shift_right_arithmetic3A_1842 = arith.shrsi %get3A_1826, %shift_right_arithmetic3A_1841 : vector<16xi32>
      %and3A_1843 = arith.constant 1 : i32
      %and3A_1844 = vector.broadcast %and3A_1843 : i32 to vector<16xi32>
      %and3A_1845 = arith.andi %shift_right_arithmetic3A_1842, %and3A_1844 : vector<16xi32>
      %add3A_1846 = arith.addi %add3A_1839, %and3A_1845 : vector<16xi32>
      %swap3A_1847 = arith.constant 7 : i32
      %swap3A_1848 = arith.index_cast %swap3A_1847 : i32 to index
      %swap3A_1849 = arith.constant 32 : index
      %swap3A_1850 = tpu.vector_load %arg6[%swap3A_1848, %swap3A_1849] {strides = array<i32>} : memref<10x128xi32, #tpu.memory_space<vmem>>, vector<1x16xi32>,
      %swap3A_1851 = vector.shape_cast %swap3A_1850 : vector<1x16xi32> to vector<16xi32>
      %swap3A_1852 = vector.shape_cast %add3A_1846 : vector<16xi32> to vector<1x16xi32>
      tpu.vector_store %arg6[%swap3A_1848, %swap3A_1849], %swap3A_1852 {strides = array<i32>} : memref<10x128xi32, #tpu.memory_space<vmem>>, vector<1x16xi32>,
      %get3A_1853 = arith.constant 7 : i32
      %get3A_1854 = arith.index_cast %get3A_1853 : i32 to index
      %get3A_1855 = arith.constant 48 : index
      %get3A_1856 = tpu.vector_load %arg5[%get3A_1854, %get3A_1855] {strides = array<i32>} : memref<10x128xi32, #tpu.memory_space<vmem>>, vector<1x16xi32>,
      %get3A_1857 = vector.shape_cast %get3A_1856 : vector<1x16xi32> to vector<16xi32>
      %shift_right_arithmetic3A_1858 = arith.constant 14 : i32
      %shift_right_arithmetic3A_1859 = vector.broadcast %shift_right_arithmetic3A_1858 : i32 to vector<16xi32>
      %shift_right_arithmetic3A_1860 = arith.shrsi %get3A_1857, %shift_right_arithmetic3A_1859 : vector<16xi32>
      %shift_left3A_1861 = arith.constant 14 : i32
      %shift_left3A_1862 = vector.broadcast %shift_left3A_1861 : i32 to vector<16xi32>
      %shift_left3A_1863 = arith.shli %shift_right_arithmetic3A_1860, %shift_left3A_1862 : vector<16xi32>
      %and3A_1864 = arith.constant 8191 : i32
      %and3A_1865 = vector.broadcast %and3A_1864 : i32 to vector<16xi32>
      %and3A_1866 = arith.andi %get3A_1857, %and3A_1865 : vector<16xi32>
      %shift_left3A_1867 = arith.constant 1 : i32
      %shift_left3A_1868 = vector.broadcast %shift_left3A_1867 : i32 to vector<16xi32>
      %shift_left3A_1869 = arith.shli %and3A_1866, %shift_left3A_1868 : vector<16xi32>
      %add3A_1870 = arith.addi %shift_left3A_1863, %shift_left3A_1869 : vector<16xi32>
      %shift_right_arithmetic3A_1871 = arith.constant 13 : i32
      %shift_right_arithmetic3A_1872 = vector.broadcast %shift_right_arithmetic3A_1871 : i32 to vector<16xi32>
      %shift_right_arithmetic3A_1873 = arith.shrsi %get3A_1857, %shift_right_arithmetic3A_1872 : vector<16xi32>
      %and3A_1874 = arith.constant 1 : i32
      %and3A_1875 = vector.broadcast %and3A_1874 : i32 to vector<16xi32>
      %and3A_1876 = arith.andi %shift_right_arithmetic3A_1873, %and3A_1875 : vector<16xi32>
      %add3A_1877 = arith.addi %add3A_1870, %and3A_1876 : vector<16xi32>
      %swap3A_1878 = arith.constant 7 : i32
      %swap3A_1879 = arith.index_cast %swap3A_1878 : i32 to index
      %swap3A_1880 = arith.constant 48 : index
      %swap3A_1881 = tpu.vector_load %arg6[%swap3A_1879, %swap3A_1880] {strides = array<i32>} : memref<10x128xi32, #tpu.memory_space<vmem>>, vector<1x16xi32>,
      %swap3A_1882 = vector.shape_cast %swap3A_1881 : vector<1x16xi32> to vector<16xi32>
      %swap3A_1883 = vector.shape_cast %add3A_1877 : vector<16xi32> to vector<1x16xi32>
      tpu.vector_store %arg6[%swap3A_1879, %swap3A_1880], %swap3A_1883 {strides = array<i32>} : memref<10x128xi32, #tpu.memory_space<vmem>>, vector<1x16xi32>,
      %get3A_1884 = arith.constant 7 : i32
      %get3A_1885 = arith.index_cast %get3A_1884 : i32 to index
      %get3A_1886 = arith.constant 64 : index
      %get3A_1887 = tpu.vector_load %arg5[%get3A_1885, %get3A_1886] {strides = array<i32>} : memref<10x128xi32, #tpu.memory_space<vmem>>, vector<1x16xi32>,
      %get3A_1888 = vector.shape_cast %get3A_1887 : vector<1x16xi32> to vector<16xi32>
      %shift_right_arithmetic3A_1889 = arith.constant 14 : i32
      %shift_right_arithmetic3A_1890 = vector.broadcast %shift_right_arithmetic3A_1889 : i32 to vector<16xi32>
      %shift_right_arithmetic3A_1891 = arith.shrsi %get3A_1888, %shift_right_arithmetic3A_1890 : vector<16xi32>
      %shift_left3A_1892 = arith.constant 14 : i32
      %shift_left3A_1893 = vector.broadcast %shift_left3A_1892 : i32 to vector<16xi32>
      %shift_left3A_1894 = arith.shli %shift_right_arithmetic3A_1891, %shift_left3A_1893 : vector<16xi32>
      %and3A_1895 = arith.constant 8191 : i32
      %and3A_1896 = vector.broadcast %and3A_1895 : i32 to vector<16xi32>
      %and3A_1897 = arith.andi %get3A_1888, %and3A_1896 : vector<16xi32>
      %shift_left3A_1898 = arith.constant 1 : i32
      %shift_left3A_1899 = vector.broadcast %shift_left3A_1898 : i32 to vector<16xi32>
      %shift_left3A_1900 = arith.shli %and3A_1897, %shift_left3A_1899 : vector<16xi32>
      %add3A_1901 = arith.addi %shift_left3A_1894, %shift_left3A_1900 : vector<16xi32>
      %shift_right_arithmetic3A_1902 = arith.constant 13 : i32
      %shift_right_arithmetic3A_1903 = vector.broadcast %shift_right_arithmetic3A_1902 : i32 to vector<16xi32>
      %shift_right_arithmetic3A_1904 = arith.shrsi %get3A_1888, %shift_right_arithmetic3A_1903 : vector<16xi32>
      %and3A_1905 = arith.constant 1 : i32
      %and3A_1906 = vector.broadcast %and3A_1905 : i32 to vector<16xi32>
      %and3A_1907 = arith.andi %shift_right_arithmetic3A_1904, %and3A_1906 : vector<16xi32>
      %add3A_1908 = arith.addi %add3A_1901, %and3A_1907 : vector<16xi32>
      %swap3A_1909 = arith.constant 7 : i32
      %swap3A_1910 = arith.index_cast %swap3A_1909 : i32 to index
      %swap3A_1911 = arith.constant 64 : index
      %swap3A_1912 = tpu.vector_load %arg6[%swap3A_1910, %swap3A_1911] {strides = array<i32>} : memref<10x128xi32, #tpu.memory_space<vmem>>, vector<1x16xi32>,
      %swap3A_1913 = vector.shape_cast %swap3A_1912 : vector<1x16xi32> to vector<16xi32>
      %swap3A_1914 = vector.shape_cast %add3A_1908 : vector<16xi32> to vector<1x16xi32>
      tpu.vector_store %arg6[%swap3A_1910, %swap3A_1911], %swap3A_1914 {strides = array<i32>} : memref<10x128xi32, #tpu.memory_space<vmem>>, vector<1x16xi32>,
      %get3A_1915 = arith.constant 7 : i32
      %get3A_1916 = arith.index_cast %get3A_1915 : i32 to index
      %get3A_1917 = arith.constant 80 : index
      %get3A_1918 = tpu.vector_load %arg5[%get3A_1916, %get3A_1917] {strides = array<i32>} : memref<10x128xi32, #tpu.memory_space<vmem>>, vector<1x16xi32>,
      %get3A_1919 = vector.shape_cast %get3A_1918 : vector<1x16xi32> to vector<16xi32>
      %shift_right_arithmetic3A_1920 = arith.constant 14 : i32
      %shift_right_arithmetic3A_1921 = vector.broadcast %shift_right_arithmetic3A_1920 : i32 to vector<16xi32>
      %shift_right_arithmetic3A_1922 = arith.shrsi %get3A_1919, %shift_right_arithmetic3A_1921 : vector<16xi32>
      %shift_left3A_1923 = arith.constant 14 : i32
      %shift_left3A_1924 = vector.broadcast %shift_left3A_1923 : i32 to vector<16xi32>
      %shift_left3A_1925 = arith.shli %shift_right_arithmetic3A_1922, %shift_left3A_1924 : vector<16xi32>
      %and3A_1926 = arith.constant 8191 : i32
      %and3A_1927 = vector.broadcast %and3A_1926 : i32 to vector<16xi32>
      %and3A_1928 = arith.andi %get3A_1919, %and3A_1927 : vector<16xi32>
      %shift_left3A_1929 = arith.constant 1 : i32
      %shift_left3A_1930 = vector.broadcast %shift_left3A_1929 : i32 to vector<16xi32>
      %shift_left3A_1931 = arith.shli %and3A_1928, %shift_left3A_1930 : vector<16xi32>
      %add3A_1932 = arith.addi %shift_left3A_1925, %shift_left3A_1931 : vector<16xi32>
      %shift_right_arithmetic3A_1933 = arith.constant 13 : i32
      %shift_right_arithmetic3A_1934 = vector.broadcast %shift_right_arithmetic3A_1933 : i32 to vector<16xi32>
      %shift_right_arithmetic3A_1935 = arith.shrsi %get3A_1919, %shift_right_arithmetic3A_1934 : vector<16xi32>
      %and3A_1936 = arith.constant 1 : i32
      %and3A_1937 = vector.broadcast %and3A_1936 : i32 to vector<16xi32>
      %and3A_1938 = arith.andi %shift_right_arithmetic3A_1935, %and3A_1937 : vector<16xi32>
      %add3A_1939 = arith.addi %add3A_1932, %and3A_1938 : vector<16xi32>
      %swap3A_1940 = arith.constant 7 : i32
      %swap3A_1941 = arith.index_cast %swap3A_1940 : i32 to index
      %swap3A_1942 = arith.constant 80 : index
      %swap3A_1943 = tpu.vector_load %arg6[%swap3A_1941, %swap3A_1942] {strides = array<i32>} : memref<10x128xi32, #tpu.memory_space<vmem>>, vector<1x16xi32>,
      %swap3A_1944 = vector.shape_cast %swap3A_1943 : vector<1x16xi32> to vector<16xi32>
      %swap3A_1945 = vector.shape_cast %add3A_1939 : vector<16xi32> to vector<1x16xi32>
      tpu.vector_store %arg6[%swap3A_1941, %swap3A_1942], %swap3A_1945 {strides = array<i32>} : memref<10x128xi32, #tpu.memory_space<vmem>>, vector<1x16xi32>,
      %get3A_1946 = arith.constant 7 : i32
      %get3A_1947 = arith.index_cast %get3A_1946 : i32 to index
      %get3A_1948 = arith.constant 96 : index
      %get3A_1949 = tpu.vector_load %arg5[%get3A_1947, %get3A_1948] {strides = array<i32>} : memref<10x128xi32, #tpu.memory_space<vmem>>, vector<1x16xi32>,
      %get3A_1950 = vector.shape_cast %get3A_1949 : vector<1x16xi32> to vector<16xi32>
      %shift_right_arithmetic3A_1951 = arith.constant 14 : i32
      %shift_right_arithmetic3A_1952 = vector.broadcast %shift_right_arithmetic3A_1951 : i32 to vector<16xi32>
      %shift_right_arithmetic3A_1953 = arith.shrsi %get3A_1950, %shift_right_arithmetic3A_1952 : vector<16xi32>
      %shift_left3A_1954 = arith.constant 14 : i32
      %shift_left3A_1955 = vector.broadcast %shift_left3A_1954 : i32 to vector<16xi32>
      %shift_left3A_1956 = arith.shli %shift_right_arithmetic3A_1953, %shift_left3A_1955 : vector<16xi32>
      %and3A_1957 = arith.constant 8191 : i32
      %and3A_1958 = vector.broadcast %and3A_1957 : i32 to vector<16xi32>
      %and3A_1959 = arith.andi %get3A_1950, %and3A_1958 : vector<16xi32>
      %shift_left3A_1960 = arith.constant 1 : i32
      %shift_left3A_1961 = vector.broadcast %shift_left3A_1960 : i32 to vector<16xi32>
      %shift_left3A_1962 = arith.shli %and3A_1959, %shift_left3A_1961 : vector<16xi32>
      %add3A_1963 = arith.addi %shift_left3A_1956, %shift_left3A_1962 : vector<16xi32>
      %shift_right_arithmetic3A_1964 = arith.constant 13 : i32
      %shift_right_arithmetic3A_1965 = vector.broadcast %shift_right_arithmetic3A_1964 : i32 to vector<16xi32>
      %shift_right_arithmetic3A_1966 = arith.shrsi %get3A_1950, %shift_right_arithmetic3A_1965 : vector<16xi32>
      %and3A_1967 = arith.constant 1 : i32
      %and3A_1968 = vector.broadcast %and3A_1967 : i32 to vector<16xi32>
      %and3A_1969 = arith.andi %shift_right_arithmetic3A_1966, %and3A_1968 : vector<16xi32>
      %add3A_1970 = arith.addi %add3A_1963, %and3A_1969 : vector<16xi32>
      %swap3A_1971 = arith.constant 7 : i32
      %swap3A_1972 = arith.index_cast %swap3A_1971 : i32 to index
      %swap3A_1973 = arith.constant 96 : index
      %swap3A_1974 = tpu.vector_load %arg6[%swap3A_1972, %swap3A_1973] {strides = array<i32>} : memref<10x128xi32, #tpu.memory_space<vmem>>, vector<1x16xi32>,
      %swap3A_1975 = vector.shape_cast %swap3A_1974 : vector<1x16xi32> to vector<16xi32>
      %swap3A_1976 = vector.shape_cast %add3A_1970 : vector<16xi32> to vector<1x16xi32>
      tpu.vector_store %arg6[%swap3A_1972, %swap3A_1973], %swap3A_1976 {strides = array<i32>} : memref<10x128xi32, #tpu.memory_space<vmem>>, vector<1x16xi32>,
      %get3A_1977 = arith.constant 7 : i32
      %get3A_1978 = arith.index_cast %get3A_1977 : i32 to index
      %get3A_1979 = arith.constant 112 : index
      %get3A_1980 = tpu.vector_load %arg5[%get3A_1978, %get3A_1979] {strides = array<i32>} : memref<10x128xi32, #tpu.memory_space<vmem>>, vector<1x16xi32>,
      %get3A_1981 = vector.shape_cast %get3A_1980 : vector<1x16xi32> to vector<16xi32>
      %shift_right_arithmetic3A_1982 = arith.constant 14 : i32
      %shift_right_arithmetic3A_1983 = vector.broadcast %shift_right_arithmetic3A_1982 : i32 to vector<16xi32>
      %shift_right_arithmetic3A_1984 = arith.shrsi %get3A_1981, %shift_right_arithmetic3A_1983 : vector<16xi32>
      %shift_left3A_1985 = arith.constant 14 : i32
      %shift_left3A_1986 = vector.broadcast %shift_left3A_1985 : i32 to vector<16xi32>
      %shift_left3A_1987 = arith.shli %shift_right_arithmetic3A_1984, %shift_left3A_1986 : vector<16xi32>
      %and3A_1988 = arith.constant 8191 : i32
      %and3A_1989 = vector.broadcast %and3A_1988 : i32 to vector<16xi32>
      %and3A_1990 = arith.andi %get3A_1981, %and3A_1989 : vector<16xi32>
      %shift_left3A_1991 = arith.constant 1 : i32
      %shift_left3A_1992 = vector.broadcast %shift_left3A_1991 : i32 to vector<16xi32>
      %shift_left3A_1993 = arith.shli %and3A_1990, %shift_left3A_1992 : vector<16xi32>
      %add3A_1994 = arith.addi %shift_left3A_1987, %shift_left3A_1993 : vector<16xi32>
      %shift_right_arithmetic3A_1995 = arith.constant 13 : i32
      %shift_right_arithmetic3A_1996 = vector.broadcast %shift_right_arithmetic3A_1995 : i32 to vector<16xi32>
      %shift_right_arithmetic3A_1997 = arith.shrsi %get3A_1981, %shift_right_arithmetic3A_1996 : vector<16xi32>
      %and3A_1998 = arith.constant 1 : i32
      %and3A_1999 = vector.broadcast %and3A_1998 : i32 to vector<16xi32>
      %and3A_2000 = arith.andi %shift_right_arithmetic3A_1997, %and3A_1999 : vector<16xi32>
      %add3A_2001 = arith.addi %add3A_1994, %and3A_2000 : vector<16xi32>
      %swap3A_2002 = arith.constant 7 : i32
      %swap3A_2003 = arith.index_cast %swap3A_2002 : i32 to index
      %swap3A_2004 = arith.constant 112 : index
      %swap3A_2005 = tpu.vector_load %arg6[%swap3A_2003, %swap3A_2004] {strides = array<i32>} : memref<10x128xi32, #tpu.memory_space<vmem>>, vector<1x16xi32>,
      %swap3A_2006 = vector.shape_cast %swap3A_2005 : vector<1x16xi32> to vector<16xi32>
      %swap3A_2007 = vector.shape_cast %add3A_2001 : vector<16xi32> to vector<1x16xi32>
      tpu.vector_store %arg6[%swap3A_2003, %swap3A_2004], %swap3A_2007 {strides = array<i32>} : memref<10x128xi32, #tpu.memory_space<vmem>>, vector<1x16xi32>,
      %get3A_2008 = arith.constant 8 : i32
      %get3A_2009 = arith.index_cast %get3A_2008 : i32 to index
      %get3A_2010 = arith.constant 0 : index
      %get3A_2011 = tpu.vector_load %arg5[%get3A_2009, %get3A_2010] {strides = array<i32>} : memref<10x128xi32, #tpu.memory_space<vmem>>, vector<1x16xi32>,
      %get3A_2012 = vector.shape_cast %get3A_2011 : vector<1x16xi32> to vector<16xi32>
      %shift_right_arithmetic3A_2013 = arith.constant 14 : i32
      %shift_right_arithmetic3A_2014 = vector.broadcast %shift_right_arithmetic3A_2013 : i32 to vector<16xi32>
      %shift_right_arithmetic3A_2015 = arith.shrsi %get3A_2012, %shift_right_arithmetic3A_2014 : vector<16xi32>
      %shift_left3A_2016 = arith.constant 14 : i32
      %shift_left3A_2017 = vector.broadcast %shift_left3A_2016 : i32 to vector<16xi32>
      %shift_left3A_2018 = arith.shli %shift_right_arithmetic3A_2015, %shift_left3A_2017 : vector<16xi32>
      %and3A_2019 = arith.constant 8191 : i32
      %and3A_2020 = vector.broadcast %and3A_2019 : i32 to vector<16xi32>
      %and3A_2021 = arith.andi %get3A_2012, %and3A_2020 : vector<16xi32>
      %shift_left3A_2022 = arith.constant 1 : i32
      %shift_left3A_2023 = vector.broadcast %shift_left3A_2022 : i32 to vector<16xi32>
      %shift_left3A_2024 = arith.shli %and3A_2021, %shift_left3A_2023 : vector<16xi32>
      %add3A_2025 = arith.addi %shift_left3A_2018, %shift_left3A_2024 : vector<16xi32>
      %shift_right_arithmetic3A_2026 = arith.constant 13 : i32
      %shift_right_arithmetic3A_2027 = vector.broadcast %shift_right_arithmetic3A_2026 : i32 to vector<16xi32>
      %shift_right_arithmetic3A_2028 = arith.shrsi %get3A_2012, %shift_right_arithmetic3A_2027 : vector<16xi32>
      %and3A_2029 = arith.constant 1 : i32
      %and3A_2030 = vector.broadcast %and3A_2029 : i32 to vector<16xi32>
      %and3A_2031 = arith.andi %shift_right_arithmetic3A_2028, %and3A_2030 : vector<16xi32>
      %add3A_2032 = arith.addi %add3A_2025, %and3A_2031 : vector<16xi32>
      %swap3A_2033 = arith.constant 8 : i32
      %swap3A_2034 = arith.index_cast %swap3A_2033 : i32 to index
      %swap3A_2035 = arith.constant 0 : index
      %swap3A_2036 = tpu.vector_load %arg6[%swap3A_2034, %swap3A_2035] {strides = array<i32>} : memref<10x128xi32, #tpu.memory_space<vmem>>, vector<1x16xi32>,
      %swap3A_2037 = vector.shape_cast %swap3A_2036 : vector<1x16xi32> to vector<16xi32>
      %swap3A_2038 = vector.shape_cast %add3A_2032 : vector<16xi32> to vector<1x16xi32>
      tpu.vector_store %arg6[%swap3A_2034, %swap3A_2035], %swap3A_2038 {strides = array<i32>} : memref<10x128xi32, #tpu.memory_space<vmem>>, vector<1x16xi32>,
      %get3A_2039 = arith.constant 8 : i32
      %get3A_2040 = arith.index_cast %get3A_2039 : i32 to index
      %get3A_2041 = arith.constant 16 : index
      %get3A_2042 = tpu.vector_load %arg5[%get3A_2040, %get3A_2041] {strides = array<i32>} : memref<10x128xi32, #tpu.memory_space<vmem>>, vector<1x16xi32>,
      %get3A_2043 = vector.shape_cast %get3A_2042 : vector<1x16xi32> to vector<16xi32>
      %shift_right_arithmetic3A_2044 = arith.constant 14 : i32
      %shift_right_arithmetic3A_2045 = vector.broadcast %shift_right_arithmetic3A_2044 : i32 to vector<16xi32>
      %shift_right_arithmetic3A_2046 = arith.shrsi %get3A_2043, %shift_right_arithmetic3A_2045 : vector<16xi32>
      %shift_left3A_2047 = arith.constant 14 : i32
      %shift_left3A_2048 = vector.broadcast %shift_left3A_2047 : i32 to vector<16xi32>
      %shift_left3A_2049 = arith.shli %shift_right_arithmetic3A_2046, %shift_left3A_2048 : vector<16xi32>
      %and3A_2050 = arith.constant 8191 : i32
      %and3A_2051 = vector.broadcast %and3A_2050 : i32 to vector<16xi32>
      %and3A_2052 = arith.andi %get3A_2043, %and3A_2051 : vector<16xi32>
      %shift_left3A_2053 = arith.constant 1 : i32
      %shift_left3A_2054 = vector.broadcast %shift_left3A_2053 : i32 to vector<16xi32>
      %shift_left3A_2055 = arith.shli %and3A_2052, %shift_left3A_2054 : vector<16xi32>
      %add3A_2056 = arith.addi %shift_left3A_2049, %shift_left3A_2055 : vector<16xi32>
      %shift_right_arithmetic3A_2057 = arith.constant 13 : i32
      %shift_right_arithmetic3A_2058 = vector.broadcast %shift_right_arithmetic3A_2057 : i32 to vector<16xi32>
      %shift_right_arithmetic3A_2059 = arith.shrsi %get3A_2043, %shift_right_arithmetic3A_2058 : vector<16xi32>
      %and3A_2060 = arith.constant 1 : i32
      %and3A_2061 = vector.broadcast %and3A_2060 : i32 to vector<16xi32>
      %and3A_2062 = arith.andi %shift_right_arithmetic3A_2059, %and3A_2061 : vector<16xi32>
      %add3A_2063 = arith.addi %add3A_2056, %and3A_2062 : vector<16xi32>
      %swap3A_2064 = arith.constant 8 : i32
      %swap3A_2065 = arith.index_cast %swap3A_2064 : i32 to index
      %swap3A_2066 = arith.constant 16 : index
      %swap3A_2067 = tpu.vector_load %arg6[%swap3A_2065, %swap3A_2066] {strides = array<i32>} : memref<10x128xi32, #tpu.memory_space<vmem>>, vector<1x16xi32>,
      %swap3A_2068 = vector.shape_cast %swap3A_2067 : vector<1x16xi32> to vector<16xi32>
      %swap3A_2069 = vector.shape_cast %add3A_2063 : vector<16xi32> to vector<1x16xi32>
      tpu.vector_store %arg6[%swap3A_2065, %swap3A_2066], %swap3A_2069 {strides = array<i32>} : memref<10x128xi32, #tpu.memory_space<vmem>>, vector<1x16xi32>,
      %get3A_2070 = arith.constant 8 : i32
      %get3A_2071 = arith.index_cast %get3A_2070 : i32 to index
      %get3A_2072 = arith.constant 32 : index
      %get3A_2073 = tpu.vector_load %arg5[%get3A_2071, %get3A_2072] {strides = array<i32>} : memref<10x128xi32, #tpu.memory_space<vmem>>, vector<1x16xi32>,
      %get3A_2074 = vector.shape_cast %get3A_2073 : vector<1x16xi32> to vector<16xi32>
      %shift_right_arithmetic3A_2075 = arith.constant 14 : i32
      %shift_right_arithmetic3A_2076 = vector.broadcast %shift_right_arithmetic3A_2075 : i32 to vector<16xi32>
      %shift_right_arithmetic3A_2077 = arith.shrsi %get3A_2074, %shift_right_arithmetic3A_2076 : vector<16xi32>
      %shift_left3A_2078 = arith.constant 14 : i32
      %shift_left3A_2079 = vector.broadcast %shift_left3A_2078 : i32 to vector<16xi32>
      %shift_left3A_2080 = arith.shli %shift_right_arithmetic3A_2077, %shift_left3A_2079 : vector<16xi32>
      %and3A_2081 = arith.constant 8191 : i32
      %and3A_2082 = vector.broadcast %and3A_2081 : i32 to vector<16xi32>
      %and3A_2083 = arith.andi %get3A_2074, %and3A_2082 : vector<16xi32>
      %shift_left3A_2084 = arith.constant 1 : i32
      %shift_left3A_2085 = vector.broadcast %shift_left3A_2084 : i32 to vector<16xi32>
      %shift_left3A_2086 = arith.shli %and3A_2083, %shift_left3A_2085 : vector<16xi32>
      %add3A_2087 = arith.addi %shift_left3A_2080, %shift_left3A_2086 : vector<16xi32>
      %shift_right_arithmetic3A_2088 = arith.constant 13 : i32
      %shift_right_arithmetic3A_2089 = vector.broadcast %shift_right_arithmetic3A_2088 : i32 to vector<16xi32>
      %shift_right_arithmetic3A_2090 = arith.shrsi %get3A_2074, %shift_right_arithmetic3A_2089 : vector<16xi32>
      %and3A_2091 = arith.constant 1 : i32
      %and3A_2092 = vector.broadcast %and3A_2091 : i32 to vector<16xi32>
      %and3A_2093 = arith.andi %shift_right_arithmetic3A_2090, %and3A_2092 : vector<16xi32>
      %add3A_2094 = arith.addi %add3A_2087, %and3A_2093 : vector<16xi32>
      %swap3A_2095 = arith.constant 8 : i32
      %swap3A_2096 = arith.index_cast %swap3A_2095 : i32 to index
      %swap3A_2097 = arith.constant 32 : index
      %swap3A_2098 = tpu.vector_load %arg6[%swap3A_2096, %swap3A_2097] {strides = array<i32>} : memref<10x128xi32, #tpu.memory_space<vmem>>, vector<1x16xi32>,
      %swap3A_2099 = vector.shape_cast %swap3A_2098 : vector<1x16xi32> to vector<16xi32>
      %swap3A_2100 = vector.shape_cast %add3A_2094 : vector<16xi32> to vector<1x16xi32>
      tpu.vector_store %arg6[%swap3A_2096, %swap3A_2097], %swap3A_2100 {strides = array<i32>} : memref<10x128xi32, #tpu.memory_space<vmem>>, vector<1x16xi32>,
      %get3A_2101 = arith.constant 8 : i32
      %get3A_2102 = arith.index_cast %get3A_2101 : i32 to index
      %get3A_2103 = arith.constant 48 : index
      %get3A_2104 = tpu.vector_load %arg5[%get3A_2102, %get3A_2103] {strides = array<i32>} : memref<10x128xi32, #tpu.memory_space<vmem>>, vector<1x16xi32>,
      %get3A_2105 = vector.shape_cast %get3A_2104 : vector<1x16xi32> to vector<16xi32>
      %shift_right_arithmetic3A_2106 = arith.constant 14 : i32
      %shift_right_arithmetic3A_2107 = vector.broadcast %shift_right_arithmetic3A_2106 : i32 to vector<16xi32>
      %shift_right_arithmetic3A_2108 = arith.shrsi %get3A_2105, %shift_right_arithmetic3A_2107 : vector<16xi32>
      %shift_left3A_2109 = arith.constant 14 : i32
      %shift_left3A_2110 = vector.broadcast %shift_left3A_2109 : i32 to vector<16xi32>
      %shift_left3A_2111 = arith.shli %shift_right_arithmetic3A_2108, %shift_left3A_2110 : vector<16xi32>
      %and3A_2112 = arith.constant 8191 : i32
      %and3A_2113 = vector.broadcast %and3A_2112 : i32 to vector<16xi32>
      %and3A_2114 = arith.andi %get3A_2105, %and3A_2113 : vector<16xi32>
      %shift_left3A_2115 = arith.constant 1 : i32
      %shift_left3A_2116 = vector.broadcast %shift_left3A_2115 : i32 to vector<16xi32>
      %shift_left3A_2117 = arith.shli %and3A_2114, %shift_left3A_2116 : vector<16xi32>
      %add3A_2118 = arith.addi %shift_left3A_2111, %shift_left3A_2117 : vector<16xi32>
      %shift_right_arithmetic3A_2119 = arith.constant 13 : i32
      %shift_right_arithmetic3A_2120 = vector.broadcast %shift_right_arithmetic3A_2119 : i32 to vector<16xi32>
      %shift_right_arithmetic3A_2121 = arith.shrsi %get3A_2105, %shift_right_arithmetic3A_2120 : vector<16xi32>
      %and3A_2122 = arith.constant 1 : i32
      %and3A_2123 = vector.broadcast %and3A_2122 : i32 to vector<16xi32>
      %and3A_2124 = arith.andi %shift_right_arithmetic3A_2121, %and3A_2123 : vector<16xi32>
      %add3A_2125 = arith.addi %add3A_2118, %and3A_2124 : vector<16xi32>
      %swap3A_2126 = arith.constant 8 : i32
      %swap3A_2127 = arith.index_cast %swap3A_2126 : i32 to index
      %swap3A_2128 = arith.constant 48 : index
      %swap3A_2129 = tpu.vector_load %arg6[%swap3A_2127, %swap3A_2128] {strides = array<i32>} : memref<10x128xi32, #tpu.memory_space<vmem>>, vector<1x16xi32>,
      %swap3A_2130 = vector.shape_cast %swap3A_2129 : vector<1x16xi32> to vector<16xi32>
      %swap3A_2131 = vector.shape_cast %add3A_2125 : vector<16xi32> to vector<1x16xi32>
      tpu.vector_store %arg6[%swap3A_2127, %swap3A_2128], %swap3A_2131 {strides = array<i32>} : memref<10x128xi32, #tpu.memory_space<vmem>>, vector<1x16xi32>,
      %get3A_2132 = arith.constant 8 : i32
      %get3A_2133 = arith.index_cast %get3A_2132 : i32 to index
      %get3A_2134 = arith.constant 64 : index
      %get3A_2135 = tpu.vector_load %arg5[%get3A_2133, %get3A_2134] {strides = array<i32>} : memref<10x128xi32, #tpu.memory_space<vmem>>, vector<1x16xi32>,
      %get3A_2136 = vector.shape_cast %get3A_2135 : vector<1x16xi32> to vector<16xi32>
      %shift_right_arithmetic3A_2137 = arith.constant 14 : i32
      %shift_right_arithmetic3A_2138 = vector.broadcast %shift_right_arithmetic3A_2137 : i32 to vector<16xi32>
      %shift_right_arithmetic3A_2139 = arith.shrsi %get3A_2136, %shift_right_arithmetic3A_2138 : vector<16xi32>
      %shift_left3A_2140 = arith.constant 14 : i32
      %shift_left3A_2141 = vector.broadcast %shift_left3A_2140 : i32 to vector<16xi32>
      %shift_left3A_2142 = arith.shli %shift_right_arithmetic3A_2139, %shift_left3A_2141 : vector<16xi32>
      %and3A_2143 = arith.constant 8191 : i32
      %and3A_2144 = vector.broadcast %and3A_2143 : i32 to vector<16xi32>
      %and3A_2145 = arith.andi %get3A_2136, %and3A_2144 : vector<16xi32>
      %shift_left3A_2146 = arith.constant 1 : i32
      %shift_left3A_2147 = vector.broadcast %shift_left3A_2146 : i32 to vector<16xi32>
      %shift_left3A_2148 = arith.shli %and3A_2145, %shift_left3A_2147 : vector<16xi32>
      %add3A_2149 = arith.addi %shift_left3A_2142, %shift_left3A_2148 : vector<16xi32>
      %shift_right_arithmetic3A_2150 = arith.constant 13 : i32
      %shift_right_arithmetic3A_2151 = vector.broadcast %shift_right_arithmetic3A_2150 : i32 to vector<16xi32>
      %shift_right_arithmetic3A_2152 = arith.shrsi %get3A_2136, %shift_right_arithmetic3A_2151 : vector<16xi32>
      %and3A_2153 = arith.constant 1 : i32
      %and3A_2154 = vector.broadcast %and3A_2153 : i32 to vector<16xi32>
      %and3A_2155 = arith.andi %shift_right_arithmetic3A_2152, %and3A_2154 : vector<16xi32>
      %add3A_2156 = arith.addi %add3A_2149, %and3A_2155 : vector<16xi32>
      %swap3A_2157 = arith.constant 8 : i32
      %swap3A_2158 = arith.index_cast %swap3A_2157 : i32 to index
      %swap3A_2159 = arith.constant 64 : index
      %swap3A_2160 = tpu.vector_load %arg6[%swap3A_2158, %swap3A_2159] {strides = array<i32>} : memref<10x128xi32, #tpu.memory_space<vmem>>, vector<1x16xi32>,
      %swap3A_2161 = vector.shape_cast %swap3A_2160 : vector<1x16xi32> to vector<16xi32>
      %swap3A_2162 = vector.shape_cast %add3A_2156 : vector<16xi32> to vector<1x16xi32>
      tpu.vector_store %arg6[%swap3A_2158, %swap3A_2159], %swap3A_2162 {strides = array<i32>} : memref<10x128xi32, #tpu.memory_space<vmem>>, vector<1x16xi32>,
      %get3A_2163 = arith.constant 8 : i32
      %get3A_2164 = arith.index_cast %get3A_2163 : i32 to index
      %get3A_2165 = arith.constant 80 : index
      %get3A_2166 = tpu.vector_load %arg5[%get3A_2164, %get3A_2165] {strides = array<i32>} : memref<10x128xi32, #tpu.memory_space<vmem>>, vector<1x16xi32>,
      %get3A_2167 = vector.shape_cast %get3A_2166 : vector<1x16xi32> to vector<16xi32>
      %shift_right_arithmetic3A_2168 = arith.constant 14 : i32
      %shift_right_arithmetic3A_2169 = vector.broadcast %shift_right_arithmetic3A_2168 : i32 to vector<16xi32>
      %shift_right_arithmetic3A_2170 = arith.shrsi %get3A_2167, %shift_right_arithmetic3A_2169 : vector<16xi32>
      %shift_left3A_2171 = arith.constant 14 : i32
      %shift_left3A_2172 = vector.broadcast %shift_left3A_2171 : i32 to vector<16xi32>
      %shift_left3A_2173 = arith.shli %shift_right_arithmetic3A_2170, %shift_left3A_2172 : vector<16xi32>
      %and3A_2174 = arith.constant 8191 : i32
      %and3A_2175 = vector.broadcast %and3A_2174 : i32 to vector<16xi32>
      %and3A_2176 = arith.andi %get3A_2167, %and3A_2175 : vector<16xi32>
      %shift_left3A_2177 = arith.constant 1 : i32
      %shift_left3A_2178 = vector.broadcast %shift_left3A_2177 : i32 to vector<16xi32>
      %shift_left3A_2179 = arith.shli %and3A_2176, %shift_left3A_2178 : vector<16xi32>
      %add3A_2180 = arith.addi %shift_left3A_2173, %shift_left3A_2179 : vector<16xi32>
      %shift_right_arithmetic3A_2181 = arith.constant 13 : i32
      %shift_right_arithmetic3A_2182 = vector.broadcast %shift_right_arithmetic3A_2181 : i32 to vector<16xi32>
      %shift_right_arithmetic3A_2183 = arith.shrsi %get3A_2167, %shift_right_arithmetic3A_2182 : vector<16xi32>
      %and3A_2184 = arith.constant 1 : i32
      %and3A_2185 = vector.broadcast %and3A_2184 : i32 to vector<16xi32>
      %and3A_2186 = arith.andi %shift_right_arithmetic3A_2183, %and3A_2185 : vector<16xi32>
      %add3A_2187 = arith.addi %add3A_2180, %and3A_2186 : vector<16xi32>
      %swap3A_2188 = arith.constant 8 : i32
      %swap3A_2189 = arith.index_cast %swap3A_2188 : i32 to index
      %swap3A_2190 = arith.constant 80 : index
      %swap3A_2191 = tpu.vector_load %arg6[%swap3A_2189, %swap3A_2190] {strides = array<i32>} : memref<10x128xi32, #tpu.memory_space<vmem>>, vector<1x16xi32>,
      %swap3A_2192 = vector.shape_cast %swap3A_2191 : vector<1x16xi32> to vector<16xi32>
      %swap3A_2193 = vector.shape_cast %add3A_2187 : vector<16xi32> to vector<1x16xi32>
      tpu.vector_store %arg6[%swap3A_2189, %swap3A_2190], %swap3A_2193 {strides = array<i32>} : memref<10x128xi32, #tpu.memory_space<vmem>>, vector<1x16xi32>,
      %get3A_2194 = arith.constant 8 : i32
      %get3A_2195 = arith.index_cast %get3A_2194 : i32 to index
      %get3A_2196 = arith.constant 96 : index
      %get3A_2197 = tpu.vector_load %arg5[%get3A_2195, %get3A_2196] {strides = array<i32>} : memref<10x128xi32, #tpu.memory_space<vmem>>, vector<1x16xi32>,
      %get3A_2198 = vector.shape_cast %get3A_2197 : vector<1x16xi32> to vector<16xi32>
      %shift_right_arithmetic3A_2199 = arith.constant 14 : i32
      %shift_right_arithmetic3A_2200 = vector.broadcast %shift_right_arithmetic3A_2199 : i32 to vector<16xi32>
      %shift_right_arithmetic3A_2201 = arith.shrsi %get3A_2198, %shift_right_arithmetic3A_2200 : vector<16xi32>
      %shift_left3A_2202 = arith.constant 14 : i32
      %shift_left3A_2203 = vector.broadcast %shift_left3A_2202 : i32 to vector<16xi32>
      %shift_left3A_2204 = arith.shli %shift_right_arithmetic3A_2201, %shift_left3A_2203 : vector<16xi32>
      %and3A_2205 = arith.constant 8191 : i32
      %and3A_2206 = vector.broadcast %and3A_2205 : i32 to vector<16xi32>
      %and3A_2207 = arith.andi %get3A_2198, %and3A_2206 : vector<16xi32>
      %shift_left3A_2208 = arith.constant 1 : i32
      %shift_left3A_2209 = vector.broadcast %shift_left3A_2208 : i32 to vector<16xi32>
      %shift_left3A_2210 = arith.shli %and3A_2207, %shift_left3A_2209 : vector<16xi32>
      %add3A_2211 = arith.addi %shift_left3A_2204, %shift_left3A_2210 : vector<16xi32>
      %shift_right_arithmetic3A_2212 = arith.constant 13 : i32
      %shift_right_arithmetic3A_2213 = vector.broadcast %shift_right_arithmetic3A_2212 : i32 to vector<16xi32>
      %shift_right_arithmetic3A_2214 = arith.shrsi %get3A_2198, %shift_right_arithmetic3A_2213 : vector<16xi32>
      %and3A_2215 = arith.constant 1 : i32
      %and3A_2216 = vector.broadcast %and3A_2215 : i32 to vector<16xi32>
      %and3A_2217 = arith.andi %shift_right_arithmetic3A_2214, %and3A_2216 : vector<16xi32>
      %add3A_2218 = arith.addi %add3A_2211, %and3A_2217 : vector<16xi32>
      %swap3A_2219 = arith.constant 8 : i32
      %swap3A_2220 = arith.index_cast %swap3A_2219 : i32 to index
      %swap3A_2221 = arith.constant 96 : index
      %swap3A_2222 = tpu.vector_load %arg6[%swap3A_2220, %swap3A_2221] {strides = array<i32>} : memref<10x128xi32, #tpu.memory_space<vmem>>, vector<1x16xi32>,
      %swap3A_2223 = vector.shape_cast %swap3A_2222 : vector<1x16xi32> to vector<16xi32>
      %swap3A_2224 = vector.shape_cast %add3A_2218 : vector<16xi32> to vector<1x16xi32>
      tpu.vector_store %arg6[%swap3A_2220, %swap3A_2221], %swap3A_2224 {strides = array<i32>} : memref<10x128xi32, #tpu.memory_space<vmem>>, vector<1x16xi32>,
      %get3A_2225 = arith.constant 8 : i32
      %get3A_2226 = arith.index_cast %get3A_2225 : i32 to index
      %get3A_2227 = arith.constant 112 : index
      %get3A_2228 = tpu.vector_load %arg5[%get3A_2226, %get3A_2227] {strides = array<i32>} : memref<10x128xi32, #tpu.memory_space<vmem>>, vector<1x16xi32>,
      %get3A_2229 = vector.shape_cast %get3A_2228 : vector<1x16xi32> to vector<16xi32>
      %shift_right_arithmetic3A_2230 = arith.constant 14 : i32
      %shift_right_arithmetic3A_2231 = vector.broadcast %shift_right_arithmetic3A_2230 : i32 to vector<16xi32>
      %shift_right_arithmetic3A_2232 = arith.shrsi %get3A_2229, %shift_right_arithmetic3A_2231 : vector<16xi32>
      %shift_left3A_2233 = arith.constant 14 : i32
      %shift_left3A_2234 = vector.broadcast %shift_left3A_2233 : i32 to vector<16xi32>
      %shift_left3A_2235 = arith.shli %shift_right_arithmetic3A_2232, %shift_left3A_2234 : vector<16xi32>
      %and3A_2236 = arith.constant 8191 : i32
      %and3A_2237 = vector.broadcast %and3A_2236 : i32 to vector<16xi32>
      %and3A_2238 = arith.andi %get3A_2229, %and3A_2237 : vector<16xi32>
      %shift_left3A_2239 = arith.constant 1 : i32
      %shift_left3A_2240 = vector.broadcast %shift_left3A_2239 : i32 to vector<16xi32>
      %shift_left3A_2241 = arith.shli %and3A_2238, %shift_left3A_2240 : vector<16xi32>
      %add3A_2242 = arith.addi %shift_left3A_2235, %shift_left3A_2241 : vector<16xi32>
      %shift_right_arithmetic3A_2243 = arith.constant 13 : i32
      %shift_right_arithmetic3A_2244 = vector.broadcast %shift_right_arithmetic3A_2243 : i32 to vector<16xi32>
      %shift_right_arithmetic3A_2245 = arith.shrsi %get3A_2229, %shift_right_arithmetic3A_2244 : vector<16xi32>
      %and3A_2246 = arith.constant 1 : i32
      %and3A_2247 = vector.broadcast %and3A_2246 : i32 to vector<16xi32>
      %and3A_2248 = arith.andi %shift_right_arithmetic3A_2245, %and3A_2247 : vector<16xi32>
      %add3A_2249 = arith.addi %add3A_2242, %and3A_2248 : vector<16xi32>
      %swap3A_2250 = arith.constant 8 : i32
      %swap3A_2251 = arith.index_cast %swap3A_2250 : i32 to index
      %swap3A_2252 = arith.constant 112 : index
      %swap3A_2253 = tpu.vector_load %arg6[%swap3A_2251, %swap3A_2252] {strides = array<i32>} : memref<10x128xi32, #tpu.memory_space<vmem>>, vector<1x16xi32>,
      %swap3A_2254 = vector.shape_cast %swap3A_2253 : vector<1x16xi32> to vector<16xi32>
      %swap3A_2255 = vector.shape_cast %add3A_2249 : vector<16xi32> to vector<1x16xi32>
      tpu.vector_store %arg6[%swap3A_2251, %swap3A_2252], %swap3A_2255 {strides = array<i32>} : memref<10x128xi32, #tpu.memory_space<vmem>>, vector<1x16xi32>,
      %get3A_2256 = arith.constant 9 : i32
      %get3A_2257 = arith.index_cast %get3A_2256 : i32 to index
      %get3A_2258 = arith.constant 0 : index
      %get3A_2259 = tpu.vector_load %arg5[%get3A_2257, %get3A_2258] {strides = array<i32>} : memref<10x128xi32, #tpu.memory_space<vmem>>, vector<1x16xi32>,
      %get3A_2260 = vector.shape_cast %get3A_2259 : vector<1x16xi32> to vector<16xi32>
      %shift_right_arithmetic3A_2261 = arith.constant 14 : i32
      %shift_right_arithmetic3A_2262 = vector.broadcast %shift_right_arithmetic3A_2261 : i32 to vector<16xi32>
      %shift_right_arithmetic3A_2263 = arith.shrsi %get3A_2260, %shift_right_arithmetic3A_2262 : vector<16xi32>
      %shift_left3A_2264 = arith.constant 14 : i32
      %shift_left3A_2265 = vector.broadcast %shift_left3A_2264 : i32 to vector<16xi32>
      %shift_left3A_2266 = arith.shli %shift_right_arithmetic3A_2263, %shift_left3A_2265 : vector<16xi32>
      %and3A_2267 = arith.constant 8191 : i32
      %and3A_2268 = vector.broadcast %and3A_2267 : i32 to vector<16xi32>
      %and3A_2269 = arith.andi %get3A_2260, %and3A_2268 : vector<16xi32>
      %shift_left3A_2270 = arith.constant 1 : i32
      %shift_left3A_2271 = vector.broadcast %shift_left3A_2270 : i32 to vector<16xi32>
      %shift_left3A_2272 = arith.shli %and3A_2269, %shift_left3A_2271 : vector<16xi32>
      %add3A_2273 = arith.addi %shift_left3A_2266, %shift_left3A_2272 : vector<16xi32>
      %shift_right_arithmetic3A_2274 = arith.constant 13 : i32
      %shift_right_arithmetic3A_2275 = vector.broadcast %shift_right_arithmetic3A_2274 : i32 to vector<16xi32>
      %shift_right_arithmetic3A_2276 = arith.shrsi %get3A_2260, %shift_right_arithmetic3A_2275 : vector<16xi32>
      %and3A_2277 = arith.constant 1 : i32
      %and3A_2278 = vector.broadcast %and3A_2277 : i32 to vector<16xi32>
      %and3A_2279 = arith.andi %shift_right_arithmetic3A_2276, %and3A_2278 : vector<16xi32>
      %add3A_2280 = arith.addi %add3A_2273, %and3A_2279 : vector<16xi32>
      %swap3A_2281 = arith.constant 9 : i32
      %swap3A_2282 = arith.index_cast %swap3A_2281 : i32 to index
      %swap3A_2283 = arith.constant 0 : index
      %swap3A_2284 = tpu.vector_load %arg6[%swap3A_2282, %swap3A_2283] {strides = array<i32>} : memref<10x128xi32, #tpu.memory_space<vmem>>, vector<1x16xi32>,
      %swap3A_2285 = vector.shape_cast %swap3A_2284 : vector<1x16xi32> to vector<16xi32>
      %swap3A_2286 = vector.shape_cast %add3A_2280 : vector<16xi32> to vector<1x16xi32>
      tpu.vector_store %arg6[%swap3A_2282, %swap3A_2283], %swap3A_2286 {strides = array<i32>} : memref<10x128xi32, #tpu.memory_space<vmem>>, vector<1x16xi32>,
      %get3A_2287 = arith.constant 9 : i32
      %get3A_2288 = arith.index_cast %get3A_2287 : i32 to index
      %get3A_2289 = arith.constant 16 : index
      %get3A_2290 = tpu.vector_load %arg5[%get3A_2288, %get3A_2289] {strides = array<i32>} : memref<10x128xi32, #tpu.memory_space<vmem>>, vector<1x16xi32>,
      %get3A_2291 = vector.shape_cast %get3A_2290 : vector<1x16xi32> to vector<16xi32>
      %shift_right_arithmetic3A_2292 = arith.constant 14 : i32
      %shift_right_arithmetic3A_2293 = vector.broadcast %shift_right_arithmetic3A_2292 : i32 to vector<16xi32>
      %shift_right_arithmetic3A_2294 = arith.shrsi %get3A_2291, %shift_right_arithmetic3A_2293 : vector<16xi32>
      %shift_left3A_2295 = arith.constant 14 : i32
      %shift_left3A_2296 = vector.broadcast %shift_left3A_2295 : i32 to vector<16xi32>
      %shift_left3A_2297 = arith.shli %shift_right_arithmetic3A_2294, %shift_left3A_2296 : vector<16xi32>
      %and3A_2298 = arith.constant 8191 : i32
      %and3A_2299 = vector.broadcast %and3A_2298 : i32 to vector<16xi32>
      %and3A_2300 = arith.andi %get3A_2291, %and3A_2299 : vector<16xi32>
      %shift_left3A_2301 = arith.constant 1 : i32
      %shift_left3A_2302 = vector.broadcast %shift_left3A_2301 : i32 to vector<16xi32>
      %shift_left3A_2303 = arith.shli %and3A_2300, %shift_left3A_2302 : vector<16xi32>
      %add3A_2304 = arith.addi %shift_left3A_2297, %shift_left3A_2303 : vector<16xi32>
      %shift_right_arithmetic3A_2305 = arith.constant 13 : i32
      %shift_right_arithmetic3A_2306 = vector.broadcast %shift_right_arithmetic3A_2305 : i32 to vector<16xi32>
      %shift_right_arithmetic3A_2307 = arith.shrsi %get3A_2291, %shift_right_arithmetic3A_2306 : vector<16xi32>
      %and3A_2308 = arith.constant 1 : i32
      %and3A_2309 = vector.broadcast %and3A_2308 : i32 to vector<16xi32>
      %and3A_2310 = arith.andi %shift_right_arithmetic3A_2307, %and3A_2309 : vector<16xi32>
      %add3A_2311 = arith.addi %add3A_2304, %and3A_2310 : vector<16xi32>
      %swap3A_2312 = arith.constant 9 : i32
      %swap3A_2313 = arith.index_cast %swap3A_2312 : i32 to index
      %swap3A_2314 = arith.constant 16 : index
      %swap3A_2315 = tpu.vector_load %arg6[%swap3A_2313, %swap3A_2314] {strides = array<i32>} : memref<10x128xi32, #tpu.memory_space<vmem>>, vector<1x16xi32>,
      %swap3A_2316 = vector.shape_cast %swap3A_2315 : vector<1x16xi32> to vector<16xi32>
      %swap3A_2317 = vector.shape_cast %add3A_2311 : vector<16xi32> to vector<1x16xi32>
      tpu.vector_store %arg6[%swap3A_2313, %swap3A_2314], %swap3A_2317 {strides = array<i32>} : memref<10x128xi32, #tpu.memory_space<vmem>>, vector<1x16xi32>,
      %get3A_2318 = arith.constant 9 : i32
      %get3A_2319 = arith.index_cast %get3A_2318 : i32 to index
      %get3A_2320 = arith.constant 32 : index
      %get3A_2321 = tpu.vector_load %arg5[%get3A_2319, %get3A_2320] {strides = array<i32>} : memref<10x128xi32, #tpu.memory_space<vmem>>, vector<1x16xi32>,
      %get3A_2322 = vector.shape_cast %get3A_2321 : vector<1x16xi32> to vector<16xi32>
      %shift_right_arithmetic3A_2323 = arith.constant 14 : i32
      %shift_right_arithmetic3A_2324 = vector.broadcast %shift_right_arithmetic3A_2323 : i32 to vector<16xi32>
      %shift_right_arithmetic3A_2325 = arith.shrsi %get3A_2322, %shift_right_arithmetic3A_2324 : vector<16xi32>
      %shift_left3A_2326 = arith.constant 14 : i32
      %shift_left3A_2327 = vector.broadcast %shift_left3A_2326 : i32 to vector<16xi32>
      %shift_left3A_2328 = arith.shli %shift_right_arithmetic3A_2325, %shift_left3A_2327 : vector<16xi32>
      %and3A_2329 = arith.constant 8191 : i32
      %and3A_2330 = vector.broadcast %and3A_2329 : i32 to vector<16xi32>
      %and3A_2331 = arith.andi %get3A_2322, %and3A_2330 : vector<16xi32>
      %shift_left3A_2332 = arith.constant 1 : i32
      %shift_left3A_2333 = vector.broadcast %shift_left3A_2332 : i32 to vector<16xi32>
      %shift_left3A_2334 = arith.shli %and3A_2331, %shift_left3A_2333 : vector<16xi32>
      %add3A_2335 = arith.addi %shift_left3A_2328, %shift_left3A_2334 : vector<16xi32>
      %shift_right_arithmetic3A_2336 = arith.constant 13 : i32
      %shift_right_arithmetic3A_2337 = vector.broadcast %shift_right_arithmetic3A_2336 : i32 to vector<16xi32>
      %shift_right_arithmetic3A_2338 = arith.shrsi %get3A_2322, %shift_right_arithmetic3A_2337 : vector<16xi32>
      %and3A_2339 = arith.constant 1 : i32
      %and3A_2340 = vector.broadcast %and3A_2339 : i32 to vector<16xi32>
      %and3A_2341 = arith.andi %shift_right_arithmetic3A_2338, %and3A_2340 : vector<16xi32>
      %add3A_2342 = arith.addi %add3A_2335, %and3A_2341 : vector<16xi32>
      %swap3A_2343 = arith.constant 9 : i32
      %swap3A_2344 = arith.index_cast %swap3A_2343 : i32 to index
      %swap3A_2345 = arith.constant 32 : index
      %swap3A_2346 = tpu.vector_load %arg6[%swap3A_2344, %swap3A_2345] {strides = array<i32>} : memref<10x128xi32, #tpu.memory_space<vmem>>, vector<1x16xi32>,
      %swap3A_2347 = vector.shape_cast %swap3A_2346 : vector<1x16xi32> to vector<16xi32>
      %swap3A_2348 = vector.shape_cast %add3A_2342 : vector<16xi32> to vector<1x16xi32>
      tpu.vector_store %arg6[%swap3A_2344, %swap3A_2345], %swap3A_2348 {strides = array<i32>} : memref<10x128xi32, #tpu.memory_space<vmem>>, vector<1x16xi32>,
      %get3A_2349 = arith.constant 9 : i32
      %get3A_2350 = arith.index_cast %get3A_2349 : i32 to index
      %get3A_2351 = arith.constant 48 : index
      %get3A_2352 = tpu.vector_load %arg5[%get3A_2350, %get3A_2351] {strides = array<i32>} : memref<10x128xi32, #tpu.memory_space<vmem>>, vector<1x16xi32>,
      %get3A_2353 = vector.shape_cast %get3A_2352 : vector<1x16xi32> to vector<16xi32>
      %shift_right_arithmetic3A_2354 = arith.constant 14 : i32
      %shift_right_arithmetic3A_2355 = vector.broadcast %shift_right_arithmetic3A_2354 : i32 to vector<16xi32>
      %shift_right_arithmetic3A_2356 = arith.shrsi %get3A_2353, %shift_right_arithmetic3A_2355 : vector<16xi32>
      %shift_left3A_2357 = arith.constant 14 : i32
      %shift_left3A_2358 = vector.broadcast %shift_left3A_2357 : i32 to vector<16xi32>
      %shift_left3A_2359 = arith.shli %shift_right_arithmetic3A_2356, %shift_left3A_2358 : vector<16xi32>
      %and3A_2360 = arith.constant 8191 : i32
      %and3A_2361 = vector.broadcast %and3A_2360 : i32 to vector<16xi32>
      %and3A_2362 = arith.andi %get3A_2353, %and3A_2361 : vector<16xi32>
      %shift_left3A_2363 = arith.constant 1 : i32
      %shift_left3A_2364 = vector.broadcast %shift_left3A_2363 : i32 to vector<16xi32>
      %shift_left3A_2365 = arith.shli %and3A_2362, %shift_left3A_2364 : vector<16xi32>
      %add3A_2366 = arith.addi %shift_left3A_2359, %shift_left3A_2365 : vector<16xi32>
      %shift_right_arithmetic3A_2367 = arith.constant 13 : i32
      %shift_right_arithmetic3A_2368 = vector.broadcast %shift_right_arithmetic3A_2367 : i32 to vector<16xi32>
      %shift_right_arithmetic3A_2369 = arith.shrsi %get3A_2353, %shift_right_arithmetic3A_2368 : vector<16xi32>
      %and3A_2370 = arith.constant 1 : i32
      %and3A_2371 = vector.broadcast %and3A_2370 : i32 to vector<16xi32>
      %and3A_2372 = arith.andi %shift_right_arithmetic3A_2369, %and3A_2371 : vector<16xi32>
      %add3A_2373 = arith.addi %add3A_2366, %and3A_2372 : vector<16xi32>
      %swap3A_2374 = arith.constant 9 : i32
      %swap3A_2375 = arith.index_cast %swap3A_2374 : i32 to index
      %swap3A_2376 = arith.constant 48 : index
      %swap3A_2377 = tpu.vector_load %arg6[%swap3A_2375, %swap3A_2376] {strides = array<i32>} : memref<10x128xi32, #tpu.memory_space<vmem>>, vector<1x16xi32>,
      %swap3A_2378 = vector.shape_cast %swap3A_2377 : vector<1x16xi32> to vector<16xi32>
      %swap3A_2379 = vector.shape_cast %add3A_2373 : vector<16xi32> to vector<1x16xi32>
      tpu.vector_store %arg6[%swap3A_2375, %swap3A_2376], %swap3A_2379 {strides = array<i32>} : memref<10x128xi32, #tpu.memory_space<vmem>>, vector<1x16xi32>,
      %get3A_2380 = arith.constant 9 : i32
      %get3A_2381 = arith.index_cast %get3A_2380 : i32 to index
      %get3A_2382 = arith.constant 64 : index
      %get3A_2383 = tpu.vector_load %arg5[%get3A_2381, %get3A_2382] {strides = array<i32>} : memref<10x128xi32, #tpu.memory_space<vmem>>, vector<1x16xi32>,
      %get3A_2384 = vector.shape_cast %get3A_2383 : vector<1x16xi32> to vector<16xi32>
      %shift_right_arithmetic3A_2385 = arith.constant 14 : i32
      %shift_right_arithmetic3A_2386 = vector.broadcast %shift_right_arithmetic3A_2385 : i32 to vector<16xi32>
      %shift_right_arithmetic3A_2387 = arith.shrsi %get3A_2384, %shift_right_arithmetic3A_2386 : vector<16xi32>
      %shift_left3A_2388 = arith.constant 14 : i32
      %shift_left3A_2389 = vector.broadcast %shift_left3A_2388 : i32 to vector<16xi32>
      %shift_left3A_2390 = arith.shli %shift_right_arithmetic3A_2387, %shift_left3A_2389 : vector<16xi32>
      %and3A_2391 = arith.constant 8191 : i32
      %and3A_2392 = vector.broadcast %and3A_2391 : i32 to vector<16xi32>
      %and3A_2393 = arith.andi %get3A_2384, %and3A_2392 : vector<16xi32>
      %shift_left3A_2394 = arith.constant 1 : i32
      %shift_left3A_2395 = vector.broadcast %shift_left3A_2394 : i32 to vector<16xi32>
      %shift_left3A_2396 = arith.shli %and3A_2393, %shift_left3A_2395 : vector<16xi32>
      %add3A_2397 = arith.addi %shift_left3A_2390, %shift_left3A_2396 : vector<16xi32>
      %shift_right_arithmetic3A_2398 = arith.constant 13 : i32
      %shift_right_arithmetic3A_2399 = vector.broadcast %shift_right_arithmetic3A_2398 : i32 to vector<16xi32>
      %shift_right_arithmetic3A_2400 = arith.shrsi %get3A_2384, %shift_right_arithmetic3A_2399 : vector<16xi32>
      %and3A_2401 = arith.constant 1 : i32
      %and3A_2402 = vector.broadcast %and3A_2401 : i32 to vector<16xi32>
      %and3A_2403 = arith.andi %shift_right_arithmetic3A_2400, %and3A_2402 : vector<16xi32>
      %add3A_2404 = arith.addi %add3A_2397, %and3A_2403 : vector<16xi32>
      %swap3A_2405 = arith.constant 9 : i32
      %swap3A_2406 = arith.index_cast %swap3A_2405 : i32 to index
      %swap3A_2407 = arith.constant 64 : index
      %swap3A_2408 = tpu.vector_load %arg6[%swap3A_2406, %swap3A_2407] {strides = array<i32>} : memref<10x128xi32, #tpu.memory_space<vmem>>, vector<1x16xi32>,
      %swap3A_2409 = vector.shape_cast %swap3A_2408 : vector<1x16xi32> to vector<16xi32>
      %swap3A_2410 = vector.shape_cast %add3A_2404 : vector<16xi32> to vector<1x16xi32>
      tpu.vector_store %arg6[%swap3A_2406, %swap3A_2407], %swap3A_2410 {strides = array<i32>} : memref<10x128xi32, #tpu.memory_space<vmem>>, vector<1x16xi32>,
      %get3A_2411 = arith.constant 9 : i32
      %get3A_2412 = arith.index_cast %get3A_2411 : i32 to index
      %get3A_2413 = arith.constant 80 : index
      %get3A_2414 = tpu.vector_load %arg5[%get3A_2412, %get3A_2413] {strides = array<i32>} : memref<10x128xi32, #tpu.memory_space<vmem>>, vector<1x16xi32>,
      %get3A_2415 = vector.shape_cast %get3A_2414 : vector<1x16xi32> to vector<16xi32>
      %shift_right_arithmetic3A_2416 = arith.constant 14 : i32
      %shift_right_arithmetic3A_2417 = vector.broadcast %shift_right_arithmetic3A_2416 : i32 to vector<16xi32>
      %shift_right_arithmetic3A_2418 = arith.shrsi %get3A_2415, %shift_right_arithmetic3A_2417 : vector<16xi32>
      %shift_left3A_2419 = arith.constant 14 : i32
      %shift_left3A_2420 = vector.broadcast %shift_left3A_2419 : i32 to vector<16xi32>
      %shift_left3A_2421 = arith.shli %shift_right_arithmetic3A_2418, %shift_left3A_2420 : vector<16xi32>
      %and3A_2422 = arith.constant 8191 : i32
      %and3A_2423 = vector.broadcast %and3A_2422 : i32 to vector<16xi32>
      %and3A_2424 = arith.andi %get3A_2415, %and3A_2423 : vector<16xi32>
      %shift_left3A_2425 = arith.constant 1 : i32
      %shift_left3A_2426 = vector.broadcast %shift_left3A_2425 : i32 to vector<16xi32>
      %shift_left3A_2427 = arith.shli %and3A_2424, %shift_left3A_2426 : vector<16xi32>
      %add3A_2428 = arith.addi %shift_left3A_2421, %shift_left3A_2427 : vector<16xi32>
      %shift_right_arithmetic3A_2429 = arith.constant 13 : i32
      %shift_right_arithmetic3A_2430 = vector.broadcast %shift_right_arithmetic3A_2429 : i32 to vector<16xi32>
      %shift_right_arithmetic3A_2431 = arith.shrsi %get3A_2415, %shift_right_arithmetic3A_2430 : vector<16xi32>
      %and3A_2432 = arith.constant 1 : i32
      %and3A_2433 = vector.broadcast %and3A_2432 : i32 to vector<16xi32>
      %and3A_2434 = arith.andi %shift_right_arithmetic3A_2431, %and3A_2433 : vector<16xi32>
      %add3A_2435 = arith.addi %add3A_2428, %and3A_2434 : vector<16xi32>
      %swap3A_2436 = arith.constant 9 : i32
      %swap3A_2437 = arith.index_cast %swap3A_2436 : i32 to index
      %swap3A_2438 = arith.constant 80 : index
      %swap3A_2439 = tpu.vector_load %arg6[%swap3A_2437, %swap3A_2438] {strides = array<i32>} : memref<10x128xi32, #tpu.memory_space<vmem>>, vector<1x16xi32>,
      %swap3A_2440 = vector.shape_cast %swap3A_2439 : vector<1x16xi32> to vector<16xi32>
      %swap3A_2441 = vector.shape_cast %add3A_2435 : vector<16xi32> to vector<1x16xi32>
      tpu.vector_store %arg6[%swap3A_2437, %swap3A_2438], %swap3A_2441 {strides = array<i32>} : memref<10x128xi32, #tpu.memory_space<vmem>>, vector<1x16xi32>,
      %get3A_2442 = arith.constant 9 : i32
      %get3A_2443 = arith.index_cast %get3A_2442 : i32 to index
      %get3A_2444 = arith.constant 96 : index
      %get3A_2445 = tpu.vector_load %arg5[%get3A_2443, %get3A_2444] {strides = array<i32>} : memref<10x128xi32, #tpu.memory_space<vmem>>, vector<1x16xi32>,
      %get3A_2446 = vector.shape_cast %get3A_2445 : vector<1x16xi32> to vector<16xi32>
      %shift_right_arithmetic3A_2447 = arith.constant 14 : i32
      %shift_right_arithmetic3A_2448 = vector.broadcast %shift_right_arithmetic3A_2447 : i32 to vector<16xi32>
      %shift_right_arithmetic3A_2449 = arith.shrsi %get3A_2446, %shift_right_arithmetic3A_2448 : vector<16xi32>
      %shift_left3A_2450 = arith.constant 14 : i32
      %shift_left3A_2451 = vector.broadcast %shift_left3A_2450 : i32 to vector<16xi32>
      %shift_left3A_2452 = arith.shli %shift_right_arithmetic3A_2449, %shift_left3A_2451 : vector<16xi32>
      %and3A_2453 = arith.constant 8191 : i32
      %and3A_2454 = vector.broadcast %and3A_2453 : i32 to vector<16xi32>
      %and3A_2455 = arith.andi %get3A_2446, %and3A_2454 : vector<16xi32>
      %shift_left3A_2456 = arith.constant 1 : i32
      %shift_left3A_2457 = vector.broadcast %shift_left3A_2456 : i32 to vector<16xi32>
      %shift_left3A_2458 = arith.shli %and3A_2455, %shift_left3A_2457 : vector<16xi32>
      %add3A_2459 = arith.addi %shift_left3A_2452, %shift_left3A_2458 : vector<16xi32>
      %shift_right_arithmetic3A_2460 = arith.constant 13 : i32
      %shift_right_arithmetic3A_2461 = vector.broadcast %shift_right_arithmetic3A_2460 : i32 to vector<16xi32>
      %shift_right_arithmetic3A_2462 = arith.shrsi %get3A_2446, %shift_right_arithmetic3A_2461 : vector<16xi32>
      %and3A_2463 = arith.constant 1 : i32
      %and3A_2464 = vector.broadcast %and3A_2463 : i32 to vector<16xi32>
      %and3A_2465 = arith.andi %shift_right_arithmetic3A_2462, %and3A_2464 : vector<16xi32>
      %add3A_2466 = arith.addi %add3A_2459, %and3A_2465 : vector<16xi32>
      %swap3A_2467 = arith.constant 9 : i32
      %swap3A_2468 = arith.index_cast %swap3A_2467 : i32 to index
      %swap3A_2469 = arith.constant 96 : index
      %swap3A_2470 = tpu.vector_load %arg6[%swap3A_2468, %swap3A_2469] {strides = array<i32>} : memref<10x128xi32, #tpu.memory_space<vmem>>, vector<1x16xi32>,
      %swap3A_2471 = vector.shape_cast %swap3A_2470 : vector<1x16xi32> to vector<16xi32>
      %swap3A_2472 = vector.shape_cast %add3A_2466 : vector<16xi32> to vector<1x16xi32>
      tpu.vector_store %arg6[%swap3A_2468, %swap3A_2469], %swap3A_2472 {strides = array<i32>} : memref<10x128xi32, #tpu.memory_space<vmem>>, vector<1x16xi32>,
      %get3A_2473 = arith.constant 9 : i32
      %get3A_2474 = arith.index_cast %get3A_2473 : i32 to index
      %get3A_2475 = arith.constant 112 : index
      %get3A_2476 = tpu.vector_load %arg5[%get3A_2474, %get3A_2475] {strides = array<i32>} : memref<10x128xi32, #tpu.memory_space<vmem>>, vector<1x16xi32>,
      %get3A_2477 = vector.shape_cast %get3A_2476 : vector<1x16xi32> to vector<16xi32>
      %shift_right_arithmetic3A_2478 = arith.constant 14 : i32
      %shift_right_arithmetic3A_2479 = vector.broadcast %shift_right_arithmetic3A_2478 : i32 to vector<16xi32>
      %shift_right_arithmetic3A_2480 = arith.shrsi %get3A_2477, %shift_right_arithmetic3A_2479 : vector<16xi32>
      %shift_left3A_2481 = arith.constant 14 : i32
      %shift_left3A_2482 = vector.broadcast %shift_left3A_2481 : i32 to vector<16xi32>
      %shift_left3A_2483 = arith.shli %shift_right_arithmetic3A_2480, %shift_left3A_2482 : vector<16xi32>
      %and3A_2484 = arith.constant 8191 : i32
      %and3A_2485 = vector.broadcast %and3A_2484 : i32 to vector<16xi32>
      %and3A_2486 = arith.andi %get3A_2477, %and3A_2485 : vector<16xi32>
      %shift_left3A_2487 = arith.constant 1 : i32
      %shift_left3A_2488 = vector.broadcast %shift_left3A_2487 : i32 to vector<16xi32>
      %shift_left3A_2489 = arith.shli %and3A_2486, %shift_left3A_2488 : vector<16xi32>
      %add3A_2490 = arith.addi %shift_left3A_2483, %shift_left3A_2489 : vector<16xi32>
      %shift_right_arithmetic3A_2491 = arith.constant 13 : i32
      %shift_right_arithmetic3A_2492 = vector.broadcast %shift_right_arithmetic3A_2491 : i32 to vector<16xi32>
      %shift_right_arithmetic3A_2493 = arith.shrsi %get3A_2477, %shift_right_arithmetic3A_2492 : vector<16xi32>
      %and3A_2494 = arith.constant 1 : i32
      %and3A_2495 = vector.broadcast %and3A_2494 : i32 to vector<16xi32>
      %and3A_2496 = arith.andi %shift_right_arithmetic3A_2493, %and3A_2495 : vector<16xi32>
      %add3A_2497 = arith.addi %add3A_2490, %and3A_2496 : vector<16xi32>
      %swap3A_2498 = arith.constant 9 : i32
      %swap3A_2499 = arith.index_cast %swap3A_2498 : i32 to index
      %swap3A_2500 = arith.constant 112 : index
      %swap3A_2501 = tpu.vector_load %arg6[%swap3A_2499, %swap3A_2500] {strides = array<i32>} : memref<10x128xi32, #tpu.memory_space<vmem>>, vector<1x16xi32>,
      %swap3A_2502 = vector.shape_cast %swap3A_2501 : vector<1x16xi32> to vector<16xi32>
      %swap3A_2503 = vector.shape_cast %add3A_2497 : vector<16xi32> to vector<1x16xi32>
      tpu.vector_store %arg6[%swap3A_2499, %swap3A_2500], %swap3A_2503 {strides = array<i32>} : memref<10x128xi32, #tpu.memory_space<vmem>>, vector<1x16xi32>,
      %dma_start3A = arith.constant 0 : i32
      %dma_start3A_2504 = arith.constant 0 : i32
      %dma_start3A_2505 = arith.constant 0 : i32
      %dma_start3A_2506 = tpu.memref_slice %arg7[%dma_start3A_2504, %dma_start3A_2505] : memref<1280x64xi32, #tpu.memory_space<vmem>> -> memref<128x64xi32, #tpu.memory_space<vmem>>
      %dma_start3A_2507 = arith.constant 0 : i32
      %dma_start3A_2508 = tpu.memref_slice %arg6[%dma_start3A, %dma_start3A_2507] : memref<10x128xi32, #tpu.memory_space<vmem>> -> memref<1x128xi32, #tpu.memory_space<vmem>>
      %dma_start3A_2509 = tpu.memref_squeeze %dma_start3A_2508 : memref<1x128xi32, #tpu.memory_space<vmem>> -> memref<128xi32, #tpu.memory_space<vmem>>
      %dma_start3A_2510 = arith.constant 0 : i32
      %dma_start3A_2511 = arith.constant 0 : i32
      %dma_start3A_2512 = tpu.memref_slice %arg3[%dma_start3A_2510, %dma_start3A_2511] : memref<1015808x64xi32, #tpu.memory_space<hbm>> -> memref<1015808x64xi32, #tpu.memory_space<hbm>>
      tpu.enqueue_indirect_dma source(%dma_start3A_2512 : memref<1015808x64xi32, #tpu.memory_space<hbm>>) target(%dma_start3A_2506 : memref<128x64xi32, #tpu.memory_space<vmem>>) offsets(%dma_start3A_2509 : memref<128xi32, #tpu.memory_space<vmem>>) semaphore(%arg8 : memref<!tpu.dma_semaphore, #tpu.memory_space<semaphore_mem>>)
      %dma_start3A_2513 = arith.constant 1 : i32
      %dma_start3A_2514 = arith.constant 128 : i32
      %dma_start3A_2515 = arith.constant 0 : i32
      %dma_start3A_2516 = tpu.memref_slice %arg7[%dma_start3A_2514, %dma_start3A_2515] : memref<1280x64xi32, #tpu.memory_space<vmem>> -> memref<128x64xi32, #tpu.memory_space<vmem>>
      %dma_start3A_2517 = arith.constant 0 : i32
      %dma_start3A_2518 = tpu.memref_slice %arg6[%dma_start3A_2513, %dma_start3A_2517] : memref<10x128xi32, #tpu.memory_space<vmem>> -> memref<1x128xi32, #tpu.memory_space<vmem>>
      %dma_start3A_2519 = tpu.memref_squeeze %dma_start3A_2518 : memref<1x128xi32, #tpu.memory_space<vmem>> -> memref<128xi32, #tpu.memory_space<vmem>>
      %dma_start3A_2520 = arith.constant 0 : i32
      %dma_start3A_2521 = arith.constant 0 : i32
      %dma_start3A_2522 = tpu.memref_slice %arg3[%dma_start3A_2520, %dma_start3A_2521] : memref<1015808x64xi32, #tpu.memory_space<hbm>> -> memref<1015808x64xi32, #tpu.memory_space<hbm>>
      tpu.enqueue_indirect_dma source(%dma_start3A_2522 : memref<1015808x64xi32, #tpu.memory_space<hbm>>) target(%dma_start3A_2516 : memref<128x64xi32, #tpu.memory_space<vmem>>) offsets(%dma_start3A_2519 : memref<128xi32, #tpu.memory_space<vmem>>) semaphore(%arg8 : memref<!tpu.dma_semaphore, #tpu.memory_space<semaphore_mem>>)
      %dma_start3A_2523 = arith.constant 2 : i32
      %dma_start3A_2524 = arith.constant 256 : i32
      %dma_start3A_2525 = arith.constant 0 : i32
      %dma_start3A_2526 = tpu.memref_slice %arg7[%dma_start3A_2524, %dma_start3A_2525] : memref<1280x64xi32, #tpu.memory_space<vmem>> -> memref<128x64xi32, #tpu.memory_space<vmem>>
      %dma_start3A_2527 = arith.constant 0 : i32
      %dma_start3A_2528 = tpu.memref_slice %arg6[%dma_start3A_2523, %dma_start3A_2527] : memref<10x128xi32, #tpu.memory_space<vmem>> -> memref<1x128xi32, #tpu.memory_space<vmem>>
      %dma_start3A_2529 = tpu.memref_squeeze %dma_start3A_2528 : memref<1x128xi32, #tpu.memory_space<vmem>> -> memref<128xi32, #tpu.memory_space<vmem>>
      %dma_start3A_2530 = arith.constant 0 : i32
      %dma_start3A_2531 = arith.constant 0 : i32
      %dma_start3A_2532 = tpu.memref_slice %arg3[%dma_start3A_2530, %dma_start3A_2531] : memref<1015808x64xi32, #tpu.memory_space<hbm>> -> memref<1015808x64xi32, #tpu.memory_space<hbm>>
      tpu.enqueue_indirect_dma source(%dma_start3A_2532 : memref<1015808x64xi32, #tpu.memory_space<hbm>>) target(%dma_start3A_2526 : memref<128x64xi32, #tpu.memory_space<vmem>>) offsets(%dma_start3A_2529 : memref<128xi32, #tpu.memory_space<vmem>>) semaphore(%arg8 : memref<!tpu.dma_semaphore, #tpu.memory_space<semaphore_mem>>)
      %dma_start3A_2533 = arith.constant 3 : i32
      %dma_start3A_2534 = arith.constant 384 : i32
      %dma_start3A_2535 = arith.constant 0 : i32
      %dma_start3A_2536 = tpu.memref_slice %arg7[%dma_start3A_2534, %dma_start3A_2535] : memref<1280x64xi32, #tpu.memory_space<vmem>> -> memref<128x64xi32, #tpu.memory_space<vmem>>
      %dma_start3A_2537 = arith.constant 0 : i32
      %dma_start3A_2538 = tpu.memref_slice %arg6[%dma_start3A_2533, %dma_start3A_2537] : memref<10x128xi32, #tpu.memory_space<vmem>> -> memref<1x128xi32, #tpu.memory_space<vmem>>
      %dma_start3A_2539 = tpu.memref_squeeze %dma_start3A_2538 : memref<1x128xi32, #tpu.memory_space<vmem>> -> memref<128xi32, #tpu.memory_space<vmem>>
      %dma_start3A_2540 = arith.constant 0 : i32
      %dma_start3A_2541 = arith.constant 0 : i32
      %dma_start3A_2542 = tpu.memref_slice %arg3[%dma_start3A_2540, %dma_start3A_2541] : memref<1015808x64xi32, #tpu.memory_space<hbm>> -> memref<1015808x64xi32, #tpu.memory_space<hbm>>
      tpu.enqueue_indirect_dma source(%dma_start3A_2542 : memref<1015808x64xi32, #tpu.memory_space<hbm>>) target(%dma_start3A_2536 : memref<128x64xi32, #tpu.memory_space<vmem>>) offsets(%dma_start3A_2539 : memref<128xi32, #tpu.memory_space<vmem>>) semaphore(%arg8 : memref<!tpu.dma_semaphore, #tpu.memory_space<semaphore_mem>>)
      %dma_start3A_2543 = arith.constant 4 : i32
      %dma_start3A_2544 = arith.constant 512 : i32
      %dma_start3A_2545 = arith.constant 0 : i32
      %dma_start3A_2546 = tpu.memref_slice %arg7[%dma_start3A_2544, %dma_start3A_2545] : memref<1280x64xi32, #tpu.memory_space<vmem>> -> memref<128x64xi32, #tpu.memory_space<vmem>>
      %dma_start3A_2547 = arith.constant 0 : i32
      %dma_start3A_2548 = tpu.memref_slice %arg6[%dma_start3A_2543, %dma_start3A_2547] : memref<10x128xi32, #tpu.memory_space<vmem>> -> memref<1x128xi32, #tpu.memory_space<vmem>>
      %dma_start3A_2549 = tpu.memref_squeeze %dma_start3A_2548 : memref<1x128xi32, #tpu.memory_space<vmem>> -> memref<128xi32, #tpu.memory_space<vmem>>
      %dma_start3A_2550 = arith.constant 0 : i32
      %dma_start3A_2551 = arith.constant 0 : i32
      %dma_start3A_2552 = tpu.memref_slice %arg3[%dma_start3A_2550, %dma_start3A_2551] : memref<1015808x64xi32, #tpu.memory_space<hbm>> -> memref<1015808x64xi32, #tpu.memory_space<hbm>>
      tpu.enqueue_indirect_dma source(%dma_start3A_2552 : memref<1015808x64xi32, #tpu.memory_space<hbm>>) target(%dma_start3A_2546 : memref<128x64xi32, #tpu.memory_space<vmem>>) offsets(%dma_start3A_2549 : memref<128xi32, #tpu.memory_space<vmem>>) semaphore(%arg8 : memref<!tpu.dma_semaphore, #tpu.memory_space<semaphore_mem>>)
      %dma_start3A_2553 = arith.constant 5 : i32
      %dma_start3A_2554 = arith.constant 640 : i32
      %dma_start3A_2555 = arith.constant 0 : i32
      %dma_start3A_2556 = tpu.memref_slice %arg7[%dma_start3A_2554, %dma_start3A_2555] : memref<1280x64xi32, #tpu.memory_space<vmem>> -> memref<128x64xi32, #tpu.memory_space<vmem>>
      %dma_start3A_2557 = arith.constant 0 : i32
      %dma_start3A_2558 = tpu.memref_slice %arg6[%dma_start3A_2553, %dma_start3A_2557] : memref<10x128xi32, #tpu.memory_space<vmem>> -> memref<1x128xi32, #tpu.memory_space<vmem>>
      %dma_start3A_2559 = tpu.memref_squeeze %dma_start3A_2558 : memref<1x128xi32, #tpu.memory_space<vmem>> -> memref<128xi32, #tpu.memory_space<vmem>>
      %dma_start3A_2560 = arith.constant 0 : i32
      %dma_start3A_2561 = arith.constant 0 : i32
      %dma_start3A_2562 = tpu.memref_slice %arg3[%dma_start3A_2560, %dma_start3A_2561] : memref<1015808x64xi32, #tpu.memory_space<hbm>> -> memref<1015808x64xi32, #tpu.memory_space<hbm>>
      tpu.enqueue_indirect_dma source(%dma_start3A_2562 : memref<1015808x64xi32, #tpu.memory_space<hbm>>) target(%dma_start3A_2556 : memref<128x64xi32, #tpu.memory_space<vmem>>) offsets(%dma_start3A_2559 : memref<128xi32, #tpu.memory_space<vmem>>) semaphore(%arg8 : memref<!tpu.dma_semaphore, #tpu.memory_space<semaphore_mem>>)
      %dma_start3A_2563 = arith.constant 6 : i32
      %dma_start3A_2564 = arith.constant 768 : i32
      %dma_start3A_2565 = arith.constant 0 : i32
      %dma_start3A_2566 = tpu.memref_slice %arg7[%dma_start3A_2564, %dma_start3A_2565] : memref<1280x64xi32, #tpu.memory_space<vmem>> -> memref<128x64xi32, #tpu.memory_space<vmem>>
      %dma_start3A_2567 = arith.constant 0 : i32
      %dma_start3A_2568 = tpu.memref_slice %arg6[%dma_start3A_2563, %dma_start3A_2567] : memref<10x128xi32, #tpu.memory_space<vmem>> -> memref<1x128xi32, #tpu.memory_space<vmem>>
      %dma_start3A_2569 = tpu.memref_squeeze %dma_start3A_2568 : memref<1x128xi32, #tpu.memory_space<vmem>> -> memref<128xi32, #tpu.memory_space<vmem>>
      %dma_start3A_2570 = arith.constant 0 : i32
      %dma_start3A_2571 = arith.constant 0 : i32
      %dma_start3A_2572 = tpu.memref_slice %arg3[%dma_start3A_2570, %dma_start3A_2571] : memref<1015808x64xi32, #tpu.memory_space<hbm>> -> memref<1015808x64xi32, #tpu.memory_space<hbm>>
      tpu.enqueue_indirect_dma source(%dma_start3A_2572 : memref<1015808x64xi32, #tpu.memory_space<hbm>>) target(%dma_start3A_2566 : memref<128x64xi32, #tpu.memory_space<vmem>>) offsets(%dma_start3A_2569 : memref<128xi32, #tpu.memory_space<vmem>>) semaphore(%arg8 : memref<!tpu.dma_semaphore, #tpu.memory_space<semaphore_mem>>)
      %dma_start3A_2573 = arith.constant 7 : i32
      %dma_start3A_2574 = arith.constant 896 : i32
      %dma_start3A_2575 = arith.constant 0 : i32
      %dma_start3A_2576 = tpu.memref_slice %arg7[%dma_start3A_2574, %dma_start3A_2575] : memref<1280x64xi32, #tpu.memory_space<vmem>> -> memref<128x64xi32, #tpu.memory_space<vmem>>
      %dma_start3A_2577 = arith.constant 0 : i32
      %dma_start3A_2578 = tpu.memref_slice %arg6[%dma_start3A_2573, %dma_start3A_2577] : memref<10x128xi32, #tpu.memory_space<vmem>> -> memref<1x128xi32, #tpu.memory_space<vmem>>
      %dma_start3A_2579 = tpu.memref_squeeze %dma_start3A_2578 : memref<1x128xi32, #tpu.memory_space<vmem>> -> memref<128xi32, #tpu.memory_space<vmem>>
      %dma_start3A_2580 = arith.constant 0 : i32
      %dma_start3A_2581 = arith.constant 0 : i32
      %dma_start3A_2582 = tpu.memref_slice %arg3[%dma_start3A_2580, %dma_start3A_2581] : memref<1015808x64xi32, #tpu.memory_space<hbm>> -> memref<1015808x64xi32, #tpu.memory_space<hbm>>
      tpu.enqueue_indirect_dma source(%dma_start3A_2582 : memref<1015808x64xi32, #tpu.memory_space<hbm>>) target(%dma_start3A_2576 : memref<128x64xi32, #tpu.memory_space<vmem>>) offsets(%dma_start3A_2579 : memref<128xi32, #tpu.memory_space<vmem>>) semaphore(%arg8 : memref<!tpu.dma_semaphore, #tpu.memory_space<semaphore_mem>>)
      %dma_start3A_2583 = arith.constant 8 : i32
      %dma_start3A_2584 = arith.constant 1024 : i32
      %dma_start3A_2585 = arith.constant 0 : i32
      %dma_start3A_2586 = tpu.memref_slice %arg7[%dma_start3A_2584, %dma_start3A_2585] : memref<1280x64xi32, #tpu.memory_space<vmem>> -> memref<128x64xi32, #tpu.memory_space<vmem>>
      %dma_start3A_2587 = arith.constant 0 : i32
      %dma_start3A_2588 = tpu.memref_slice %arg6[%dma_start3A_2583, %dma_start3A_2587] : memref<10x128xi32, #tpu.memory_space<vmem>> -> memref<1x128xi32, #tpu.memory_space<vmem>>
      %dma_start3A_2589 = tpu.memref_squeeze %dma_start3A_2588 : memref<1x128xi32, #tpu.memory_space<vmem>> -> memref<128xi32, #tpu.memory_space<vmem>>
      %dma_start3A_2590 = arith.constant 0 : i32
      %dma_start3A_2591 = arith.constant 0 : i32
      %dma_start3A_2592 = tpu.memref_slice %arg3[%dma_start3A_2590, %dma_start3A_2591] : memref<1015808x64xi32, #tpu.memory_space<hbm>> -> memref<1015808x64xi32, #tpu.memory_space<hbm>>
      tpu.enqueue_indirect_dma source(%dma_start3A_2592 : memref<1015808x64xi32, #tpu.memory_space<hbm>>) target(%dma_start3A_2586 : memref<128x64xi32, #tpu.memory_space<vmem>>) offsets(%dma_start3A_2589 : memref<128xi32, #tpu.memory_space<vmem>>) semaphore(%arg8 : memref<!tpu.dma_semaphore, #tpu.memory_space<semaphore_mem>>)
      %dma_start3A_2593 = arith.constant 9 : i32
      %dma_start3A_2594 = arith.constant 1152 : i32
      %dma_start3A_2595 = arith.constant 0 : i32
      %dma_start3A_2596 = tpu.memref_slice %arg7[%dma_start3A_2594, %dma_start3A_2595] : memref<1280x64xi32, #tpu.memory_space<vmem>> -> memref<128x64xi32, #tpu.memory_space<vmem>>
      %dma_start3A_2597 = arith.constant 0 : i32
      %dma_start3A_2598 = tpu.memref_slice %arg6[%dma_start3A_2593, %dma_start3A_2597] : memref<10x128xi32, #tpu.memory_space<vmem>> -> memref<1x128xi32, #tpu.memory_space<vmem>>
      %dma_start3A_2599 = tpu.memref_squeeze %dma_start3A_2598 : memref<1x128xi32, #tpu.memory_space<vmem>> -> memref<128xi32, #tpu.memory_space<vmem>>
      %dma_start3A_2600 = arith.constant 0 : i32
      %dma_start3A_2601 = arith.constant 0 : i32
      %dma_start3A_2602 = tpu.memref_slice %arg3[%dma_start3A_2600, %dma_start3A_2601] : memref<1015808x64xi32, #tpu.memory_space<hbm>> -> memref<1015808x64xi32, #tpu.memory_space<hbm>>
      tpu.enqueue_indirect_dma source(%dma_start3A_2602 : memref<1015808x64xi32, #tpu.memory_space<hbm>>) target(%dma_start3A_2596 : memref<128x64xi32, #tpu.memory_space<vmem>>) offsets(%dma_start3A_2599 : memref<128xi32, #tpu.memory_space<vmem>>) semaphore(%arg8 : memref<!tpu.dma_semaphore, #tpu.memory_space<semaphore_mem>>)
      %dma_wait3A = arith.constant 0 : i32
      %dma_wait3A_2603 = arith.constant 0 : i32
      %dma_wait3A_2604 = arith.constant 0 : i32
      %dma_wait3A_2605 = tpu.memref_slice %arg7[%dma_wait3A_2603, %dma_wait3A_2604] : memref<1280x64xi32, #tpu.memory_space<vmem>> -> memref<128x64xi32, #tpu.memory_space<vmem>>
      %dma_wait3A_2606 = arith.constant 0 : i32
      %dma_wait3A_2607 = tpu.memref_slice %arg6[%dma_wait3A, %dma_wait3A_2606] : memref<10x128xi32, #tpu.memory_space<vmem>> -> memref<1x128xi32, #tpu.memory_space<vmem>>
      %dma_wait3A_2608 = tpu.memref_squeeze %dma_wait3A_2607 : memref<1x128xi32, #tpu.memory_space<vmem>> -> memref<128xi32, #tpu.memory_space<vmem>>
      %dma_wait3A_2609 = arith.constant 0 : i32
      %dma_wait3A_2610 = arith.constant 0 : i32
      %dma_wait3A_2611 = tpu.memref_slice %arg3[%dma_wait3A_2609, %dma_wait3A_2610] : memref<1015808x64xi32, #tpu.memory_space<hbm>> -> memref<1015808x64xi32, #tpu.memory_space<hbm>>
      tpu.wait_indirect_dma semaphore(%arg8 : memref<!tpu.dma_semaphore, #tpu.memory_space<semaphore_mem>>) src(%dma_wait3A_2611 : memref<1015808x64xi32, #tpu.memory_space<hbm>>) dst(%dma_wait3A_2605 : memref<128x64xi32, #tpu.memory_space<vmem>>)
      %dma_wait3A_2612 = arith.constant 1 : i32
      %dma_wait3A_2613 = arith.constant 128 : i32
      %dma_wait3A_2614 = arith.constant 0 : i32
      %dma_wait3A_2615 = tpu.memref_slice %arg7[%dma_wait3A_2613, %dma_wait3A_2614] : memref<1280x64xi32, #tpu.memory_space<vmem>> -> memref<128x64xi32, #tpu.memory_space<vmem>>
      %dma_wait3A_2616 = arith.constant 0 : i32
      %dma_wait3A_2617 = tpu.memref_slice %arg6[%dma_wait3A_2612, %dma_wait3A_2616] : memref<10x128xi32, #tpu.memory_space<vmem>> -> memref<1x128xi32, #tpu.memory_space<vmem>>
      %dma_wait3A_2618 = tpu.memref_squeeze %dma_wait3A_2617 : memref<1x128xi32, #tpu.memory_space<vmem>> -> memref<128xi32, #tpu.memory_space<vmem>>
      %dma_wait3A_2619 = arith.constant 0 : i32
      %dma_wait3A_2620 = arith.constant 0 : i32
      %dma_wait3A_2621 = tpu.memref_slice %arg3[%dma_wait3A_2619, %dma_wait3A_2620] : memref<1015808x64xi32, #tpu.memory_space<hbm>> -> memref<1015808x64xi32, #tpu.memory_space<hbm>>
      tpu.wait_indirect_dma semaphore(%arg8 : memref<!tpu.dma_semaphore, #tpu.memory_space<semaphore_mem>>) src(%dma_wait3A_2621 : memref<1015808x64xi32, #tpu.memory_space<hbm>>) dst(%dma_wait3A_2615 : memref<128x64xi32, #tpu.memory_space<vmem>>)
      %dma_wait3A_2622 = arith.constant 2 : i32
      %dma_wait3A_2623 = arith.constant 256 : i32
      %dma_wait3A_2624 = arith.constant 0 : i32
      %dma_wait3A_2625 = tpu.memref_slice %arg7[%dma_wait3A_2623, %dma_wait3A_2624] : memref<1280x64xi32, #tpu.memory_space<vmem>> -> memref<128x64xi32, #tpu.memory_space<vmem>>
      %dma_wait3A_2626 = arith.constant 0 : i32
      %dma_wait3A_2627 = tpu.memref_slice %arg6[%dma_wait3A_2622, %dma_wait3A_2626] : memref<10x128xi32, #tpu.memory_space<vmem>> -> memref<1x128xi32, #tpu.memory_space<vmem>>
      %dma_wait3A_2628 = tpu.memref_squeeze %dma_wait3A_2627 : memref<1x128xi32, #tpu.memory_space<vmem>> -> memref<128xi32, #tpu.memory_space<vmem>>
      %dma_wait3A_2629 = arith.constant 0 : i32
      %dma_wait3A_2630 = arith.constant 0 : i32
      %dma_wait3A_2631 = tpu.memref_slice %arg3[%dma_wait3A_2629, %dma_wait3A_2630] : memref<1015808x64xi32, #tpu.memory_space<hbm>> -> memref<1015808x64xi32, #tpu.memory_space<hbm>>
      tpu.wait_indirect_dma semaphore(%arg8 : memref<!tpu.dma_semaphore, #tpu.memory_space<semaphore_mem>>) src(%dma_wait3A_2631 : memref<1015808x64xi32, #tpu.memory_space<hbm>>) dst(%dma_wait3A_2625 : memref<128x64xi32, #tpu.memory_space<vmem>>)
      %dma_wait3A_2632 = arith.constant 3 : i32
      %dma_wait3A_2633 = arith.constant 384 : i32
      %dma_wait3A_2634 = arith.constant 0 : i32
      %dma_wait3A_2635 = tpu.memref_slice %arg7[%dma_wait3A_2633, %dma_wait3A_2634] : memref<1280x64xi32, #tpu.memory_space<vmem>> -> memref<128x64xi32, #tpu.memory_space<vmem>>
      %dma_wait3A_2636 = arith.constant 0 : i32
      %dma_wait3A_2637 = tpu.memref_slice %arg6[%dma_wait3A_2632, %dma_wait3A_2636] : memref<10x128xi32, #tpu.memory_space<vmem>> -> memref<1x128xi32, #tpu.memory_space<vmem>>
      %dma_wait3A_2638 = tpu.memref_squeeze %dma_wait3A_2637 : memref<1x128xi32, #tpu.memory_space<vmem>> -> memref<128xi32, #tpu.memory_space<vmem>>
      %dma_wait3A_2639 = arith.constant 0 : i32
      %dma_wait3A_2640 = arith.constant 0 : i32
      %dma_wait3A_2641 = tpu.memref_slice %arg3[%dma_wait3A_2639, %dma_wait3A_2640] : memref<1015808x64xi32, #tpu.memory_space<hbm>> -> memref<1015808x64xi32, #tpu.memory_space<hbm>>
      tpu.wait_indirect_dma semaphore(%arg8 : memref<!tpu.dma_semaphore, #tpu.memory_space<semaphore_mem>>) src(%dma_wait3A_2641 : memref<1015808x64xi32, #tpu.memory_space<hbm>>) dst(%dma_wait3A_2635 : memref<128x64xi32, #tpu.memory_space<vmem>>)
      %dma_wait3A_2642 = arith.constant 4 : i32
      %dma_wait3A_2643 = arith.constant 512 : i32
      %dma_wait3A_2644 = arith.constant 0 : i32
      %dma_wait3A_2645 = tpu.memref_slice %arg7[%dma_wait3A_2643, %dma_wait3A_2644] : memref<1280x64xi32, #tpu.memory_space<vmem>> -> memref<128x64xi32, #tpu.memory_space<vmem>>
      %dma_wait3A_2646 = arith.constant 0 : i32
      %dma_wait3A_2647 = tpu.memref_slice %arg6[%dma_wait3A_2642, %dma_wait3A_2646] : memref<10x128xi32, #tpu.memory_space<vmem>> -> memref<1x128xi32, #tpu.memory_space<vmem>>
      %dma_wait3A_2648 = tpu.memref_squeeze %dma_wait3A_2647 : memref<1x128xi32, #tpu.memory_space<vmem>> -> memref<128xi32, #tpu.memory_space<vmem>>
      %dma_wait3A_2649 = arith.constant 0 : i32
      %dma_wait3A_2650 = arith.constant 0 : i32
      %dma_wait3A_2651 = tpu.memref_slice %arg3[%dma_wait3A_2649, %dma_wait3A_2650] : memref<1015808x64xi32, #tpu.memory_space<hbm>> -> memref<1015808x64xi32, #tpu.memory_space<hbm>>
      tpu.wait_indirect_dma semaphore(%arg8 : memref<!tpu.dma_semaphore, #tpu.memory_space<semaphore_mem>>) src(%dma_wait3A_2651 : memref<1015808x64xi32, #tpu.memory_space<hbm>>) dst(%dma_wait3A_2645 : memref<128x64xi32, #tpu.memory_space<vmem>>)
      %dma_wait3A_2652 = arith.constant 5 : i32
      %dma_wait3A_2653 = arith.constant 640 : i32
      %dma_wait3A_2654 = arith.constant 0 : i32
      %dma_wait3A_2655 = tpu.memref_slice %arg7[%dma_wait3A_2653, %dma_wait3A_2654] : memref<1280x64xi32, #tpu.memory_space<vmem>> -> memref<128x64xi32, #tpu.memory_space<vmem>>
      %dma_wait3A_2656 = arith.constant 0 : i32
      %dma_wait3A_2657 = tpu.memref_slice %arg6[%dma_wait3A_2652, %dma_wait3A_2656] : memref<10x128xi32, #tpu.memory_space<vmem>> -> memref<1x128xi32, #tpu.memory_space<vmem>>
      %dma_wait3A_2658 = tpu.memref_squeeze %dma_wait3A_2657 : memref<1x128xi32, #tpu.memory_space<vmem>> -> memref<128xi32, #tpu.memory_space<vmem>>
      %dma_wait3A_2659 = arith.constant 0 : i32
      %dma_wait3A_2660 = arith.constant 0 : i32
      %dma_wait3A_2661 = tpu.memref_slice %arg3[%dma_wait3A_2659, %dma_wait3A_2660] : memref<1015808x64xi32, #tpu.memory_space<hbm>> -> memref<1015808x64xi32, #tpu.memory_space<hbm>>
      tpu.wait_indirect_dma semaphore(%arg8 : memref<!tpu.dma_semaphore, #tpu.memory_space<semaphore_mem>>) src(%dma_wait3A_2661 : memref<1015808x64xi32, #tpu.memory_space<hbm>>) dst(%dma_wait3A_2655 : memref<128x64xi32, #tpu.memory_space<vmem>>)
      %dma_wait3A_2662 = arith.constant 6 : i32
      %dma_wait3A_2663 = arith.constant 768 : i32
      %dma_wait3A_2664 = arith.constant 0 : i32
      %dma_wait3A_2665 = tpu.memref_slice %arg7[%dma_wait3A_2663, %dma_wait3A_2664] : memref<1280x64xi32, #tpu.memory_space<vmem>> -> memref<128x64xi32, #tpu.memory_space<vmem>>
      %dma_wait3A_2666 = arith.constant 0 : i32
      %dma_wait3A_2667 = tpu.memref_slice %arg6[%dma_wait3A_2662, %dma_wait3A_2666] : memref<10x128xi32, #tpu.memory_space<vmem>> -> memref<1x128xi32, #tpu.memory_space<vmem>>
      %dma_wait3A_2668 = tpu.memref_squeeze %dma_wait3A_2667 : memref<1x128xi32, #tpu.memory_space<vmem>> -> memref<128xi32, #tpu.memory_space<vmem>>
      %dma_wait3A_2669 = arith.constant 0 : i32
      %dma_wait3A_2670 = arith.constant 0 : i32
      %dma_wait3A_2671 = tpu.memref_slice %arg3[%dma_wait3A_2669, %dma_wait3A_2670] : memref<1015808x64xi32, #tpu.memory_space<hbm>> -> memref<1015808x64xi32, #tpu.memory_space<hbm>>
      tpu.wait_indirect_dma semaphore(%arg8 : memref<!tpu.dma_semaphore, #tpu.memory_space<semaphore_mem>>) src(%dma_wait3A_2671 : memref<1015808x64xi32, #tpu.memory_space<hbm>>) dst(%dma_wait3A_2665 : memref<128x64xi32, #tpu.memory_space<vmem>>)
      %dma_wait3A_2672 = arith.constant 7 : i32
      %dma_wait3A_2673 = arith.constant 896 : i32
      %dma_wait3A_2674 = arith.constant 0 : i32
      %dma_wait3A_2675 = tpu.memref_slice %arg7[%dma_wait3A_2673, %dma_wait3A_2674] : memref<1280x64xi32, #tpu.memory_space<vmem>> -> memref<128x64xi32, #tpu.memory_space<vmem>>
      %dma_wait3A_2676 = arith.constant 0 : i32
      %dma_wait3A_2677 = tpu.memref_slice %arg6[%dma_wait3A_2672, %dma_wait3A_2676] : memref<10x128xi32, #tpu.memory_space<vmem>> -> memref<1x128xi32, #tpu.memory_space<vmem>>
      %dma_wait3A_2678 = tpu.memref_squeeze %dma_wait3A_2677 : memref<1x128xi32, #tpu.memory_space<vmem>> -> memref<128xi32, #tpu.memory_space<vmem>>
      %dma_wait3A_2679 = arith.constant 0 : i32
      %dma_wait3A_2680 = arith.constant 0 : i32
      %dma_wait3A_2681 = tpu.memref_slice %arg3[%dma_wait3A_2679, %dma_wait3A_2680] : memref<1015808x64xi32, #tpu.memory_space<hbm>> -> memref<1015808x64xi32, #tpu.memory_space<hbm>>
      tpu.wait_indirect_dma semaphore(%arg8 : memref<!tpu.dma_semaphore, #tpu.memory_space<semaphore_mem>>) src(%dma_wait3A_2681 : memref<1015808x64xi32, #tpu.memory_space<hbm>>) dst(%dma_wait3A_2675 : memref<128x64xi32, #tpu.memory_space<vmem>>)
      %dma_wait3A_2682 = arith.constant 8 : i32
      %dma_wait3A_2683 = arith.constant 1024 : i32
      %dma_wait3A_2684 = arith.constant 0 : i32
      %dma_wait3A_2685 = tpu.memref_slice %arg7[%dma_wait3A_2683, %dma_wait3A_2684] : memref<1280x64xi32, #tpu.memory_space<vmem>> -> memref<128x64xi32, #tpu.memory_space<vmem>>
      %dma_wait3A_2686 = arith.constant 0 : i32
      %dma_wait3A_2687 = tpu.memref_slice %arg6[%dma_wait3A_2682, %dma_wait3A_2686] : memref<10x128xi32, #tpu.memory_space<vmem>> -> memref<1x128xi32, #tpu.memory_space<vmem>>
      %dma_wait3A_2688 = tpu.memref_squeeze %dma_wait3A_2687 : memref<1x128xi32, #tpu.memory_space<vmem>> -> memref<128xi32, #tpu.memory_space<vmem>>
      %dma_wait3A_2689 = arith.constant 0 : i32
      %dma_wait3A_2690 = arith.constant 0 : i32
      %dma_wait3A_2691 = tpu.memref_slice %arg3[%dma_wait3A_2689, %dma_wait3A_2690] : memref<1015808x64xi32, #tpu.memory_space<hbm>> -> memref<1015808x64xi32, #tpu.memory_space<hbm>>
      tpu.wait_indirect_dma semaphore(%arg8 : memref<!tpu.dma_semaphore, #tpu.memory_space<semaphore_mem>>) src(%dma_wait3A_2691 : memref<1015808x64xi32, #tpu.memory_space<hbm>>) dst(%dma_wait3A_2685 : memref<128x64xi32, #tpu.memory_space<vmem>>)
      %dma_wait3A_2692 = arith.constant 9 : i32
      %dma_wait3A_2693 = arith.constant 1152 : i32
      %dma_wait3A_2694 = arith.constant 0 : i32
      %dma_wait3A_2695 = tpu.memref_slice %arg7[%dma_wait3A_2693, %dma_wait3A_2694] : memref<1280x64xi32, #tpu.memory_space<vmem>> -> memref<128x64xi32, #tpu.memory_space<vmem>>
      %dma_wait3A_2696 = arith.constant 0 : i32
      %dma_wait3A_2697 = tpu.memref_slice %arg6[%dma_wait3A_2692, %dma_wait3A_2696] : memref<10x128xi32, #tpu.memory_space<vmem>> -> memref<1x128xi32, #tpu.memory_space<vmem>>
      %dma_wait3A_2698 = tpu.memref_squeeze %dma_wait3A_2697 : memref<1x128xi32, #tpu.memory_space<vmem>> -> memref<128xi32, #tpu.memory_space<vmem>>
      %dma_wait3A_2699 = arith.constant 0 : i32
      %dma_wait3A_2700 = arith.constant 0 : i32
      %dma_wait3A_2701 = tpu.memref_slice %arg3[%dma_wait3A_2699, %dma_wait3A_2700] : memref<1015808x64xi32, #tpu.memory_space<hbm>> -> memref<1015808x64xi32, #tpu.memory_space<hbm>>
      tpu.wait_indirect_dma semaphore(%arg8 : memref<!tpu.dma_semaphore, #tpu.memory_space<semaphore_mem>>) src(%dma_wait3A_2701 : memref<1015808x64xi32, #tpu.memory_space<hbm>>) dst(%dma_wait3A_2695 : memref<128x64xi32, #tpu.memory_space<vmem>>)
      "tpu.region"() ({
        %run_scoped3A = tpu.sem_alloc : memref<!tpu.dma_semaphore, #tpu.memory_space<semaphore_mem>>
        %dma_start3A_2702 = arith.constant 0 : i32
        %dma_start3A_2703 = tpu.memref_slice %arg4[%add3A_11, %dma_start3A_2702] : memref<204800x64xi32, #tpu.memory_space<hbm>> -> memref<1280x64xi32, #tpu.memory_space<hbm>>
        %dma_start3A_2704 = arith.constant 0 : i32
        %dma_start3A_2705 = tpu.memref_slice %arg4[%add3A_11, %dma_start3A_2704] : memref<204800x64xi32, #tpu.memory_space<hbm>> -> memref<1280x64xi32, #tpu.memory_space<hbm>>
        tpu.enqueue_dma source(%arg7 : memref<1280x64xi32, #tpu.memory_space<vmem>>) target(%dma_start3A_2705 : memref<1280x64xi32, #tpu.memory_space<hbm>>) target_semaphore(%run_scoped3A : memref<!tpu.dma_semaphore, #tpu.memory_space<semaphore_mem>>)
        %dma_wait3A_2706 = arith.constant 0 : i32
        %dma_wait3A_2707 = tpu.memref_slice %arg4[%add3A_11, %dma_wait3A_2706] : memref<204800x64xi32, #tpu.memory_space<hbm>> -> memref<1280x64xi32, #tpu.memory_space<hbm>>
        %dma_wait3A_2708 = arith.constant 0 : i32
        %dma_wait3A_2709 = tpu.memref_slice %arg4[%add3A_11, %dma_wait3A_2708] : memref<204800x64xi32, #tpu.memory_space<hbm>> -> memref<1280x64xi32, #tpu.memory_space<hbm>>
        tpu.wait_dma2 semaphore(%run_scoped3A : memref<!tpu.dma_semaphore, #tpu.memory_space<semaphore_mem>>) src(%arg7 : memref<1280x64xi32, #tpu.memory_space<vmem>>) dst(%dma_wait3A_2709 : memref<1280x64xi32, #tpu.memory_space<hbm>>)
        tpu.yield
      }) : () -> ()
    }
    %scan3A_7 = arith.constant 5 : i32
    return
  }
}

module attributes {stable_mosaic.version = 14 : i64} {
  func.func @body(%arg0: i32, %arg1: memref<64x8192xf32, #tpu.memory_space<vmem>>, %arg2: memref<16x8192xf32, #tpu.memory_space<vmem>>, %arg3: memref<64x8192xf32, #tpu.memory_space<vmem>>, %arg4: memref<16x8192xf32, #tpu.memory_space<vmem>>, %arg5: memref<8192x128xi32, #tpu.memory_space<vmem>>) attributes {dimension_semantics = [#tpu.dimension_semantics<arbitrary>], iteration_bounds = array<i64: 62>, scalar_prefetch = 0 : i64, scratch_operands = 0 : i64, tpu.core_type = #tpu.core_type<tc>, window_params = [{transform_indices = @transform_0, window_bounds = array<i64: 64, 8192>}, {transform_indices = @transform_1, window_bounds = array<i64: 16, 8192>}, {transform_indices = @transform_2, window_bounds = array<i64: 64, 8192>}, {transform_indices = @transform_3, window_bounds = array<i64: 16, 8192>}, {transform_indices = @transform_4, window_bounds = array<i64: 8192, 128>}]} {
    %get3A = arith.constant 0 : index
    %get3A_0 = arith.constant 0 : index
    %get3A_1 = vector.load %arg1[%get3A, %get3A_0] : memref<64x8192xf32, #tpu.memory_space<vmem>>, vector<64x8192xf32>
    %transpose3A = tpu.transpose %get3A_1, [1, 0] : vector<64x8192xf32> -> vector<8192x64xf32>
    %get3A_2 = arith.constant 0 : index
    %get3A_3 = arith.constant 0 : index
    %get3A_4 = vector.load %arg2[%get3A_2, %get3A_3] : memref<16x8192xf32, #tpu.memory_space<vmem>>, vector<16x8192xf32>
    %transpose3A_5 = tpu.transpose %get3A_4, [1, 0] : vector<16x8192xf32> -> vector<8192x16xf32>
    %convert_element_type3A = arith.truncf %transpose3A : vector<8192x64xf32> to vector<8192x64xbf16>
    %mul3A = arith.constant 1.000000e+00 : f32
    %mul3A_6 = vector.broadcast %mul3A : f32 to vector<8192x16xf32>
    %mul3A_7 = arith.mulf %transpose3A_5, %mul3A_6 : vector<8192x16xf32>
    %convert_element_type3A_8 = arith.truncf %mul3A_7 : vector<8192x16xf32> to vector<8192x16xbf16>
    %broadcast_in_dim3A = arith.constant 0.000000e+00 : bf16
    %broadcast_in_dim3A_9 = vector.broadcast %broadcast_in_dim3A : bf16 to vector<8192x48xbf16>
    %concatenate3A = tpu.concatenate %convert_element_type3A_8, %broadcast_in_dim3A_9 in 1 : vector<8192x16xbf16>, vector<8192x48xbf16> -> vector<8192x64xbf16>
    %bitcast_convert_type3A = tpu.bitcast %convert_element_type3A : vector<8192x64xbf16> -> vector<8192x64xi16>
    %convert_element_type3A_10 = arith.extui %bitcast_convert_type3A : vector<8192x64xi16> to vector<8192x64xi32>
    %bitcast_convert_type3A_11 = tpu.bitcast %concatenate3A : vector<8192x64xbf16> -> vector<8192x64xi16>
    %convert_element_type3A_12 = arith.extui %bitcast_convert_type3A_11 : vector<8192x64xi16> to vector<8192x64xi32>
    %shift_left3A = arith.constant 16 : i32
    %shift_left3A_13 = vector.broadcast %shift_left3A : i32 to vector<8192x64xi32>
    %shift_left3A_14 = arith.shli %convert_element_type3A_12, %shift_left3A_13 : vector<8192x64xi32>
    %or3A = arith.ori %convert_element_type3A_10, %shift_left3A_14 : vector<8192x64xi32>
    %bitcast_convert_type3A_15 = tpu.bitcast %or3A : vector<8192x64xi32> -> vector<8192x64xi32>
    %get3A_16 = arith.constant 0 : index
    %get3A_17 = arith.constant 0 : index
    %get3A_18 = vector.load %arg3[%get3A_16, %get3A_17] : memref<64x8192xf32, #tpu.memory_space<vmem>>, vector<64x8192xf32>
    %transpose3A_19 = tpu.transpose %get3A_18, [1, 0] : vector<64x8192xf32> -> vector<8192x64xf32>
    %get3A_20 = arith.constant 0 : index
    %get3A_21 = arith.constant 0 : index
    %get3A_22 = vector.load %arg4[%get3A_20, %get3A_21] : memref<16x8192xf32, #tpu.memory_space<vmem>>, vector<16x8192xf32>
    %transpose3A_23 = tpu.transpose %get3A_22, [1, 0] : vector<16x8192xf32> -> vector<8192x16xf32>
    %convert_element_type3A_24 = arith.truncf %transpose3A_19 : vector<8192x64xf32> to vector<8192x64xbf16>
    %mul3A_25 = arith.constant 1.000000e+00 : f32
    %mul3A_26 = vector.broadcast %mul3A_25 : f32 to vector<8192x16xf32>
    %mul3A_27 = arith.mulf %transpose3A_23, %mul3A_26 : vector<8192x16xf32>
    %convert_element_type3A_28 = arith.truncf %mul3A_27 : vector<8192x16xf32> to vector<8192x16xbf16>
    %broadcast_in_dim3A_29 = arith.constant 0.000000e+00 : bf16
    %broadcast_in_dim3A_30 = vector.broadcast %broadcast_in_dim3A_29 : bf16 to vector<8192x48xbf16>
    %concatenate3A_31 = tpu.concatenate %convert_element_type3A_28, %broadcast_in_dim3A_30 in 1 : vector<8192x16xbf16>, vector<8192x48xbf16> -> vector<8192x64xbf16>
    %bitcast_convert_type3A_32 = tpu.bitcast %convert_element_type3A_24 : vector<8192x64xbf16> -> vector<8192x64xi16>
    %convert_element_type3A_33 = arith.extui %bitcast_convert_type3A_32 : vector<8192x64xi16> to vector<8192x64xi32>
    %bitcast_convert_type3A_34 = tpu.bitcast %concatenate3A_31 : vector<8192x64xbf16> -> vector<8192x64xi16>
    %convert_element_type3A_35 = arith.extui %bitcast_convert_type3A_34 : vector<8192x64xi16> to vector<8192x64xi32>
    %shift_left3A_36 = arith.constant 16 : i32
    %shift_left3A_37 = vector.broadcast %shift_left3A_36 : i32 to vector<8192x64xi32>
    %shift_left3A_38 = arith.shli %convert_element_type3A_35, %shift_left3A_37 : vector<8192x64xi32>
    %or3A_39 = arith.ori %convert_element_type3A_33, %shift_left3A_38 : vector<8192x64xi32>
    %bitcast_convert_type3A_40 = tpu.bitcast %or3A_39 : vector<8192x64xi32> -> vector<8192x64xi32>
    %concatenate3A_41 = tpu.concatenate %bitcast_convert_type3A_15, %bitcast_convert_type3A_40 in 1 : vector<8192x64xi32>, vector<8192x64xi32> -> vector<8192x128xi32>
    %swap3A = arith.constant 0 : index
    %swap3A_42 = arith.constant 0 : index
    %swap3A_43 = vector.load %arg5[%swap3A, %swap3A_42] : memref<8192x128xi32, #tpu.memory_space<vmem>>, vector<8192x128xi32>
    tpu.vector_store %arg5[%swap3A, %swap3A_42], %concatenate3A_41 {strides = array<i32>} : memref<8192x128xi32, #tpu.memory_space<vmem>>, vector<8192x128xi32>,
    return
  }
  func.func @transform_0(%arg0: i32) -> (i32, i32) {
    %mul3A = arith.constant 2 : i32
    %mul3A_0 = arith.muli %mul3A, %arg0 : i32
    %c0_i32 = arith.constant 0 : i32
    %c0_i32_1 = arith.constant 0 : i32
    return %c0_i32, %mul3A_0 : i32, i32
  }
  func.func @transform_1(%arg0: i32) -> (i32, i32) {
    %mul3A = arith.constant 2 : i32
    %mul3A_0 = arith.muli %mul3A, %arg0 : i32
    %c0_i32 = arith.constant 0 : i32
    %c0_i32_1 = arith.constant 0 : i32
    return %c0_i32, %mul3A_0 : i32, i32
  }
  func.func @transform_2(%arg0: i32) -> (i32, i32) {
    %mul3A = arith.constant 2 : i32
    %mul3A_0 = arith.muli %mul3A, %arg0 : i32
    %add3A = arith.constant 1 : i32
    %add3A_1 = arith.addi %mul3A_0, %add3A : i32
    %min3A = arith.constant 122 : i32
    %min3A_2 = arith.minsi %add3A_1, %min3A : i32
    %c0_i32 = arith.constant 0 : i32
    %c0_i32_3 = arith.constant 0 : i32
    return %c0_i32, %min3A_2 : i32, i32
  }
  func.func @transform_3(%arg0: i32) -> (i32, i32) {
    %mul3A = arith.constant 2 : i32
    %mul3A_0 = arith.muli %mul3A, %arg0 : i32
    %add3A = arith.constant 1 : i32
    %add3A_1 = arith.addi %mul3A_0, %add3A : i32
    %min3A = arith.constant 122 : i32
    %min3A_2 = arith.minsi %add3A_1, %min3A : i32
    %c0_i32 = arith.constant 0 : i32
    %c0_i32_3 = arith.constant 0 : i32
    return %c0_i32, %min3A_2 : i32, i32
  }
  func.func @transform_4(%arg0: i32) -> (i32, i32) {
    %c0_i32 = arith.constant 0 : i32
    %c0_i32_0 = arith.constant 0 : i32
    return %arg0, %c0_i32 : i32, i32
  }
}

module attributes {stable_mosaic.version = 14 : i64} {
  func.func @body(%arg0: i32, %arg1: memref<4096x128xi32, #tpu.memory_space<vmem>>, %arg2: memref<64x64xbf16, #tpu.memory_space<vmem>>, %arg3: memref<64x64xbf16, #tpu.memory_space<vmem>>, %arg4: memref<128x4096xf32, #tpu.memory_space<vmem>>) attributes {dimension_semantics = [#tpu.dimension_semantics<arbitrary>], iteration_bounds = array<i64: 25>, scalar_prefetch = 0 : i64, scratch_operands = 0 : i64, tpu.core_type = #tpu.core_type<tc>, window_params = [{transform_indices = @transform_0, window_bounds = array<i64: 4096, 128>}, {pipeline_mode = #tpu.pipeline_mode<synchronous>, transform_indices = @transform_1, window_bounds = array<i64: 64, 64>}, {pipeline_mode = #tpu.pipeline_mode<synchronous>, transform_indices = @transform_2, window_bounds = array<i64: 64, 64>}, {transform_indices = @transform_3, window_bounds = array<i64: 128, 4096>}]} {
    %get3A = arith.constant 0 : index
    %get3A_0 = arith.constant 0 : index
    %get3A_1 = vector.load %arg1[%get3A, %get3A_0] : memref<4096x128xi32, #tpu.memory_space<vmem>>, vector<2048x128xi32>
    %bitcast_convert_type3A = tpu.bitcast %get3A_1 : vector<2048x128xi32> -> vector<2048x128xi32>
    %and3A = arith.constant 65535 : i32
    %and3A_2 = vector.broadcast %and3A : i32 to vector<2048x128xi32>
    %and3A_3 = arith.andi %bitcast_convert_type3A, %and3A_2 : vector<2048x128xi32>
    %convert_element_type3A = arith.trunci %and3A_3 : vector<2048x128xi32> to vector<2048x128xi16>
    %bitcast_convert_type3A_4 = tpu.bitcast %convert_element_type3A : vector<2048x128xi16> -> vector<2048x128xbf16>
    %shift_right_logical3A = arith.constant 16 : i32
    %shift_right_logical3A_5 = vector.broadcast %shift_right_logical3A : i32 to vector<2048x128xi32>
    %shift_right_logical3A_6 = arith.shrui %bitcast_convert_type3A, %shift_right_logical3A_5 : vector<2048x128xi32>
    %convert_element_type3A_7 = arith.trunci %shift_right_logical3A_6 : vector<2048x128xi32> to vector<2048x128xi16>
    %bitcast_convert_type3A_8 = tpu.bitcast %convert_element_type3A_7 : vector<2048x128xi16> -> vector<2048x128xbf16>
    %get3A_9 = arith.constant 0 : index
    %get3A_10 = arith.constant 0 : index
    %get3A_11 = vector.load %arg2[%get3A_9, %get3A_10] : memref<64x64xbf16, #tpu.memory_space<vmem>>, vector<64x64xbf16>
    %slice3A = vector.extract_strided_slice %bitcast_convert_type3A_4 {offsets = [0, 0], sizes = [2048, 64], strides = [1, 1]} : vector<2048x128xbf16> to vector<2048x64xbf16>
    %dot_general3A = arith.constant dense<0.000000e+00> : vector<64x2048xf32>
    %dot_general3A_12 = tpu.matmul %get3A_11, %slice3A, %dot_general3A {dimension_numbers = #tpu.dot_dimension_numbers<[1], [1], [0], [0], [0, 0, 1, 0], [], []>, transpose_lhs_hint = false} : vector<64x64xbf16>, vector<2048x64xbf16>, vector<64x2048xf32> -> vector<64x2048xf32>
    %get3A_13 = arith.constant 0 : index
    %get3A_14 = arith.constant 0 : index
    %get3A_15 = vector.load %arg3[%get3A_13, %get3A_14] : memref<64x64xbf16, #tpu.memory_space<vmem>>, vector<64x64xbf16>
    %slice3A_16 = vector.extract_strided_slice %bitcast_convert_type3A_8 {offsets = [0, 0], sizes = [2048, 64], strides = [1, 1]} : vector<2048x128xbf16> to vector<2048x64xbf16>
    %dot_general3A_17 = arith.constant dense<0.000000e+00> : vector<64x2048xf32>
    %dot_general3A_18 = tpu.matmul %get3A_15, %slice3A_16, %dot_general3A_17 {dimension_numbers = #tpu.dot_dimension_numbers<[1], [1], [0], [0], [0, 0, 1, 0], [], []>, transpose_lhs_hint = false} : vector<64x64xbf16>, vector<2048x64xbf16>, vector<64x2048xf32> -> vector<64x2048xf32>
    %add3A = arith.addf %dot_general3A_12, %dot_general3A_18 : vector<64x2048xf32>
    %swap3A = arith.constant 0 : index
    %swap3A_19 = arith.constant 0 : index
    %swap3A_20 = vector.load %arg4[%swap3A, %swap3A_19] : memref<128x4096xf32, #tpu.memory_space<vmem>>, vector<64x2048xf32>
    tpu.vector_store %arg4[%swap3A, %swap3A_19], %add3A {strides = array<i32>} : memref<128x4096xf32, #tpu.memory_space<vmem>>, vector<64x2048xf32>,
    %get3A_21 = arith.constant 0 : index
    %get3A_22 = arith.constant 0 : index
    %get3A_23 = vector.load %arg2[%get3A_21, %get3A_22] : memref<64x64xbf16, #tpu.memory_space<vmem>>, vector<64x64xbf16>
    %slice3A_24 = vector.extract_strided_slice %bitcast_convert_type3A_4 {offsets = [0, 64], sizes = [2048, 64], strides = [1, 1]} : vector<2048x128xbf16> to vector<2048x64xbf16>
    %dot_general3A_25 = arith.constant dense<0.000000e+00> : vector<64x2048xf32>
    %dot_general3A_26 = tpu.matmul %get3A_23, %slice3A_24, %dot_general3A_25 {dimension_numbers = #tpu.dot_dimension_numbers<[1], [1], [0], [0], [0, 0, 1, 0], [], []>, transpose_lhs_hint = false} : vector<64x64xbf16>, vector<2048x64xbf16>, vector<64x2048xf32> -> vector<64x2048xf32>
    %get3A_27 = arith.constant 0 : index
    %get3A_28 = arith.constant 0 : index
    %get3A_29 = vector.load %arg3[%get3A_27, %get3A_28] : memref<64x64xbf16, #tpu.memory_space<vmem>>, vector<64x64xbf16>
    %slice3A_30 = vector.extract_strided_slice %bitcast_convert_type3A_8 {offsets = [0, 64], sizes = [2048, 64], strides = [1, 1]} : vector<2048x128xbf16> to vector<2048x64xbf16>
    %dot_general3A_31 = arith.constant dense<0.000000e+00> : vector<64x2048xf32>
    %dot_general3A_32 = tpu.matmul %get3A_29, %slice3A_30, %dot_general3A_31 {dimension_numbers = #tpu.dot_dimension_numbers<[1], [1], [0], [0], [0, 0, 1, 0], [], []>, transpose_lhs_hint = false} : vector<64x64xbf16>, vector<2048x64xbf16>, vector<64x2048xf32> -> vector<64x2048xf32>
    %add3A_33 = arith.addf %dot_general3A_26, %dot_general3A_32 : vector<64x2048xf32>
    %swap3A_34 = arith.constant 0 : index
    %swap3A_35 = arith.constant 2048 : index
    %swap3A_36 = vector.load %arg4[%swap3A_34, %swap3A_35] : memref<128x4096xf32, #tpu.memory_space<vmem>>, vector<64x2048xf32>
    tpu.vector_store %arg4[%swap3A_34, %swap3A_35], %add3A_33 {strides = array<i32>} : memref<128x4096xf32, #tpu.memory_space<vmem>>, vector<64x2048xf32>,
    %get3A_37 = arith.constant 2048 : index
    %get3A_38 = arith.constant 0 : index
    %get3A_39 = vector.load %arg1[%get3A_37, %get3A_38] : memref<4096x128xi32, #tpu.memory_space<vmem>>, vector<2048x128xi32>
    %bitcast_convert_type3A_40 = tpu.bitcast %get3A_39 : vector<2048x128xi32> -> vector<2048x128xi32>
    %and3A_41 = arith.constant 65535 : i32
    %and3A_42 = vector.broadcast %and3A_41 : i32 to vector<2048x128xi32>
    %and3A_43 = arith.andi %bitcast_convert_type3A_40, %and3A_42 : vector<2048x128xi32>
    %convert_element_type3A_44 = arith.trunci %and3A_43 : vector<2048x128xi32> to vector<2048x128xi16>
    %bitcast_convert_type3A_45 = tpu.bitcast %convert_element_type3A_44 : vector<2048x128xi16> -> vector<2048x128xbf16>
    %shift_right_logical3A_46 = arith.constant 16 : i32
    %shift_right_logical3A_47 = vector.broadcast %shift_right_logical3A_46 : i32 to vector<2048x128xi32>
    %shift_right_logical3A_48 = arith.shrui %bitcast_convert_type3A_40, %shift_right_logical3A_47 : vector<2048x128xi32>
    %convert_element_type3A_49 = arith.trunci %shift_right_logical3A_48 : vector<2048x128xi32> to vector<2048x128xi16>
    %bitcast_convert_type3A_50 = tpu.bitcast %convert_element_type3A_49 : vector<2048x128xi16> -> vector<2048x128xbf16>
    %get3A_51 = arith.constant 0 : index
    %get3A_52 = arith.constant 0 : index
    %get3A_53 = vector.load %arg2[%get3A_51, %get3A_52] : memref<64x64xbf16, #tpu.memory_space<vmem>>, vector<64x64xbf16>
    %slice3A_54 = vector.extract_strided_slice %bitcast_convert_type3A_45 {offsets = [0, 0], sizes = [2048, 64], strides = [1, 1]} : vector<2048x128xbf16> to vector<2048x64xbf16>
    %dot_general3A_55 = arith.constant dense<0.000000e+00> : vector<64x2048xf32>
    %dot_general3A_56 = tpu.matmul %get3A_53, %slice3A_54, %dot_general3A_55 {dimension_numbers = #tpu.dot_dimension_numbers<[1], [1], [0], [0], [0, 0, 1, 0], [], []>, transpose_lhs_hint = false} : vector<64x64xbf16>, vector<2048x64xbf16>, vector<64x2048xf32> -> vector<64x2048xf32>
    %get3A_57 = arith.constant 0 : index
    %get3A_58 = arith.constant 0 : index
    %get3A_59 = vector.load %arg3[%get3A_57, %get3A_58] : memref<64x64xbf16, #tpu.memory_space<vmem>>, vector<64x64xbf16>
    %slice3A_60 = vector.extract_strided_slice %bitcast_convert_type3A_50 {offsets = [0, 0], sizes = [2048, 64], strides = [1, 1]} : vector<2048x128xbf16> to vector<2048x64xbf16>
    %dot_general3A_61 = arith.constant dense<0.000000e+00> : vector<64x2048xf32>
    %dot_general3A_62 = tpu.matmul %get3A_59, %slice3A_60, %dot_general3A_61 {dimension_numbers = #tpu.dot_dimension_numbers<[1], [1], [0], [0], [0, 0, 1, 0], [], []>, transpose_lhs_hint = false} : vector<64x64xbf16>, vector<2048x64xbf16>, vector<64x2048xf32> -> vector<64x2048xf32>
    %add3A_63 = arith.addf %dot_general3A_56, %dot_general3A_62 : vector<64x2048xf32>
    %swap3A_64 = arith.constant 64 : index
    %swap3A_65 = arith.constant 0 : index
    %swap3A_66 = vector.load %arg4[%swap3A_64, %swap3A_65] : memref<128x4096xf32, #tpu.memory_space<vmem>>, vector<64x2048xf32>
    tpu.vector_store %arg4[%swap3A_64, %swap3A_65], %add3A_63 {strides = array<i32>} : memref<128x4096xf32, #tpu.memory_space<vmem>>, vector<64x2048xf32>,
    %get3A_67 = arith.constant 0 : index
    %get3A_68 = arith.constant 0 : index
    %get3A_69 = vector.load %arg2[%get3A_67, %get3A_68] : memref<64x64xbf16, #tpu.memory_space<vmem>>, vector<64x64xbf16>
    %slice3A_70 = vector.extract_strided_slice %bitcast_convert_type3A_45 {offsets = [0, 64], sizes = [2048, 64], strides = [1, 1]} : vector<2048x128xbf16> to vector<2048x64xbf16>
    %dot_general3A_71 = arith.constant dense<0.000000e+00> : vector<64x2048xf32>
    %dot_general3A_72 = tpu.matmul %get3A_69, %slice3A_70, %dot_general3A_71 {dimension_numbers = #tpu.dot_dimension_numbers<[1], [1], [0], [0], [0, 0, 1, 0], [], []>, transpose_lhs_hint = false} : vector<64x64xbf16>, vector<2048x64xbf16>, vector<64x2048xf32> -> vector<64x2048xf32>
    %get3A_73 = arith.constant 0 : index
    %get3A_74 = arith.constant 0 : index
    %get3A_75 = vector.load %arg3[%get3A_73, %get3A_74] : memref<64x64xbf16, #tpu.memory_space<vmem>>, vector<64x64xbf16>
    %slice3A_76 = vector.extract_strided_slice %bitcast_convert_type3A_50 {offsets = [0, 64], sizes = [2048, 64], strides = [1, 1]} : vector<2048x128xbf16> to vector<2048x64xbf16>
    %dot_general3A_77 = arith.constant dense<0.000000e+00> : vector<64x2048xf32>
    %dot_general3A_78 = tpu.matmul %get3A_75, %slice3A_76, %dot_general3A_77 {dimension_numbers = #tpu.dot_dimension_numbers<[1], [1], [0], [0], [0, 0, 1, 0], [], []>, transpose_lhs_hint = false} : vector<64x64xbf16>, vector<2048x64xbf16>, vector<64x2048xf32> -> vector<64x2048xf32>
    %add3A_79 = arith.addf %dot_general3A_72, %dot_general3A_78 : vector<64x2048xf32>
    %swap3A_80 = arith.constant 64 : index
    %swap3A_81 = arith.constant 2048 : index
    %swap3A_82 = vector.load %arg4[%swap3A_80, %swap3A_81] : memref<128x4096xf32, #tpu.memory_space<vmem>>, vector<64x2048xf32>
    tpu.vector_store %arg4[%swap3A_80, %swap3A_81], %add3A_79 {strides = array<i32>} : memref<128x4096xf32, #tpu.memory_space<vmem>>, vector<64x2048xf32>,
    return
  }
  func.func @transform_0(%arg0: i32) -> (i32, i32) {
    %c0_i32 = arith.constant 0 : i32
    %c0_i32_0 = arith.constant 0 : i32
    return %arg0, %c0_i32 : i32, i32
  }
  func.func @transform_1(%arg0: i32) -> (i32, i32) {
    %c0_i32 = arith.constant 0 : i32
    %c0_i32_0 = arith.constant 0 : i32
    %c0_i32_1 = arith.constant 0 : i32
    return %c0_i32, %c0_i32_0 : i32, i32
  }
  func.func @transform_2(%arg0: i32) -> (i32, i32) {
    %c0_i32 = arith.constant 0 : i32
    %c0_i32_0 = arith.constant 0 : i32
    %c0_i32_1 = arith.constant 0 : i32
    return %c0_i32, %c0_i32_0 : i32, i32
  }
  func.func @transform_3(%arg0: i32) -> (i32, i32) {
    %c0_i32 = arith.constant 0 : i32
    %c0_i32_0 = arith.constant 0 : i32
    return %arg0, %c0_i32 : i32, i32
  }
}

</mosaic_0001>

<sc_bundles>
// kernel: kernel.5.cloned.1.call-start
scs
__scs_entry_jumppad:
0x0: {  	(pc) =	sbr.rel $0x88, $3  }
0x1: {  	(tag) =	ssettag $0x0;
	lr =	simm.s32 $0x1  }
0x2: {  	[smem:$0x3F9D] =	sst lr;
	_ =	strace $0xD0000000  }
0x3: {  	_ = 	snop  }
0x4: {  	_ = 	snop  }
0x5: {  	_ = 	snop  }
0x6: {  	_ = 	snop  }
0x7: {  	_ = 	snop  }
__scs_overlays_trampoline_lowered:
0x8: {  	[smem:$0x3FAC] =	sst s0  }
0x9: {  	[smem:$0x3FAD] =	sst s1  }
0xa: {  	[smem:$0x3FAE] =	sst s2  }
0xb: {  	[smem:$0x3FAF] =	sst s3  }
0xc: {  	[smem:$0x3FB0] =	sst s4  }
0xd: {  	[smem:$0x3FB1] =	sst s5  }
0xe: {  	[smem:$0x3FB2] =	sst s6  }
0xf: {  	[smem:$0x3FB3] =	sst s7  }
0x10: {  	[smem:$0x3FB4] =	sst s8  }
0x11: {  	[smem:$0x3FB5] =	sst s9;
	s0 =	simm.s32 @!p0 $0x0  }
0x12: {  	s1 =	sld [smem:$0x3F9B];
	s0 =	simm.s32 @p0 $0x1  }
0x13: {  	[smem:$0x3FB6] =	sst s0;
	s0 =	simm.s32 @!p1 $0x0  }
0x14: {  	s2 =	sld [smem:$0x3F9A];
	s0 =	simm.s32 @p1 $0x1  }
0x15: {  	[smem:$0x3FB7] =	sst s0;
	s0 =	simm.s32 @!p2 $0x0  }
0x16: {  	s3 =	sld [smem:$0x3FDB];
	s0 =	simm.s32 @p2 $0x1  }
0x17: {  	s4 =	simm.s32 $0x1BF5;
	[smem:$0x3FB9] =	sst s0  }
0x18: {  	s0 =	sld [smem:$0x3F9C];
	_ =	swait.ge [sflag:s4], $0x0  }
0x19: {  	s7 =	sld [smem:$0x3F9D]  }
0x1a: {  	s8 =	sadd.s32 $0xFFFFE003, lr  }
0x1b: {  	s9 =	sadd.s32 $0xFFFFFEF7, lr;
	s5 =	simm.s32 $0xFFFFFFFF;
	p2 =	slt.u32 s8, $0xFFFFF086  }
0x1c: {  	p1 =	slt.u32 s9, $0xF7A;
	s5 =	simm.s32 @!p2 $0x0  }
0x1d: {  	s5 =	simm.s32 @p1 $0x1;
	p0 =	seq.s32 s7, s2  }
0x1e: {  	s7 =	smul.u32 @!p0 $0xF7A, s2;
	p2 =	seq.s32 @!p0 s5, $0x0  }
0x1f: {  	s9 =	smul.u32 $0xF7A, s1;
	s8 =	simm.s32 @!p0 $0x1BF5;
	p2 =	por !p2, p0  }
0x20: {  	[sflag:s8] =	ssyncset.s32 @!p0 $0xFFFFF086;
	s6 =	sadd.s32 @!p0 s3, s7;
	s7 =	simm.s32 @!p0 $0x108  }
0x21: {  	s3 =	sadd.s32 s3, s9;
	s6 =	sadd.s32 @!p0 $0x88, s6;
	s7 =	simm.s32 @p2 $0x1082  }
0x22: {  	[simem:s7], [sflag:s8] =	dma.local @!p0 [hbm:s6], $0xF7A  }
0x23: {  	s9 =	sor.u32 $0xD0000000, s2;
	s6 =	simm.s32 $0x108;
	_ =	swait.ge @!p0 [sflag:s8], $0x0  }
0x24: {  	s3 =	sadd.s32 $0x88, s3;
	s6 =	simm.s32 @!p1 $0x1082;
	[sflag:s4] =	ssyncset.s32 $0xFFFFF086  }
0x25: {  	[simem:s6], [sflag:s4] =	dma.local [hbm:s3], $0xF7A  }
0x26: {  	[smem:$0x3F9D] =	sst s1;
	(tag) =	ssettag s2;
	_ =	strace s9  }
0x27: {  	s1 =	sld [smem:$0x3FAD]  }
0x28: {  	s2 =	sld [smem:$0x3FAE]  }
0x29: {  	s4 =	sld [smem:$0x3FB0]  }
0x2a: {  	p0 =	seq.s32 s5, $0x0;
	s5 =	sld [smem:$0x3FB1]  }
0x2b: {  	s6 =	sld [smem:$0x3FB2]  }
0x2c: {  	s7 =	sld [smem:$0x3FB3]  }
0x2d: {  	s3 =	simm.s32 $0x108;
	s8 =	sld [smem:$0x3FB4]  }
0x2e: {  	s3 =	simm.s32 @!p0 $0x1082;
	s9 =	sld [smem:$0x3FB5]  }
0x2f: {  	lr =	sadd.s32 s0, s3;
	s0 =	sld [smem:$0x3FAC]  }
0x30: {  	s3 =	sld [smem:$0x3FAF]  }
0x31: {  	[smem:$0x3FB8] =	sst s10  }
0x32: {  	s10 =	sld [smem:$0x3FB6];
	_ =	sdelay $0x3  }
0x33: {  	p0 =	seq.s32 s10, $0x1;
	s10 =	sld [smem:$0x3FB8];
	_ =	sdelay $0x3  }
0x34: {  	[smem:$0x3FB8] =	sst s10  }
0x35: {  	s10 =	sld [smem:$0x3FB7];
	_ =	sdelay $0x3  }
0x36: {  	p1 =	seq.s32 s10, $0x1;
	s10 =	sld [smem:$0x3FB8];
	_ =	sdelay $0x3  }
0x37: {  	[smem:$0x3FB8] =	sst s10  }
0x38: {  	s10 =	sld [smem:$0x3FB9]  }
0x39: {  	_ = 	snop;
	(pc) =	sbr.ind lr, $3  }
0x3a: {  	_ = 	snop  }
0x3b: {  	_ = 	snop  }
0x3c: {  	p2 =	seq.s32 s10, $0x1;
	s10 =	sld [smem:$0x3FB8]  }
0x3d: {  	_ =	shalt  }
0x3e: {  	_ =	shalt  }
0x3f: {  	_ =	shalt  }
0x40: {  	_ =	shalt  }
0x41: {  	_ =	shalt  }
0x42: {  	_ =	shalt  }
0x43: {  	_ =	shalt  }
0x44: {  	_ =	shalt  }
0x45: {  	_ =	shalt  }
0x46: {  	_ =	shalt  }
0x47: {  	_ =	shalt  }
0x48: {  	_ =	shalt  }
0x49: {  	_ =	shalt  }
0x4a: {  	_ =	shalt  }
0x4b: {  	_ =	shalt  }
0x4c: {  	_ =	shalt  }
0x4d: {  	_ =	shalt  }
0x4e: {  	_ =	shalt  }
0x4f: {  	_ =	shalt  }
0x50: {  	_ =	shalt  }
0x51: {  	_ =	shalt  }
0x52: {  	_ =	shalt  }
0x53: {  	_ =	shalt  }
0x54: {  	_ =	shalt  }
0x55: {  	_ =	shalt  }
0x56: {  	_ =	shalt  }
0x57: {  	_ =	shalt  }
0x58: {  	_ =	shalt  }
0x59: {  	_ =	shalt  }
0x5a: {  	_ =	shalt  }
0x5b: {  	_ =	shalt  }
0x5c: {  	_ =	shalt  }
0x5d: {  	_ =	shalt  }
0x5e: {  	_ =	shalt  }
0x5f: {  	_ =	shalt  }
0x60: {  	_ =	shalt  }
0x61: {  	_ =	shalt  }
0x62: {  	_ =	shalt  }
0x63: {  	_ =	shalt  }
0x64: {  	_ =	shalt  }
0x65: {  	_ =	shalt  }
0x66: {  	_ =	shalt  }
0x67: {  	_ =	shalt  }
0x68: {  	_ =	shalt  }
0x69: {  	_ =	shalt  }
0x6a: {  	_ =	shalt  }
0x6b: {  	_ =	shalt  }
0x6c: {  	_ =	shalt  }
0x6d: {  	_ =	shalt  }
0x6e: {  	_ =	shalt  }
0x6f: {  	_ =	shalt  }
0x70: {  	_ =	shalt  }
0x71: {  	_ =	shalt  }
0x72: {  	_ =	shalt  }
0x73: {  	_ =	shalt  }
0x74: {  	_ =	shalt  }
0x75: {  	_ =	shalt  }
0x76: {  	_ =	shalt  }
0x77: {  	_ =	shalt  }
0x78: {  	_ =	shalt  }
0x79: {  	_ =	shalt  }
0x7a: {  	_ =	shalt  }
0x7b: {  	_ =	shalt  }
0x7c: {  	_ =	shalt  }
0x7d: {  	_ =	shalt  }
0x7e: {  	_ =	shalt  }
0x7f: {  	_ =	shalt  }
0x80: {  	_ =	shalt  }
0x81: {  	_ =	shalt  }
0x82: {  	_ =	shalt  }
0x83: {  	_ =	shalt  }
0x84: {  	_ =	shalt  }
0x85: {  	_ =	shalt  }
0x86: {  	_ =	shalt  }
0x87: {  	_ =	shalt  }
.Lfunc_end0:
.L_simem_size_0:
called_computation_lowered:
.L_overlay_start_0:
0x88: {  	s2 =	sld [smem:$0x3FD9]  }
0x89: {  	s3 =	sld [smem:$0x3FFE];
	_ =	sdelay $0x1  }
0x8a: {  	s1 =	srdreg.scid  }
0x8b: {  	s0 =	sand.u32 $0x1, s1  }
0x8c: {  	s16 =	sshll.u32 s0, $0xA;
	s2 =	sadd.s32 s3, s2  }
0x8d: {  	s2 =	sadd.s32 s2, s16  }
0x8e: {  	[smem:$0x3FC4] =	sst s2  }
0x8f: {  	_ = 	snop  }
0x90: {  	(tm) =	ssettm $0x1  }
0x91: {  	s17 =	sld [smem:$0x3FFB];
	_ =	sdelay $0x3  }
0x92: {  	_ =	strace s17  }
0x93: {  	s2 =	sld [smem:$0x3FFC];
	_ =	sdelay $0x3  }
0x94: {  	_ =	strace s2  }
0x95: {  	s2 =	sld [smem:$0x3FFD];
	_ =	sdelay $0x3  }
0x96: {  	_ =	strace s2  }
0x97: {  	_ =	strace $0x8FFFFFFF  }
0x98: {  	s18 =	sld [smem:$0x3FDB];
	_ =	sdelay $0x1  }
0x99: {  	s19 =	simm.s32 $_scs_section_size  }
0x9a: {  	s4 =	simm.s32 $_size__tile_overlayer_lowered;
	s5 =	simm.s32 $_tile_overlayer_lowered  }
0x9b: {  	s22 =	simm.s32 $0x1BFF;
	s21 =	sshll.u32 s5, $0x1;
	s2 =	sadd.s32 s19, s18  }
0x9c: {  	s6 =	simm.s32 $0x0;
	s20 =	sshll.u32 s4, $0x1;
	s4 =	sadd.s32 s21, s2  }
0x9d: {  	[timem:s6], [sflag:s22] =	dma.local [hbm:s4], s20  }
0x9e: {  	_ =	swait.ge [sflag:s22], s20  }
0x9f: {  	s3 =	ssub.s32 $0x0, s20;
	[sflag:s22] =	ssyncset.done $0x0  }
0xa0: {  	[sflag:s22] =	ssyncadd.s32 s3;
	_ =	sdelay $0x1  }
0xa1: {  	s23 =	simm.s32 $0x1B8B  }
0xa2: {  	_ =	swait.ge [sflag:s23], $0x1  }
0xa3: {  	[sflag:s23] =	ssyncset.done $0x0  }
0xa4: {  	s25 =	simm.s32 $0x1B8E;
	s24 =	sld [smem:$0x3FFE];
	[sflag:s23] =	ssyncadd.s32 $0xFFFFFFFF  }
0xa5: {  	s26 =	simm.s32 $execute0_lowered;
	[smem:$0x3FD2] =	sst s25  }
0xa6: {  	s4 =	sshll.u32 s26, $0x1;
	_ =	strace $0x80000046;
	[dreg:$0x1] =	wrdreg $0xFFFFFFFF  }
0xa7: {  	s28 =	simm.s32 $_size_execute0_lowered;
	s2 =	sadd.s32 s2, s4;
	[dreg:$0x0] =	wrdreg $0x0  }
0xa8: {  	s4 =	sshll.u32 s28, $0x1;
	[dreg:$0x2] =	wrdreg s2  }
0xa9: {  	[dreg:$0x3] =	wrdreg s4  }
0xaa: {  	[dreg:$0x4] =	wrdreg $0xC0  }
0xab: {  	_ =	task [dreg:s6], $0x5FFFF  }
0xac: {  	[dreg:$0x1] =	wrdreg $0xFFFFFFFF  }
0xad: {  	[dreg:$0x0] =	wrdreg $0x60  }
0xae: {  	[dreg:$0x2] =	wrdreg s24  }
0xaf: {  	[dreg:$0x3] =	wrdreg $0x9  }
0xb0: {  	_ =	task.clear_ibuf [dreg:s6], $0x4FFFF;
	_ =	strace $0x90000046  }
0xb1: {  	s29 =	simm.s32 $0x9;
	_ =	strace $0x80000048  }
0xb2: {  	_ =	swait.ge [sflag:s29], $0x1  }
0xb3: {  	[sflag:s29] =	ssyncadd.s32 $0xFFFFFFFF  }
0xb4: {  	_ =	strace $0x90000048  }
0xb5: {  	_ =	sfence  }
0xb6: {  	s30 =	sld [smem:$0x0];
	_ =	sdelay $0x2  }
0xb7: {  	s31 =	sshll.u32 s1, $0xD;
	s1 =	sshrl.u32 s1, $0x2  }
0xb8: {  	s3 =	sand.u32 $0x4000, s31;
	s1 =	sadd.s32 s1, s30  }
0xb9: {  	s0 =	sor.u32 s3, s0;
	s1 =	sshll.u32 s1, $0x11  }
0xba: {  	s0 =	sor.u32 s1, s0  }
0xbb: {  	s0 =	sadd.s32 $0x8F2B, s0  }
0xbc: {  	[sflag:s0] =	ssyncadd.remote.s32 $0x1  }
0xbd: {  	_ =	sfence.sel $0xFFFF  }
0xbe: {  	[dreg:$0x0] =	wrdreg $0xFFFFFFFF;
	(pc) =	sbr.abs _section_cstart, $3  }
0xbf: {  	[dreg:$0x1] =	wrdreg $0xFFFFFFFF  }
0xc0: {  	_ =	task.clear_ibuf [dreg:s6], $0x2FFFF;
	_ =	strace $0x9FFFFFFF  }
0xc1: {  	(tm) =	ssettm $0x7FFFFFFF  }
tec
execute0_lowered:
.L_overlay_start_1:
0x0: {  	(tag) =	ssettag $0x1  }
0x1: {  	s1 =	srdreg.scid  }
0x2: {  	s0 =	stileid.u32;
	s4 =	rddreg [dreg:$0x0]  }
0x3: {  	s2 =	simm.s32 $0x0;
	s8 =	simm.s32 $0x500;
	s9 =	simm.s32 $0xA00  }
0x4: {  	s10 =	simm.s32 $0x580;
	s11 =	simm.s32 $0x2A00;
	s12 =	simm.s32 $0x600  }
0x5: {  	s13 =	simm.s32 $0x4A00;
	s14 =	simm.s32 $0x680;
	s15 =	simm.s32 $0x6A00  }
0x6: {  	s16 =	simm.s32 $0x700;
	s17 =	simm.s32 $0x8A00;
	s18 =	simm.s32 $0x780  }
0x7: {  	s19 =	simm.s32 $0xAA00;
	s20 =	simm.s32 $0x800;
	s21 =	simm.s32 $0xCA00  }
0x8: {  	s22 =	simm.s32 $0x880;
	s23 =	simm.s32 $0xEA00;
	s24 =	simm.s32 $0x900  }
0x9: {  	s25 =	simm.s32 $0x10A00;
	s1 =	sand.u32 $0x1, s1;
	s3 =	smul.u32 $0x3200, s0  }
0xa: {  	s28 =	simm.s32 $0x12A00;
	s29 =	simm.s32 $0x1;
	s5 =	smul.u32 $0x1900, s1  }
0xb: {  	s30 =	simm.s32 $0x0;
	[smem:$0x7FF] =	sst s2;
	s26 =	smul.u32 $0x19000, s0  }
0xc: {  	_ =	strace $0x80000047;
	s7 =	ssub.s32 $0x2, s1;
	s3 =	sadd.s32 s5, s3  }
0xd: {  	s1 =	smul.u32 $0xC800, s1;
	s31 =	sshrl.u32 s7, $0x1;
	s3 =	sshrl.u32 s3, $0x3  }
0xe: {  	s5 =	ssub.s32 s7, s31;
	s7 =	simm.s32 $0x80;
	s6 =	sadd.s32 s3, s4  }
0xf: {  	s3 =	sadd.s32 $0x6A00, s4;
	s4 =	sadd.s32 s26, s4;
	s26 =	simm.s32 $0x980  }
0x10: {  	s1 =	sadd.s32 s1, s4;
	s6 =	sadd.s32 $0x600, s6;
	s4 =	smax.u32 s5, $0x1  }
0x11: {  	s5 =	sadd.s32 $0x7C6A00, s1;
	[dreg:$0x2] =	wrdreg s6;
	s6 =	simm.s32 $0x2  }
.LBB2_1:
0x12: {  	s31 =	smov.u32 s5;
	s1 =	simm.s32 $0x0  }
.LBB2_2:
0x13: {  	s0 =	rddreg [dreg:$0x2]  }
0x14: {  	s0 =	sadd.s32 s1, s0  }
0x15: {  	[tilespmem:s2], [sflag:$0x2] =	stream.linear.gather [hbm4b:s0+s2], $0x500, $0x38;
	[tilespmem:$0x14A00] =	vst v63  }
0x16: {  	_ =	swait.ge [sflag:s6], $0x500  }
0x17: {  	[sflag:s6] =	ssyncset.done $0x0  }
0x18: {  	[sflag:s6] =	ssyncadd.s32 $0xFFFFFB00  }
0x19: {  	v0 =	vld [tilespmem:$0x0]  }
0x1a: {  	v1 =	vld [tilespmem:$0x10]  }
0x1b: {  	v2 =	vld [tilespmem:$0x20]  }
0x1c: {  	v5 =	vld [tilespmem:$0x30]  }
0x1d: {  	v6 =	vld [tilespmem:$0x40]  }
0x1e: {  	v8 =	vld [tilespmem:$0x50]  }
0x1f: {  	v59 =	vld [tilespmem:$0x60]  }
0x20: {  	v9 =	vld [tilespmem:$0x70];
	v3 =	vshll.u32 v0, $0x1  }
0x21: {  	v63 =	vld [tilespmem:$0x80];
	v4 =	vand.u32 $0xFFFFC000, v0;
	v0 =	vshrl.u32 v0, $0xD;
	v51 =	vshll.u32 v1, $0x1  }
0x22: {  	v11 =	vld [tilespmem:$0x90];
	v52 =	vand.u32 $0xFFFFC000, v1;
	v1 =	vshrl.u32 v1, $0xD;
	v53 =	vshll.u32 v2, $0x1  }
0x23: {  	v12 =	vld [tilespmem:$0xA0];
	v7 =	vand.u32 $0xFFFFC000, v2;
	v2 =	vshrl.u32 v2, $0xD;
	v55 =	vshll.u32 v5, $0x1  }
0x24: {  	v20 =	vld [tilespmem:$0xB0];
	v56 =	vand.u32 $0xFFFFC000, v5;
	v5 =	vshrl.u32 v5, $0xD;
	v58 =	vshll.u32 v6, $0x1  }
0x25: {  	v28 =	vld [tilespmem:$0xE0];
	v60 =	vand.u32 $0xFFFFC000, v6;
	v61 =	vshrl.u32 v6, $0xD;
	v62 =	vshll.u32 v8, $0x1  }
0x26: {  	v36 =	vld [tilespmem:$0x110];
	v10 =	vand.u32 $0xFFFFC000, v8;
	v8 =	vshrl.u32 v8, $0xD;
	v14 =	vshll.u32 v59, $0x1  }
0x27: {  	v15 =	vand.u32 $0xFFFFC000, v59;
	v16 =	vshll.u32 v9, $0x1;
	v17 =	vand.u32 $0xFFFFC000, v9  }
0x28: {  	v18 =	vshrl.u32 v9, $0xD;
	v19 =	vshll.u32 v63, $0x1;
	v13 =	vand.u32 $0xFFFFC000, v63  }
0x29: {  	v21 =	vshll.u32 v11, $0x1;
	v22 =	vand.u32 $0xFFFFC000, v11;
	v11 =	vshrl.u32 v11, $0xD  }
0x2a: {  	v24 =	vshll.u32 v12, $0x1;
	v25 =	vand.u32 $0xFFFFC000, v12;
	v26 =	vshrl.u32 v12, $0xD  }
0x2b: {  	v27 =	vshll.u32 v20, $0x1;
	v35 =	vshll.u32 v28, $0x1;
	v43 =	vshll.u32 v36, $0x1  }
0x2c: {  	v3 =	vand.u32 $0x3FFE, v3;
	v0 =	vand.u32 $0x1, v0;
	v1 =	vand.u32 $0x1, v1  }
0x2d: {  	v44 =	vld [tilespmem:$0x140];
	v54 =	vand.u32 $0x1, v2;
	v57 =	vand.u32 $0x1, v5;
	v5 =	vand.u32 $0x3FFE, v58  }
0x2e: {  	v6 =	vand.u32 $0x3FFE, v62;
	v8 =	vand.u32 $0x1, v8;
	v9 =	vand.u32 $0x3FFE, v19  }
0x2f: {  	v23 =	vand.u32 $0x1, v11;
	v11 =	vand.u32 $0x3FFE, v24;
	v12 =	vand.u32 $0x3FFE, v27  }
0x30: {  	v19 =	vand.u32 $0xFFFFC000, v28;
	v3 =	vor.u32 v4, v3;
	v4 =	vand.u32 $0x3FFE, v51  }
0x31: {  	v6 =	vor.u32 v10, v6;
	v10 =	vshrl.u32 v63, $0xD;
	v9 =	vor.u32 v13, v9  }
0x32: {  	v13 =	vshrl.u32 v20, $0xD;
	v51 =	vshll.u32 v44, $0x1;
	v0 =	vor.u32 v0, v3  }
0x33: {  	v3 =	vor.u32 v52, v4;
	v4 =	vand.u32 $0x3FFE, v53;
	v10 =	vand.u32 $0x1, v10  }
0x34: {  	v24 =	vld [tilespmem:$0x160];
	v13 =	vand.u32 $0x1, v13;
	v4 =	vor.u32 v7, v4;
	v2 =	vor.u32 v1, v3  }
0x35: {  	v3 =	vand.u32 $0x3FFE, v55;
	v7 =	vshrl.u32 v59, $0xD;
	v1 =	vor.u32 v54, v4  }
0x36: {  	v3 =	vor.u32 v56, v3;
	v4 =	vor.u32 v60, v5;
	v5 =	vand.u32 $0x1, v61  }
0x37: {  	v52 =	vld [tilespmem:$0x170];
	v7 =	vand.u32 $0x1, v7;
	v3 =	vor.u32 v57, v3;
	v5 =	vor.u32 v5, v4  }
0x38: {  	v4 =	vor.u32 v8, v6;
	v6 =	vand.u32 $0x3FFE, v14;
	v8 =	vand.u32 $0x3FFE, v16  }
0x39: {  	v16 =	vand.u32 $0xFFFFC000, v20;
	v56 =	vshll.u32 v24, $0x1;
	v57 =	vand.u32 $0xFFFFC000, v24  }
0x3a: {  	v58 =	vshrl.u32 v24, $0xD;
	v6 =	vor.u32 v15, v6;
	v12 =	vor.u32 v16, v12  }
0x3b: {  	v16 =	vshrl.u32 v28, $0xD;
	v6 =	vor.u32 v7, v6;
	v7 =	vor.u32 v17, v8  }
0x3c: {  	v60 =	vld [tilespmem:$0x1A0];
	v8 =	vand.u32 $0x1, v18;
	v16 =	vand.u32 $0x1, v16;
	v59 =	vshll.u32 v52, $0x1  }
0x3d: {  	v14 =	vld [tilespmem:$0xC0];
	v28 =	vand.u32 $0xFFFFC000, v52;
	v8 =	vor.u32 v8, v7;
	v7 =	vor.u32 v10, v9  }
0x3e: {  	v20 =	vld [tilespmem:$0x120];
	v9 =	vand.u32 $0x3FFE, v21;
	v10 =	vor.u32 v25, v11;
	v11 =	vand.u32 $0x1, v26  }
0x3f: {  	v25 =	vand.u32 $0xFFFFC000, v44;
	v24 =	vand.u32 $0x3FFE, v59;
	v9 =	vor.u32 v22, v9  }
0x40: {  	v15 =	vld [tilespmem:$0xD0];
	v11 =	vor.u32 v11, v10;
	v10 =	vor.u32 v13, v12;
	v22 =	vand.u32 $0xFFFFC000, v36  }
0x41: {  	v24 =	vor.u32 v28, v24;
	v28 =	vshrl.u32 v60, $0xD;
	v9 =	vor.u32 v23, v9  }
0x42: {  	v29 =	vshll.u32 v14, $0x1;
	v30 =	vand.u32 $0xFFFFC000, v14;
	v14 =	vshrl.u32 v14, $0xD  }
0x43: {  	v17 =	vld [tilespmem:$0xF0];
	v45 =	vshll.u32 v20, $0x1;
	v46 =	vand.u32 $0xFFFFC000, v20;
	v20 =	vshrl.u32 v20, $0xD  }
0x44: {  	v18 =	vld [tilespmem:$0x100];
	v28 =	vand.u32 $0x1, v28;
	v12 =	vand.u32 $0x3FFE, v29;
	v31 =	vand.u32 $0x1, v14  }
0x45: {  	v27 =	vld [tilespmem:$0x190];
	v32 =	vshll.u32 v15, $0x1;
	v33 =	vand.u32 $0xFFFFC000, v15;
	v34 =	vshrl.u32 v15, $0xD  }
0x46: {  	v15 =	vand.u32 $0x3FFE, v35;
	v47 =	vand.u32 $0x1, v20;
	v35 =	vshll.u32 v60, $0x1  }
0x47: {  	v12 =	vor.u32 v30, v12;
	v14 =	vand.u32 $0x3FFE, v32;
	v15 =	vor.u32 v19, v15  }
0x48: {  	v21 =	vld [tilespmem:$0x130];
	v37 =	vshll.u32 v17, $0x1;
	v38 =	vand.u32 $0xFFFFC000, v17;
	v17 =	vshrl.u32 v17, $0xD  }
0x49: {  	v40 =	vshll.u32 v18, $0x1;
	v41 =	vand.u32 $0xFFFFC000, v18;
	v42 =	vshrl.u32 v18, $0xD  }
0x4a: {  	v26 =	vld [tilespmem:$0x180];
	v18 =	vand.u32 $0x3FFE, v43;
	v19 =	vshrl.u32 v36, $0xD;
	v32 =	vshll.u32 v27, $0x1  }
0x4b: {  	v12 =	vor.u32 v31, v12;
	v13 =	vor.u32 v33, v14;
	v14 =	vand.u32 $0x1, v34  }
0x4c: {  	v39 =	vand.u32 $0x1, v17;
	v17 =	vand.u32 $0x3FFE, v40;
	v18 =	vor.u32 v22, v18  }
0x4d: {  	v19 =	vand.u32 $0x1, v19;
	v48 =	vshll.u32 v21, $0x1;
	v49 =	vand.u32 $0xFFFFC000, v21  }
0x4e: {  	v50 =	vshrl.u32 v21, $0xD;
	v21 =	vand.u32 $0x3FFE, v51;
	v22 =	vshrl.u32 v44, $0xD  }
0x4f: {  	v61 =	vshll.u32 v26, $0x1;
	v62 =	vand.u32 $0xFFFFC000, v26;
	v26 =	vshrl.u32 v26, $0xD  }
0x50: {  	v33 =	vand.u32 $0xFFFFC000, v27;
	v34 =	vshrl.u32 v27, $0xD;
	v31 =	vand.u32 $0xFFFFC000, v60  }
0x51: {  	v27 =	vand.u32 $0x3FFE, v35;
	v14 =	vor.u32 v14, v13;
	v13 =	vor.u32 v16, v15  }
0x52: {  	v23 =	vld [tilespmem:$0x150];
	v15 =	vand.u32 $0x3FFE, v37;
	v16 =	vor.u32 v41, v17;
	v17 =	vand.u32 $0x1, v42  }
0x53: {  	v20 =	vand.u32 $0x3FFE, v48;
	v21 =	vor.u32 v25, v21;
	v22 =	vand.u32 $0x1, v22  }
0x54: {  	v25 =	vshrl.u32 v52, $0xD;
	v63 =	vand.u32 $0x1, v26;
	v26 =	vand.u32 $0x3FFE, v32  }
0x55: {  	v27 =	vor.u32 v31, v27;
	v15 =	vor.u32 v38, v15;
	v17 =	vor.u32 v17, v16  }
0x56: {  	v29 =	vld [tilespmem:$0x1B0];
	v16 =	vor.u32 v19, v18;
	v18 =	vand.u32 $0x3FFE, v45;
	v19 =	vor.u32 v49, v20  }
0x57: {  	v20 =	vand.u32 $0x1, v50;
	v53 =	vshll.u32 v23, $0x1;
	v54 =	vand.u32 $0xFFFFC000, v23  }
0x58: {  	v30 =	vld [tilespmem:$0x1C0];
	v23 =	vshrl.u32 v23, $0xD;
	v25 =	vand.u32 $0x1, v25;
	v15 =	vor.u32 v39, v15  }
0x59: {  	v36 =	vld [tilespmem:$0x1D0];
	v18 =	vor.u32 v46, v18;
	v20 =	vor.u32 v20, v19;
	v19 =	vor.u32 v22, v21  }
0x5a: {  	v21 =	vand.u32 $0x3FFE, v53;
	v55 =	vand.u32 $0x1, v23;
	v23 =	vand.u32 $0x3FFE, v56  }
0x5b: {  	v37 =	vshll.u32 v29, $0x1;
	v38 =	vand.u32 $0xFFFFC000, v29;
	v29 =	vshrl.u32 v29, $0xD  }
0x5c: {  	v18 =	vor.u32 v47, v18;
	v21 =	vor.u32 v54, v21;
	v22 =	vor.u32 v57, v23  }
0x5d: {  	v44 =	vld [tilespmem:$0x200];
	v23 =	vand.u32 $0x1, v58;
	v39 =	vand.u32 $0x1, v29;
	v40 =	vshll.u32 v30, $0x1  }
0x5e: {  	v35 =	vld [tilespmem:$0x210];
	v41 =	vand.u32 $0xFFFFC000, v30;
	v42 =	vshrl.u32 v30, $0xD;
	v43 =	vshll.u32 v36, $0x1  }
0x5f: {  	v60 =	vld [tilespmem:$0x260];
	v31 =	vshrl.u32 v36, $0xD;
	v21 =	vor.u32 v55, v21;
	v23 =	vor.u32 v23, v22  }
0x60: {  	v22 =	vor.u32 v25, v24;
	v24 =	vand.u32 $0x3FFE, v61;
	v25 =	vor.u32 v33, v26  }
0x61: {  	v32 =	vld [tilespmem:$0x1E0];
	v26 =	vand.u32 $0x1, v34;
	v29 =	vand.u32 $0x3FFE, v40;
	v34 =	vand.u32 $0xFFFFC000, v36  }
0x62: {  	v30 =	vand.u32 $0x3FFE, v43;
	v31 =	vand.u32 $0x1, v31;
	v51 =	vshll.u32 v44, $0x1  }
0x63: {  	v52 =	vld [tilespmem:$0x230];
	v53 =	vshll.u32 v35, $0x1;
	v54 =	vand.u32 $0xFFFFC000, v35;
	v35 =	vshrl.u32 v35, $0xD  }
0x64: {  	v43 =	vand.u32 $0xFFFFC000, v60;
	v24 =	vor.u32 v62, v24;
	v26 =	vor.u32 v26, v25  }
0x65: {  	v25 =	vor.u32 v28, v27;
	v27 =	vand.u32 $0x3FFE, v37;
	v28 =	vor.u32 v41, v29  }
0x66: {  	v29 =	vand.u32 $0x1, v42;
	v30 =	vor.u32 v34, v30;
	v45 =	vshll.u32 v32, $0x1  }
0x67: {  	v46 =	vand.u32 $0xFFFFC000, v32;
	v32 =	vshrl.u32 v32, $0xD;
	v37 =	vand.u32 $0xFFFFC000, v44  }
0x68: {  	v33 =	vld [tilespmem:$0x1F0];
	v34 =	vshrl.u32 v44, $0xD;
	v55 =	vand.u32 $0x1, v35;
	v59 =	vshll.u32 v52, $0x1  }
0x69: {  	v36 =	vld [tilespmem:$0x220];
	v40 =	vand.u32 $0xFFFFC000, v52;
	v24 =	vor.u32 v63, v24;
	v27 =	vor.u32 v38, v27  }
0x6a: {  	v29 =	vor.u32 v29, v28;
	v28 =	vor.u32 v31, v30;
	v30 =	vand.u32 $0x3FFE, v45  }
0x6b: {  	v47 =	vand.u32 $0x1, v32;
	v34 =	vand.u32 $0x1, v34;
	v30 =	vor.u32 v46, v30  }
0x6c: {  	v42 =	vld [tilespmem:$0x280];
	v27 =	vor.u32 v39, v27;
	v30 =	vor.u32 v47, v30;
	v47 =	vshll.u32 v60, $0x1  }
0x6d: {  	v48 =	vshll.u32 v33, $0x1;
	v49 =	vand.u32 $0xFFFFC000, v33;
	v50 =	vshrl.u32 v33, $0xD  }
0x6e: {  	v38 =	vld [tilespmem:$0x240];
	v33 =	vand.u32 $0x3FFE, v51;
	v56 =	vshll.u32 v36, $0x1;
	v57 =	vand.u32 $0xFFFFC000, v36  }
0x6f: {  	v41 =	vld [tilespmem:$0x270];
	v58 =	vshrl.u32 v36, $0xD;
	v36 =	vand.u32 $0x3FFE, v59;
	v32 =	vand.u32 $0x3FFE, v48  }
0x70: {  	v33 =	vor.u32 v37, v33;
	v35 =	vand.u32 $0x3FFE, v56;
	v37 =	vshrl.u32 v52, $0xD  }
0x71: {  	v36 =	vor.u32 v40, v36;
	v40 =	vshrl.u32 v60, $0xD;
	v52 =	vshll.u32 v42, $0x1  }
0x72: {  	v39 =	vld [tilespmem:$0x250];
	v31 =	vor.u32 v49, v32;
	v32 =	vand.u32 $0x1, v50;
	v37 =	vand.u32 $0x1, v37  }
0x73: {  	v61 =	vshll.u32 v38, $0x1;
	v62 =	vand.u32 $0xFFFFC000, v38;
	v38 =	vshrl.u32 v38, $0xD  }
0x74: {  	v40 =	vand.u32 $0x1, v40;
	v49 =	vshll.u32 v41, $0x1;
	v50 =	vand.u32 $0xFFFFC000, v41  }
0x75: {  	v41 =	vshrl.u32 v41, $0xD;
	v32 =	vor.u32 v32, v31;
	v31 =	vor.u32 v34, v33  }
0x76: {  	v33 =	vand.u32 $0x3FFE, v53;
	v34 =	vor.u32 v57, v35;
	v35 =	vand.u32 $0x1, v58  }
0x77: {  	[tilespmem:$0x690] =	vst v26;
	v26 =	vld [tilespmem:$0x400];
	v63 =	vand.u32 $0x1, v38;
	v44 =	vshll.u32 v39, $0x1;
	v45 =	vand.u32 $0xFFFFC000, v39  }
0x78: {  	v46 =	vshrl.u32 v39, $0xD;
	v39 =	vand.u32 $0x3FFE, v47;
	v51 =	vand.u32 $0x1, v41  }
0x79: {  	v53 =	vand.u32 $0xFFFFC000, v42;
	v41 =	vand.u32 $0x3FFE, v52;
	v33 =	vor.u32 v54, v33  }
0x7a: {  	v35 =	vor.u32 v35, v34;
	v34 =	vor.u32 v37, v36;
	v36 =	vand.u32 $0x3FFE, v61  }
0x7b: {  	[tilespmem:$0x6D0] =	vst v28;
	v48 =	vld [tilespmem:$0x290];
	v38 =	vand.u32 $0x3FFE, v44;
	v39 =	vor.u32 v43, v39;
	v54 =	vshrl.u32 v42, $0xD  }
0x7c: {  	v56 =	vld [tilespmem:$0x2C0];
	[tilespmem:$0x6F0] =	vst v32;
	v32 =	vshll.u32 v26, $0x1;
	v33 =	vor.u32 v55, v33;
	v36 =	vor.u32 v62, v36  }
0x7d: {  	v37 =	vor.u32 v45, v38;
	v38 =	vand.u32 $0x1, v46;
	[tilespmem:$0x730] =	vst v34;
	v34 =	vand.u32 $0xFFFFC000, v26  }
0x7e: {  	v28 =	vld [tilespmem:$0x410];
	[tilespmem:$0x720] =	vst v35;
	v35 =	vshrl.u32 v26, $0xD;
	v36 =	vor.u32 v63, v36;
	v38 =	vor.u32 v38, v37  }
0x7f: {  	v37 =	vor.u32 v40, v39;
	v39 =	vand.u32 $0x3FFE, v49;
	v40 =	vor.u32 v53, v41  }
0x80: {  	v47 =	vld [tilespmem:$0x2D0];
	v55 =	vshll.u32 v48, $0x1;
	v46 =	vand.u32 $0xFFFFC000, v48;
	v43 =	vshrl.u32 v48, $0xD  }
0x81: {  	v44 =	vld [tilespmem:$0x2A0];
	v41 =	vand.u32 $0x1, v54;
	v63 =	vshll.u32 v56, $0x1;
	v49 =	vand.u32 $0xFFFFC000, v56  }
0x82: {  	v39 =	vor.u32 v50, v39;
	v42 =	vand.u32 $0x3FFE, v55;
	v43 =	vand.u32 $0x1, v43;
	[tilespmem:$0x740] =	vst v36  }
0x83: {  	v45 =	vld [tilespmem:$0x2B0];
	v41 =	vor.u32 v41, v40;
	[tilespmem:$0x750] =	vst v38;
	v36 =	vshll.u32 v28, $0x1;
	v38 =	vand.u32 $0xFFFFC000, v28  }
0x84: {  	v39 =	vor.u32 v51, v39;
	v42 =	vor.u32 v46, v42;
	v46 =	vshrl.u32 v56, $0xD  }
0x85: {  	v52 =	vld [tilespmem:$0x2F0];
	v53 =	vshll.u32 v47, $0x1;
	v54 =	vand.u32 $0xFFFFC000, v47;
	v47 =	vshrl.u32 v47, $0xD  }
0x86: {  	v48 =	vld [tilespmem:$0x2E0];
	v40 =	vor.u32 v43, v42;
	v57 =	vshll.u32 v44, $0x1;
	v58 =	vand.u32 $0xFFFFC000, v44  }
0x87: {  	[tilespmem:$0x710] =	vst v33;
	v33 =	vld [tilespmem:$0x420];
	v44 =	vshrl.u32 v44, $0xD;
	v46 =	vand.u32 $0x1, v46;
	v55 =	vand.u32 $0x1, v47  }
0x88: {  	v42 =	vand.u32 $0x3FFE, v57;
	v59 =	vand.u32 $0x1, v44;
	v60 =	vshll.u32 v45, $0x1  }
0x89: {  	v61 =	vand.u32 $0xFFFFC000, v45;
	v62 =	vshrl.u32 v45, $0xD;
	v45 =	vand.u32 $0x3FFE, v63  }
0x8a: {  	v50 =	vld [tilespmem:$0x300];
	v42 =	vor.u32 v58, v42;
	v44 =	vand.u32 $0x3FFE, v60;
	v45 =	vor.u32 v49, v45  }
0x8b: {  	v56 =	vshll.u32 v48, $0x1;
	v57 =	vand.u32 $0xFFFFC000, v48;
	v60 =	vshll.u32 v52, $0x1  }
0x8c: {  	v51 =	vld [tilespmem:$0x320];
	[tilespmem:$0x780] =	vst v41;
	v49 =	vshrl.u32 v52, $0xD;
	v41 =	vshll.u32 v33, $0x1;
	v42 =	vor.u32 v59, v42  }
0x8d: {  	v43 =	vor.u32 v61, v44;
	v44 =	vand.u32 $0x1, v62;
	v47 =	vand.u32 $0x3FFE, v56  }
0x8e: {  	v59 =	vshrl.u32 v48, $0xD;
	v62 =	vand.u32 $0xFFFFC000, v52;
	v49 =	vand.u32 $0x1, v49  }
0x8f: {  	v52 =	vshll.u32 v50, $0x1;
	v44 =	vor.u32 v44, v43;
	v43 =	vor.u32 v46, v45  }
0x90: {  	[tilespmem:$0x510] =	vst v2;
	v26 =	vld [tilespmem:$0x4A0];
	v45 =	vand.u32 $0x3FFE, v53;
	v58 =	vor.u32 v57, v47;
	v47 =	vand.u32 $0x3FFE, v60  }
0x91: {  	[tilespmem:$0x520] =	vst v1;
	v63 =	vand.u32 $0x1, v59;
	v53 =	vand.u32 $0xFFFFC000, v50;
	v60 =	vshll.u32 v51, $0x1  }
0x92: {  	[tilespmem:$0x7A0] =	vst v42;
	v42 =	vand.u32 $0xFFFFC000, v33;
	v45 =	vor.u32 v54, v45;
	v2 =	vor.u32 v62, v47  }
0x93: {  	[tilespmem:$0x560] =	vst v6;
	v61 =	vld [tilespmem:$0x310];
	v1 =	vor.u32 v63, v58;
	v54 =	vshrl.u32 v50, $0xD;
	v62 =	vand.u32 $0xFFFFC000, v51  }
0x94: {  	v48 =	vld [tilespmem:$0x350];
	v6 =	vand.u32 $0x3FFE, v60;
	v63 =	vshrl.u32 v51, $0xD;
	[tilespmem:$0x7C0] =	vst v43;
	v43 =	vshrl.u32 v33, $0xD  }
0x95: {  	[tilespmem:$0x500] =	vst v0;
	v57 =	vld [tilespmem:$0x330];
	v33 =	vshll.u32 v26, $0x1;
	v45 =	vor.u32 v55, v45;
	v0 =	vor.u32 v49, v2  }
0x96: {  	v2 =	vand.u32 $0x3FFE, v52;
	v55 =	vand.u32 $0x1, v54;
	v6 =	vor.u32 v62, v6  }
0x97: {  	v47 =	vand.u32 $0x1, v63;
	v2 =	vor.u32 v53, v2;
	[tilespmem:$0x7D0] =	vst v45;
	v45 =	vand.u32 $0x1, v43  }
0x98: {  	[tilespmem:$0x540] =	vst v5;
	v56 =	vshll.u32 v61, $0x1;
	v2 =	vor.u32 v55, v2;
	v58 =	vand.u32 $0xFFFFC000, v61  }
0x99: {  	[tilespmem:$0x590] =	vst v9;
	v52 =	vld [tilespmem:$0x360];
	v59 =	vshrl.u32 v61, $0xD;
	v55 =	vshll.u32 v48, $0x1;
	v9 =	vshrl.u32 v48, $0xD  }
0x9a: {  	[tilespmem:$0x550] =	vst v4;
	v63 =	vld [tilespmem:$0x390];
	v4 =	vand.u32 $0x3FFE, v56;
	v49 =	vshll.u32 v57, $0x1;
	v50 =	vand.u32 $0xFFFFC000, v57  }
0x9b: {  	[tilespmem:$0x570] =	vst v8;
	v5 =	vshrl.u32 v57, $0xD;
	v57 =	vand.u32 $0xFFFFC000, v48;
	v8 =	vand.u32 $0x3FFE, v55  }
0x9c: {  	[tilespmem:$0x530] =	vst v3;
	v61 =	vld [tilespmem:$0x340];
	v9 =	vand.u32 $0x1, v9;
	v3 =	vor.u32 v58, v4;
	v4 =	vand.u32 $0x1, v59  }
0x9d: {  	v5 =	vand.u32 $0x1, v5;
	v8 =	vor.u32 v57, v8;
	v4 =	vor.u32 v4, v3  }
0x9e: {  	[tilespmem:$0x5B0] =	vst v10;
	v56 =	vld [tilespmem:$0x370];
	v3 =	vor.u32 v47, v6;
	v6 =	vand.u32 $0x3FFE, v49;
	v59 =	vshll.u32 v52, $0x1  }
0x9f: {  	[tilespmem:$0x650] =	vst v21;
	v21 =	vld [tilespmem:$0x3A0];
	v60 =	vand.u32 $0xFFFFC000, v52;
	v10 =	vshrl.u32 v52, $0xD;
	v48 =	vshll.u32 v63, $0x1  }
0xa0: {  	[tilespmem:$0x5E0] =	vst v13;
	v58 =	vld [tilespmem:$0x380];
	v49 =	vand.u32 $0xFFFFC000, v63;
	v13 =	vshrl.u32 v63, $0xD;
	v6 =	vor.u32 v50, v6  }
0xa1: {  	[tilespmem:$0x580] =	vst v7;
	v50 =	vand.u32 $0x1, v13;
	v51 =	vshll.u32 v61, $0x1;
	v5 =	vor.u32 v5, v6  }
0xa2: {  	[tilespmem:$0x620] =	vst v18;
	v53 =	vand.u32 $0xFFFFC000, v61;
	v54 =	vshrl.u32 v61, $0xD;
	v61 =	vand.u32 $0x1, v10  }
0xa3: {  	[tilespmem:$0x770] =	vst v39;
	v39 =	vld [tilespmem:$0x440];
	v7 =	vand.u32 $0x3FFE, v51;
	v62 =	vshll.u32 v56, $0x1;
	v18 =	vand.u32 $0xFFFFC000, v56  }
0xa4: {  	[tilespmem:$0x640] =	vst v19;
	v19 =	vshrl.u32 v56, $0xD;
	v51 =	vshll.u32 v21, $0x1;
	v6 =	vor.u32 v53, v7  }
0xa5: {  	[tilespmem:$0x630] =	vst v20;
	v47 =	vld [tilespmem:$0x3B0];
	v7 =	vand.u32 $0x1, v54;
	v10 =	vand.u32 $0x3FFE, v62;
	v20 =	vshll.u32 v58, $0x1  }
0xa6: {  	[tilespmem:$0x5C0] =	vst v12;
	v52 =	vld [tilespmem:$0x3C0];
	v46 =	vand.u32 $0xFFFFC000, v58;
	v12 =	vshrl.u32 v58, $0xD;
	v53 =	vand.u32 $0xFFFFC000, v21  }
0xa7: {  	[tilespmem:$0x5A0] =	vst v11;
	v63 =	vld [tilespmem:$0x3F0];
	v13 =	vand.u32 $0x3FFE, v51;
	v54 =	vshrl.u32 v21, $0xD;
	v21 =	vshrl.u32 v28, $0xD  }
0xa8: {  	[tilespmem:$0x610] =	vst v16;
	v51 =	vshll.u32 v39, $0x1;
	v7 =	vor.u32 v7, v6;
	v6 =	vor.u32 v9, v8  }
0xa9: {  	[tilespmem:$0x5F0] =	vst v15;
	v8 =	vand.u32 $0x3FFE, v59;
	v9 =	vor.u32 v18, v10;
	v11 =	vand.u32 $0x3FFE, v20  }
0xaa: {  	[tilespmem:$0x6C0] =	vst v29;
	v10 =	vand.u32 $0x1, v19;
	v12 =	vand.u32 $0x1, v12;
	v55 =	vshll.u32 v47, $0x1  }
0xab: {  	[tilespmem:$0x6E0] =	vst v30;
	v57 =	vand.u32 $0xFFFFC000, v47;
	v15 =	vshrl.u32 v47, $0xD;
	v59 =	vshll.u32 v52, $0x1  }
0xac: {  	[tilespmem:$0x760] =	vst v37;
	v37 =	vld [tilespmem:$0x430];
	v16 =	vshrl.u32 v52, $0xD;
	v29 =	vshll.u32 v63, $0x1;
	v30 =	vand.u32 $0xFFFFC000, v63  }
0xad: {  	v19 =	vshrl.u32 v63, $0xD;
	v20 =	vand.u32 $0x3FFE, v36;
	v21 =	vand.u32 $0x1, v21  }
0xae: {  	[tilespmem:$0x810] =	vst v4;
	v4 =	vand.u32 $0x3FFE, v51;
	v8 =	vor.u32 v60, v8;
	v11 =	vor.u32 v46, v11  }
0xaf: {  	[tilespmem:$0x5D0] =	vst v14;
	v10 =	vor.u32 v10, v9;
	v14 =	vand.u32 $0x3FFE, v55;
	v15 =	vand.u32 $0x1, v15  }
0xb0: {  	[tilespmem:$0x700] =	vst v31;
	v60 =	vand.u32 $0xFFFFC000, v52;
	v31 =	vand.u32 $0x1, v19;
	v19 =	vand.u32 $0x3FFE, v32  }
0xb1: {  	v20 =	vor.u32 v38, v20;
	v46 =	vshll.u32 v37, $0x1;
	v8 =	vor.u32 v61, v8  }
0xb2: {  	[tilespmem:$0x660] =	vst v23;
	v56 =	vld [tilespmem:$0x3D0];
	v9 =	vor.u32 v12, v11;
	v11 =	vand.u32 $0x3FFE, v48;
	v12 =	vor.u32 v53, v13  }
0xb3: {  	[tilespmem:$0x6A0] =	vst v25;
	v13 =	vand.u32 $0x1, v54;
	v14 =	vor.u32 v57, v14;
	v61 =	vand.u32 $0x1, v16  }
0xb4: {  	[tilespmem:$0x790] =	vst v40;
	v40 =	vor.u32 v21, v20;
	v20 =	vand.u32 $0x3FFE, v41;
	v48 =	vand.u32 $0xFFFFC000, v37  }
0xb5: {  	v53 =	vand.u32 $0xFFFFC000, v39;
	v54 =	vshrl.u32 v39, $0xD;
	[tilespmem:$0x870] =	vst v10;
	v10 =	vshrl.u32 v26, $0xD  }
0xb6: {  	[tilespmem:$0x680] =	vst v24;
	v58 =	vld [tilespmem:$0x3E0];
	v11 =	vor.u32 v49, v11;
	v12 =	vor.u32 v13, v12;
	v13 =	vor.u32 v15, v14  }
0xb7: {  	[tilespmem:$0x7B0] =	vst v44;
	v14 =	vand.u32 $0x3FFE, v59;
	v62 =	vshll.u32 v56, $0x1;
	v23 =	vand.u32 $0xFFFFC000, v56  }
0xb8: {  	[tilespmem:$0x820] =	vst v3;
	v24 =	vshrl.u32 v56, $0xD;
	v44 =	vor.u32 v42, v20;
	v49 =	vand.u32 $0x3FFE, v46  }
0xb9: {  	v3 =	vor.u32 v53, v4;
	v55 =	vand.u32 $0x1, v54;
	[tilespmem:$0x880] =	vst v9;
	v9 =	vand.u32 $0x3FFE, v33  }
0xba: {  	[tilespmem:$0x6B0] =	vst v27;
	v47 =	vld [tilespmem:$0x450];
	v10 =	vand.u32 $0x1, v10;
	v11 =	vor.u32 v50, v11;
	v14 =	vor.u32 v60, v14  }
0xbb: {  	[tilespmem:$0x7E0] =	vst v1;
	v63 =	vld [tilespmem:$0x480];
	v16 =	vand.u32 $0x3FFE, v62;
	v25 =	vshll.u32 v58, $0x1;
	v27 =	vand.u32 $0xFFFFC000, v58  }
0xbc: {  	[tilespmem:$0x7F0] =	vst v0;
	v36 =	vld [tilespmem:$0x4D0];
	v18 =	vshrl.u32 v58, $0xD;
	v0 =	vor.u32 v45, v44;
	v1 =	vor.u32 v48, v49  }
0xbd: {  	v50 =	vshrl.u32 v37, $0xD;
	v57 =	vor.u32 v55, v3;
	v14 =	vor.u32 v61, v14  }
0xbe: {  	[tilespmem:$0x600] =	vst v17;
	v15 =	vor.u32 v23, v16;
	v17 =	vand.u32 $0x3FFE, v25;
	v16 =	vand.u32 $0x1, v24  }
0xbf: {  	[tilespmem:$0x800] =	vst v2;
	v52 =	vld [tilespmem:$0x460];
	v18 =	vand.u32 $0x1, v18;
	v2 =	vand.u32 $0x1, v50;
	v58 =	vshll.u32 v47, $0x1  }
0xc0: {  	v59 =	vand.u32 $0xFFFFC000, v47;
	v60 =	vshrl.u32 v47, $0xD;
	v28 =	vand.u32 $0xFFFFC000, v63  }
0xc1: {  	[tilespmem:$0x840] =	vst v7;
	v7 =	vshrl.u32 v63, $0xD;
	v48 =	vshll.u32 v36, $0x1;
	v50 =	vand.u32 $0xFFFFC000, v36  }
0xc2: {  	[tilespmem:$0x670] =	vst v22;
	v51 =	vshrl.u32 v36, $0xD;
	v17 =	vor.u32 v27, v17;
	v15 =	vor.u32 v16, v15  }
0xc3: {  	[tilespmem:$0x830] =	vst v5;
	v1 =	vor.u32 v2, v1;
	v3 =	vand.u32 $0x3FFE, v58;
	v61 =	vand.u32 $0x1, v60  }
0xc4: {  	[tilespmem:$0x850] =	vst v6;
	v56 =	vld [tilespmem:$0x470];
	v62 =	vshll.u32 v52, $0x1;
	v21 =	vand.u32 $0xFFFFC000, v52;
	v22 =	vshrl.u32 v52, $0xD  }
0xc5: {  	[tilespmem:$0x860] =	vst v8;
	v27 =	vshll.u32 v63, $0x1;
	v7 =	vand.u32 $0x1, v7;
	v52 =	vand.u32 $0x1, v51  }
0xc6: {  	[tilespmem:$0x910] =	vst v40;
	v16 =	vor.u32 v18, v17;
	v17 =	vand.u32 $0x3FFE, v29;
	v18 =	vor.u32 v34, v19  }
0xc7: {  	[tilespmem:$0x8A0] =	vst v12;
	v19 =	vand.u32 $0x1, v35;
	v3 =	vor.u32 v59, v3;
	v6 =	vand.u32 $0x3FFE, v62  }
0xc8: {  	[tilespmem:$0x8B0] =	vst v13;
	v44 =	vld [tilespmem:$0x4E0];
	v35 =	vand.u32 $0xFFFFC000, v26;
	v17 =	vor.u32 v30, v17;
	v18 =	vor.u32 v19, v18  }
0xc9: {  	v49 =	vld [tilespmem:$0x4F0];
	[tilespmem:$0x890] =	vst v11;
	v3 =	vor.u32 v61, v3;
	v4 =	vor.u32 v21, v6;
	v23 =	vshll.u32 v56, $0x1  }
0xca: {  	[tilespmem:$0x920] =	vst v0;
	v25 =	vand.u32 $0xFFFFC000, v56;
	v5 =	vshrl.u32 v56, $0xD;
	v6 =	vand.u32 $0x1, v22  }
0xcb: {  	v24 =	vld [tilespmem:$0x490];
	[tilespmem:$0x940] =	vst v57;
	v9 =	vor.u32 v35, v9;
	v17 =	vor.u32 v31, v17;
	v8 =	vand.u32 $0x3FFE, v23  }
0xcc: {  	[tilespmem:$0x8C0] =	vst v14;
	v5 =	vand.u32 $0x1, v5;
	v4 =	vor.u32 v6, v4;
	v6 =	vand.u32 $0x3FFE, v27  }
0xcd: {  	[tilespmem:$0x8D0] =	vst v15;
	v38 =	vor.u32 v10, v9;
	v55 =	vshll.u32 v44, $0x1;
	v56 =	vand.u32 $0xFFFFC000, v44  }
0xce: {  	v34 =	vld [tilespmem:$0x4C0];
	[tilespmem:$0x930] =	vst v1;
	v57 =	vshrl.u32 v44, $0xD;
	v60 =	vshll.u32 v49, $0x1;
	v61 =	vand.u32 $0xFFFFC000, v49  }
0xcf: {  	[tilespmem:$0x8E0] =	vst v16;
	v62 =	vshrl.u32 v49, $0xD;
	v8 =	vor.u32 v25, v8;
	v6 =	vor.u32 v28, v6  }
0xd0: {  	v30 =	vld [tilespmem:$0x4B0];
	[tilespmem:$0x900] =	vst v18;
	v29 =	vshll.u32 v24, $0x1;
	v31 =	vand.u32 $0xFFFFC000, v24;
	v32 =	vshrl.u32 v24, $0xD  }
0xd1: {  	[tilespmem:$0x960] =	vst v4;
	v4 =	vand.u32 $0x3FFE, v48;
	v63 =	vand.u32 $0x1, v62;
	v5 =	vor.u32 v5, v8  }
0xd2: {  	[tilespmem:$0x950] =	vst v3;
	v6 =	vor.u32 v7, v6;
	v8 =	vand.u32 $0x3FFE, v29;
	v4 =	vor.u32 v50, v4  }
0xd3: {  	[tilespmem:$0x8F0] =	vst v17;
	v7 =	vor.u32 v31, v8;
	v8 =	vand.u32 $0x1, v32;
	v43 =	vshll.u32 v34, $0x1  }
0xd4: {  	[tilespmem:$0x9A0] =	vst v38;
	v45 =	vand.u32 $0xFFFFC000, v34;
	v47 =	vshrl.u32 v34, $0xD;
	v54 =	vor.u32 v52, v4  }
0xd5: {  	[tilespmem:$0x970] =	vst v5;
	v4 =	vand.u32 $0x3FFE, v60;
	v37 =	vor.u32 v8, v7;
	v39 =	vshll.u32 v30, $0x1  }
0xd6: {  	[tilespmem:$0x980] =	vst v6;
	v40 =	vand.u32 $0xFFFFC000, v30;
	v41 =	vshrl.u32 v30, $0xD;
	v46 =	vand.u32 $0x3FFE, v43  }
0xd7: {  	v3 =	vand.u32 $0x1, v47;
	[tilespmem:$0x9D0] =	vst v54;
	v0 =	vor.u32 v61, v4;
	v8 =	vand.u32 $0x3FFE, v39  }
0xd8: {  	v42 =	vand.u32 $0x1, v41;
	v2 =	vor.u32 v45, v46;
	[tilespmem:$0x990] =	vst v37;
	v0 =	vor.u32 v63, v0  }
0xd9: {  	v1 =	vor.u32 v40, v8;
	v53 =	vor.u32 v3, v2;
	v3 =	vand.u32 $0x3FFE, v55;
	[tilespmem:$0x9F0] =	vst v0  }
0xda: {  	v59 =	vand.u32 $0x1, v57;
	v1 =	vor.u32 v42, v1;
	v58 =	vor.u32 v56, v3;
	[tilespmem:$0x9C0] =	vst v53  }
0xdb: {  	[tilespmem:$0x9B0] =	vst v1;
	v1 =	vor.u32 v59, v58  }
0xdc: {  	[tilespmem:$0x9E0] =	vst v1  }
0xdd: {  	[tilespmem:s9], [sflag:$0x1] =	stream.indirect.gather [hbm4b:s3+s7], $0x40, s8, s7, $0xb8;
	[tilespmem:$0x14A00] =	vst v63  }
0xde: {  	_ = 	snop  }
0xdf: {  	[tilespmem:s11], [sflag:$0x1] =	stream.indirect.gather [hbm4b:s3+s7], $0x40, s10, s7, $0xb8;
	[tilespmem:$0x14A00] =	vst v63  }
0xe0: {  	_ = 	snop  }
0xe1: {  	[tilespmem:s13], [sflag:$0x1] =	stream.indirect.gather [hbm4b:s3+s7], $0x40, s12, s7, $0xb8;
	[tilespmem:$0x14A00] =	vst v63  }
0xe2: {  	_ = 	snop  }
0xe3: {  	[tilespmem:s15], [sflag:$0x1] =	stream.indirect.gather [hbm4b:s3+s7], $0x40, s14, s7, $0xb8;
	[tilespmem:$0x14A00] =	vst v63  }
0xe4: {  	_ = 	snop  }
0xe5: {  	[tilespmem:s17], [sflag:$0x1] =	stream.indirect.gather [hbm4b:s3+s7], $0x40, s16, s7, $0xb8;
	[tilespmem:$0x14A00] =	vst v63  }
0xe6: {  	_ = 	snop  }
0xe7: {  	[tilespmem:s19], [sflag:$0x1] =	stream.indirect.gather [hbm4b:s3+s7], $0x40, s18, s7, $0xb8;
	[tilespmem:$0x14A00] =	vst v63  }
0xe8: {  	_ = 	snop  }
0xe9: {  	[tilespmem:s21], [sflag:$0x1] =	stream.indirect.gather [hbm4b:s3+s7], $0x40, s20, s7, $0xb8;
	[tilespmem:$0x14A00] =	vst v63  }
0xea: {  	_ = 	snop  }
0xeb: {  	[tilespmem:s23], [sflag:$0x1] =	stream.indirect.gather [hbm4b:s3+s7], $0x40, s22, s7, $0xb8;
	[tilespmem:$0x14A00] =	vst v63  }
0xec: {  	_ = 	snop  }
0xed: {  	[tilespmem:s25], [sflag:$0x1] =	stream.indirect.gather [hbm4b:s3+s7], $0x40, s24, s7, $0xb8;
	[tilespmem:$0x14A00] =	vst v63  }
0xee: {  	_ = 	snop  }
0xef: {  	[tilespmem:s28], [sflag:$0x1] =	stream.indirect.gather [hbm4b:s3+s7], $0x40, s26, s7, $0xb8;
	[tilespmem:$0x14A00] =	vst v63  }
0xf0: {  	_ =	swait.ge [sflag:s29], $0x2000  }
0xf1: {  	[sflag:s29] =	ssyncset.done $0x0  }
0xf2: {  	[sflag:s29] =	ssyncadd.s32 $0xFFFFE000  }
0xf3: {  	_ =	swait.ge [sflag:s29], $0x2000  }
0xf4: {  	[sflag:s29] =	ssyncset.done $0x0  }
0xf5: {  	[sflag:s29] =	ssyncadd.s32 $0xFFFFE000  }
0xf6: {  	_ =	swait.ge [sflag:s29], $0x2000  }
0xf7: {  	[sflag:s29] =	ssyncset.done $0x0  }
0xf8: {  	[sflag:s29] =	ssyncadd.s32 $0xFFFFE000  }
0xf9: {  	_ =	swait.ge [sflag:s29], $0x2000  }
0xfa: {  	[sflag:s29] =	ssyncset.done $0x0  }
0xfb: {  	[sflag:s29] =	ssyncadd.s32 $0xFFFFE000  }
0xfc: {  	_ =	swait.ge [sflag:s29], $0x2000  }
0xfd: {  	[sflag:s29] =	ssyncset.done $0x0  }
0xfe: {  	[sflag:s29] =	ssyncadd.s32 $0xFFFFE000  }
0xff: {  	_ =	swait.ge [sflag:s29], $0x2000  }
0x100: {  	[sflag:s29] =	ssyncset.done $0x0  }
0x101: {  	[sflag:s29] =	ssyncadd.s32 $0xFFFFE000  }
0x102: {  	_ =	swait.ge [sflag:s29], $0x2000  }
0x103: {  	[sflag:s29] =	ssyncset.done $0x0  }
0x104: {  	[sflag:s29] =	ssyncadd.s32 $0xFFFFE000  }
0x105: {  	_ =	swait.ge [sflag:s29], $0x2000  }
0x106: {  	[sflag:s29] =	ssyncset.done $0x0  }
0x107: {  	[sflag:s29] =	ssyncadd.s32 $0xFFFFE000  }
0x108: {  	_ =	swait.ge [sflag:s29], $0x2000  }
0x109: {  	[sflag:s29] =	ssyncset.done $0x0  }
0x10a: {  	[sflag:s29] =	ssyncadd.s32 $0xFFFFE000  }
0x10b: {  	_ =	swait.ge [sflag:s29], $0x2000  }
0x10c: {  	p0 =	sne.s32 s1, $0x280;
	[sflag:s29] =	ssyncset.done $0x0  }
.Ltmp0:
0x10d: {  	[sflag:s29] =	ssyncadd.s32 $0xFFFFE000;
	(pc) =	sbr.rel @p0 .LBB2_2-.Ltmp0, $4  }
0x10e: {  	[hbm4b:s31+s2] =	stream.linear.scatter [tilespmem:s9], [sflag:$0x2], $0x14000, $0x38;
	[tilespmem:$0x14A00] =	vst v63  }
0x10f: {  	_ =	swait.ge [sflag:s6], $0x14000  }
0x110: {  	[sflag:s6] =	ssyncset.done $0x0  }
0x111: {  	s1 =	sadd.s32 $0xA0, s1;
	s31 =	sadd.s32 $0x2800, s31;
	[sflag:s6] =	ssyncadd.s32 $0xFFFEC000  }
0x112: {  	s30 =	sadd.s32 $0x1, s30  }
0x113: {  	p0 =	sne.s32 s30, s4  }
.Ltmp1:
0x114: {  	_ = 	snop;
	(pc) =	sbr.rel @p0 .LBB2_1-.Ltmp1, $1  }
0x115: {  	_ =	sdelay $0x3  }
0x116: {  	_ =	sfence.sel $0x180000  }
0x117: {  	[bflag:$0x0] =	sbarrier.arrive $0xFFFF  }
0x118: {  	_ =	strace $0x90000047  }
0x119: {  	s0 =	stileid.u32;
	[bflag:$0x2] =	sbarrier.arrive $0xFFFF  }
0x11a: {  	p0 =	sne.s32 s0, $0x0;
	s0 =	rddreg [dreg:$0x1]  }
0x11b: {  	s0 =	sadd.s32 @!p0 $0x100000, s0  }
0x11c: {  	[sflag:s0] =	ssyncadd.tile.s32 @!p0 $0x1;
	_ =	shalt  }
.Lfunc_end2:
_tile_overlayer_lowered:
.L_overlay_start_2:
0x11d: {  	(tag) =	ssettag $0x2  }
0x11e: {  	s0 =	rddreg [dreg:$0x0];
	s2 =	stileid.u32  }
0x11f: {  	s1 =	rddreg [dreg:$0x1];
	p0 =	sne.s32 s2, $0x0  }
0x120: {  	s3 =	rddreg [dreg:$0x2];
	[bflag:$0x3] =	sbarrier.arrive $0xFFFF;
	s2 =	simm.s32 @!p0 $0x1C02  }
0x121: {  	[timem:s3], [sflag:s2] =	dma.local @!p0 [hbm:s0], s1  }
0x122: {  	s0 =	simm.s32 @!p0 $0x2  }
0x123: {  	_ =	swait.ge @!p0 [sflag:s0], s1  }
0x124: {  	s1 =	ssub.s32 @!p0 $0x0, s1;
	[sflag:s0] =	ssyncset.done @!p0 $0x0  }
0x125: {  	[sflag:s0] =	ssyncadd.s32 @!p0 s1  }
0x126: {  	[bflag:$0x3] =	sbarrier.arrive $0xFFFF  }
0x127: {  	_ =	shalt  }

</sc_bundles>
